<compile_context>
chip_gen: v7x
topology: tpu7x:2x2x1
jax: 0.10.2.dev20260603
libtpu: 0.0.44.dev20260713+nightly
codegen_flags: <defaults>
</compile_context>

<pallas_src>
import functools

import jax
import jax.numpy as jnp
from jax import lax
from jax.experimental import pallas as pl
from jax.experimental.pallas import tpu as pltpu
from jax.experimental.pallas import tpu_sc as plsc

NUM_REL = 256
ES = 32
D = ES * ES

NC = 2
NS = 16
NW = NC * NS

RPC = 1
NBUF = 5


def _sc_embedding_lookup(table, idx, B_batch, N):
    assert idx.shape == (B_batch, N)
    assert B_batch % (NW * RPC) == 0
    rows_w = B_batch // NW
    n_chunks = rows_w // RPC

    mesh = plsc.VectorSubcoreMesh(
        core_axis_name="c", subcore_axis_name="s", num_cores=NC, num_subcores=NS
    )

    @functools.partial(
        pl.kernel,
        out_type=jax.ShapeDtypeStruct((B_batch, N, 1, D), jnp.float32),
        mesh=mesh,
        compiler_params=pltpu.CompilerParams(use_tc_tiling_on_sc=False),
        scratch_types=[
            pltpu.VMEM((rows_w, N), jnp.int32),
            pltpu.VMEM_SHARED((NUM_REL, D), jnp.float32),
        ]
        + [pltpu.VMEM((RPC, N, D), jnp.float32)] * NBUF
        + [pltpu.SemaphoreType.DMA] * NBUF
        + [pltpu.SemaphoreType.DMA] * NBUF,
    )
    def run(table_hbm, idx_hbm, out_hbm, idx_v, table_sp, *rest):
        bufs = rest[:NBUF]
        gsems = rest[NBUF : 2 * NBUF]
        ssems = rest[2 * NBUF :]

        wid = lax.axis_index("s") * NC + lax.axis_index("c")
        bbase = wid * rows_w
        sid = lax.axis_index("s")
        tchunk = NUM_REL // NS
        tcp = pltpu.async_copy(
            table_hbm.at[pl.ds(sid * tchunk, tchunk)],
            table_sp.at[pl.ds(sid * tchunk, tchunk)],
            gsems[0],
        )
        icp = pltpu.async_copy(idx_hbm.at[pl.ds(bbase, rows_w)], idx_v, gsems[1])
        tcp.wait()
        icp.wait()
        plsc.subcore_barrier()

        def gather(i):
            b = i % NBUF
            return [
                pltpu.async_copy(
                    table_sp.at[idx_v.at[i * RPC + j]], bufs[b].at[j], gsems[b]
                )
                for j in range(RPC)
            ]

        def scatter(i):
            b = i % NBUF
            return pltpu.async_copy(
                bufs[b], out_hbm.at[pl.ds(bbase + i * RPC, RPC), :, 0], ssems[b]
            )

        LEAD = 2
        gat = [None] * n_chunks
        scat = [None] * n_chunks
        for i in range(min(LEAD, n_chunks)):
            gat[i] = gather(i)
        for i in range(n_chunks):
            nxt = i + LEAD
            if nxt < n_chunks:
                if nxt - NBUF >= 0:
                    scat[nxt - NBUF].wait()
                gat[nxt] = gather(nxt)
            for cp in gat[i]:
                cp.wait()
            scat[i] = scatter(i)
        for i in range(max(0, n_chunks - NBUF), n_chunks):
            scat[i].wait()

    return run(table, idx)


def kernel(triples, norm_vector_weight):
    B_batch, N, _ = triples.shape
    idx = triples.astype(jnp.int32).reshape(B_batch, N)
    return _sc_embedding_lookup(norm_vector_weight, idx, B_batch, N)

# --- scband reference (transcript-rebuilt; emitter-appended) ---
"""Pipeline reference for scband-r-embedding-29678224015514 (READ-ONLY COPY).

The authoritative reference and input builder live on the scoring server;
editing this copy changes nothing except your own understanding.
"""

import jax, jax.numpy as jnp
import numpy as np

NUM_REL = 256
ES = 32
B = 1024
N = 20

def setup_inputs(seed: int = 0) -> dict:
    key = jax.random.key(seed)
    # relation ids per (batch, item) position, mirroring rel2id lookup result
    triples = jax.random.randint(jax.random.fold_in(key, 0), (B, N, 1), 0, NUM_REL)
    # norm_vector.weight initialized to flattened identity for every relation,
    # exactly as in the torch __init__
    identity = jnp.eye(ES, dtype=jnp.float32).reshape(ES * ES)
    norm_vector_weight = jnp.tile(identity[None, :], (NUM_REL, 1))
    return {"triples": triples, "norm_vector_weight": norm_vector_weight}

def reference(triples, norm_vector_weight):
    # forward: rel_emb = norm_vector(rel_indices) -> shape [B, N, 1, ES*ES]
    return jnp.take(norm_vector_weight, triples, axis=0)

if __name__ == "__main__":
    import jax
    _d = setup_inputs()
    print(jax.jit(kernel)(*tuple(_d.values())))

</pallas_src>

<mosaic_0001>
#map = affine_map<(d0, d1) -> (0, 0)>
#map1 = affine_map<(d0, d1) -> (0, 0, 0, 0)>
module attributes {stable_mosaic.version = 14 : i64} {
  func.func @run(%arg0: i32, %arg1: i32, %arg2: memref<256x1024xf32, #tpu.memory_space<hbm>>, %arg3: memref<1024x20xi32, #tpu.memory_space<hbm>>, %arg4: memref<1024x20x1x1024xf32, #tpu.memory_space<hbm>>, %arg5: memref<32x20xi32, #tpu.memory_space<vmem>>, %arg6: memref<256x1024xf32, #tpu.memory_space<vmem_shared>>, %arg7: memref<1x20x1024xf32, #tpu.memory_space<vmem>>, %arg8: memref<1x20x1024xf32, #tpu.memory_space<vmem>>, %arg9: memref<1x20x1024xf32, #tpu.memory_space<vmem>>, %arg10: memref<1x20x1024xf32, #tpu.memory_space<vmem>>, %arg11: memref<1x20x1024xf32, #tpu.memory_space<vmem>>, %arg12: memref<!tpu.dma_semaphore, #tpu.memory_space<semaphore_mem>>, %arg13: memref<!tpu.dma_semaphore, #tpu.memory_space<semaphore_mem>>, %arg14: memref<!tpu.dma_semaphore, #tpu.memory_space<semaphore_mem>>, %arg15: memref<!tpu.dma_semaphore, #tpu.memory_space<semaphore_mem>>, %arg16: memref<!tpu.dma_semaphore, #tpu.memory_space<semaphore_mem>>, %arg17: memref<!tpu.dma_semaphore, #tpu.memory_space<semaphore_mem>>, %arg18: memref<!tpu.dma_semaphore, #tpu.memory_space<semaphore_mem>>, %arg19: memref<!tpu.dma_semaphore, #tpu.memory_space<semaphore_mem>>, %arg20: memref<!tpu.dma_semaphore, #tpu.memory_space<semaphore_mem>>, %arg21: memref<!tpu.dma_semaphore, #tpu.memory_space<semaphore_mem>>) attributes {dimension_semantics = [#tpu.dimension_semantics<core_parallel>, #tpu.dimension_semantics<subcore_parallel>], iteration_bounds = array<i64: 2, 16>, scalar_prefetch = 0 : i64, scratch_operands = 17 : i64, tpu.core_type = #tpu.core_type<sc_vector_subcore>, window_params = [{transform_indices = #map}, {transform_indices = #map}, {transform_indices = #map1}]} {
    %mul3A = arith.constant 2 : i32
    %mul3A_0 = arith.muli %arg1, %mul3A : i32
    %add3A = arith.addi %mul3A_0, %arg0 : i32
    %mul3A_1 = arith.constant 32 : i32
    %mul3A_2 = arith.muli %add3A, %mul3A_1 : i32
    %mul3A_3 = arith.constant 16 : i32
    %mul3A_4 = arith.muli %arg1, %mul3A_3 : i32
    %mul3A_5 = arith.constant 16 : i32
    %mul3A_6 = arith.muli %arg1, %mul3A_5 : i32
    %dma_start3A = arith.constant 0 : i32
    %dma_start3A_7 = tpu.memref_slice %arg6[%mul3A_6, %dma_start3A] : memref<256x1024xf32, #tpu.memory_space<vmem_shared>> -> memref<16x1024xf32, #tpu.memory_space<vmem_shared>>
    %dma_start3A_8 = arith.constant 0 : i32
    %dma_start3A_9 = tpu.memref_slice %arg2[%mul3A_4, %dma_start3A_8] : memref<256x1024xf32, #tpu.memory_space<hbm>> -> memref<16x1024xf32, #tpu.memory_space<hbm>>
    tpu.enqueue_dma source(%dma_start3A_9 : memref<16x1024xf32, #tpu.memory_space<hbm>>) target(%dma_start3A_7 : memref<16x1024xf32, #tpu.memory_space<vmem_shared>>) target_semaphore(%arg12 : memref<!tpu.dma_semaphore, #tpu.memory_space<semaphore_mem>>)
    %dma_start3A_10 = arith.constant 0 : i32
    %dma_start3A_11 = tpu.memref_slice %arg3[%mul3A_2, %dma_start3A_10] : memref<1024x20xi32, #tpu.memory_space<hbm>> -> memref<32x20xi32, #tpu.memory_space<hbm>>
    %dma_start3A_12 = arith.constant 0 : i32
    %dma_start3A_13 = tpu.memref_slice %arg3[%mul3A_2, %dma_start3A_12] : memref<1024x20xi32, #tpu.memory_space<hbm>> -> memref<32x20xi32, #tpu.memory_space<hbm>>
    tpu.enqueue_dma source(%dma_start3A_13 : memref<32x20xi32, #tpu.memory_space<hbm>>) target(%arg5 : memref<32x20xi32, #tpu.memory_space<vmem>>) target_semaphore(%arg13 : memref<!tpu.dma_semaphore, #tpu.memory_space<semaphore_mem>>)
    %dma_wait3A = arith.constant 0 : i32
    %dma_wait3A_14 = tpu.memref_slice %arg6[%mul3A_6, %dma_wait3A] : memref<256x1024xf32, #tpu.memory_space<vmem_shared>> -> memref<16x1024xf32, #tpu.memory_space<vmem_shared>>
    %dma_wait3A_15 = arith.constant 0 : i32
    %dma_wait3A_16 = tpu.memref_slice %arg2[%mul3A_4, %dma_wait3A_15] : memref<256x1024xf32, #tpu.memory_space<hbm>> -> memref<16x1024xf32, #tpu.memory_space<hbm>>
    tpu.wait_dma2 semaphore(%arg12 : memref<!tpu.dma_semaphore, #tpu.memory_space<semaphore_mem>>) src(%dma_wait3A_16 : memref<16x1024xf32, #tpu.memory_space<hbm>>) dst(%dma_wait3A_14 : memref<16x1024xf32, #tpu.memory_space<vmem_shared>>)
    %dma_wait3A_17 = arith.constant 0 : i32
    %dma_wait3A_18 = tpu.memref_slice %arg3[%mul3A_2, %dma_wait3A_17] : memref<1024x20xi32, #tpu.memory_space<hbm>> -> memref<32x20xi32, #tpu.memory_space<hbm>>
    %dma_wait3A_19 = arith.constant 0 : i32
    %dma_wait3A_20 = tpu.memref_slice %arg3[%mul3A_2, %dma_wait3A_19] : memref<1024x20xi32, #tpu.memory_space<hbm>> -> memref<32x20xi32, #tpu.memory_space<hbm>>
    tpu.wait_dma2 semaphore(%arg13 : memref<!tpu.dma_semaphore, #tpu.memory_space<semaphore_mem>>) src(%dma_wait3A_20 : memref<32x20xi32, #tpu.memory_space<hbm>>) dst(%arg5 : memref<32x20xi32, #tpu.memory_space<vmem>>)
    %barrier3A = arith.constant 0 : index
    tpu.barrier barrier_id(%barrier3A)
    %dma_start3A_21 = arith.constant 0 : i32
    %dma_start3A_22 = arith.constant 0 : i32
    %dma_start3A_23 = arith.constant 0 : i32
    %dma_start3A_24 = arith.constant 0 : i32
    %dma_start3A_25 = tpu.memref_slice %arg7[%dma_start3A_22, %dma_start3A_23, %dma_start3A_24] : memref<1x20x1024xf32, #tpu.memory_space<vmem>> -> memref<1x20x1024xf32, #tpu.memory_space<vmem>>
    %dma_start3A_26 = tpu.memref_squeeze %dma_start3A_25 : memref<1x20x1024xf32, #tpu.memory_space<vmem>> -> memref<20x1024xf32, #tpu.memory_space<vmem>>
    %dma_start3A_27 = arith.constant 0 : i32
    %dma_start3A_28 = tpu.memref_slice %arg5[%dma_start3A_21, %dma_start3A_27] : memref<32x20xi32, #tpu.memory_space<vmem>> -> memref<1x20xi32, #tpu.memory_space<vmem>>
    %dma_start3A_29 = tpu.memref_squeeze %dma_start3A_28 : memref<1x20xi32, #tpu.memory_space<vmem>> -> memref<20xi32, #tpu.memory_space<vmem>>
    %dma_start3A_30 = arith.constant 0 : i32
    %dma_start3A_31 = arith.constant 0 : i32
    %dma_start3A_32 = tpu.memref_slice %arg6[%dma_start3A_30, %dma_start3A_31] : memref<256x1024xf32, #tpu.memory_space<vmem_shared>> -> memref<256x1024xf32, #tpu.memory_space<vmem_shared>>
    tpu.enqueue_indirect_dma source(%dma_start3A_32 : memref<256x1024xf32, #tpu.memory_space<vmem_shared>>) target(%dma_start3A_26 : memref<20x1024xf32, #tpu.memory_space<vmem>>) offsets(%dma_start3A_29 : memref<20xi32, #tpu.memory_space<vmem>>) semaphore(%arg12 : memref<!tpu.dma_semaphore, #tpu.memory_space<semaphore_mem>>)
    %dma_start3A_33 = arith.constant 1 : i32
    %dma_start3A_34 = arith.constant 0 : i32
    %dma_start3A_35 = arith.constant 0 : i32
    %dma_start3A_36 = arith.constant 0 : i32
    %dma_start3A_37 = tpu.memref_slice %arg8[%dma_start3A_34, %dma_start3A_35, %dma_start3A_36] : memref<1x20x1024xf32, #tpu.memory_space<vmem>> -> memref<1x20x1024xf32, #tpu.memory_space<vmem>>
    %dma_start3A_38 = tpu.memref_squeeze %dma_start3A_37 : memref<1x20x1024xf32, #tpu.memory_space<vmem>> -> memref<20x1024xf32, #tpu.memory_space<vmem>>
    %dma_start3A_39 = arith.constant 0 : i32
    %dma_start3A_40 = tpu.memref_slice %arg5[%dma_start3A_33, %dma_start3A_39] : memref<32x20xi32, #tpu.memory_space<vmem>> -> memref<1x20xi32, #tpu.memory_space<vmem>>
    %dma_start3A_41 = tpu.memref_squeeze %dma_start3A_40 : memref<1x20xi32, #tpu.memory_space<vmem>> -> memref<20xi32, #tpu.memory_space<vmem>>
    %dma_start3A_42 = arith.constant 0 : i32
    %dma_start3A_43 = arith.constant 0 : i32
    %dma_start3A_44 = tpu.memref_slice %arg6[%dma_start3A_42, %dma_start3A_43] : memref<256x1024xf32, #tpu.memory_space<vmem_shared>> -> memref<256x1024xf32, #tpu.memory_space<vmem_shared>>
    tpu.enqueue_indirect_dma source(%dma_start3A_44 : memref<256x1024xf32, #tpu.memory_space<vmem_shared>>) target(%dma_start3A_38 : memref<20x1024xf32, #tpu.memory_space<vmem>>) offsets(%dma_start3A_41 : memref<20xi32, #tpu.memory_space<vmem>>) semaphore(%arg13 : memref<!tpu.dma_semaphore, #tpu.memory_space<semaphore_mem>>)
    %dma_start3A_45 = arith.constant 2 : i32
    %dma_start3A_46 = arith.constant 0 : i32
    %dma_start3A_47 = arith.constant 0 : i32
    %dma_start3A_48 = arith.constant 0 : i32
    %dma_start3A_49 = tpu.memref_slice %arg9[%dma_start3A_46, %dma_start3A_47, %dma_start3A_48] : memref<1x20x1024xf32, #tpu.memory_space<vmem>> -> memref<1x20x1024xf32, #tpu.memory_space<vmem>>
    %dma_start3A_50 = tpu.memref_squeeze %dma_start3A_49 : memref<1x20x1024xf32, #tpu.memory_space<vmem>> -> memref<20x1024xf32, #tpu.memory_space<vmem>>
    %dma_start3A_51 = arith.constant 0 : i32
    %dma_start3A_52 = tpu.memref_slice %arg5[%dma_start3A_45, %dma_start3A_51] : memref<32x20xi32, #tpu.memory_space<vmem>> -> memref<1x20xi32, #tpu.memory_space<vmem>>
    %dma_start3A_53 = tpu.memref_squeeze %dma_start3A_52 : memref<1x20xi32, #tpu.memory_space<vmem>> -> memref<20xi32, #tpu.memory_space<vmem>>
    %dma_start3A_54 = arith.constant 0 : i32
    %dma_start3A_55 = arith.constant 0 : i32
    %dma_start3A_56 = tpu.memref_slice %arg6[%dma_start3A_54, %dma_start3A_55] : memref<256x1024xf32, #tpu.memory_space<vmem_shared>> -> memref<256x1024xf32, #tpu.memory_space<vmem_shared>>
    tpu.enqueue_indirect_dma source(%dma_start3A_56 : memref<256x1024xf32, #tpu.memory_space<vmem_shared>>) target(%dma_start3A_50 : memref<20x1024xf32, #tpu.memory_space<vmem>>) offsets(%dma_start3A_53 : memref<20xi32, #tpu.memory_space<vmem>>) semaphore(%arg14 : memref<!tpu.dma_semaphore, #tpu.memory_space<semaphore_mem>>)
    %dma_wait3A_57 = arith.constant 0 : i32
    %dma_wait3A_58 = arith.constant 0 : i32
    %dma_wait3A_59 = arith.constant 0 : i32
    %dma_wait3A_60 = arith.constant 0 : i32
    %dma_wait3A_61 = tpu.memref_slice %arg7[%dma_wait3A_58, %dma_wait3A_59, %dma_wait3A_60] : memref<1x20x1024xf32, #tpu.memory_space<vmem>> -> memref<1x20x1024xf32, #tpu.memory_space<vmem>>
    %dma_wait3A_62 = tpu.memref_squeeze %dma_wait3A_61 : memref<1x20x1024xf32, #tpu.memory_space<vmem>> -> memref<20x1024xf32, #tpu.memory_space<vmem>>
    %dma_wait3A_63 = arith.constant 0 : i32
    %dma_wait3A_64 = tpu.memref_slice %arg5[%dma_wait3A_57, %dma_wait3A_63] : memref<32x20xi32, #tpu.memory_space<vmem>> -> memref<1x20xi32, #tpu.memory_space<vmem>>
    %dma_wait3A_65 = tpu.memref_squeeze %dma_wait3A_64 : memref<1x20xi32, #tpu.memory_space<vmem>> -> memref<20xi32, #tpu.memory_space<vmem>>
    %dma_wait3A_66 = arith.constant 0 : i32
    %dma_wait3A_67 = arith.constant 0 : i32
    %dma_wait3A_68 = tpu.memref_slice %arg6[%dma_wait3A_66, %dma_wait3A_67] : memref<256x1024xf32, #tpu.memory_space<vmem_shared>> -> memref<256x1024xf32, #tpu.memory_space<vmem_shared>>
    tpu.wait_indirect_dma semaphore(%arg12 : memref<!tpu.dma_semaphore, #tpu.memory_space<semaphore_mem>>) src(%dma_wait3A_68 : memref<256x1024xf32, #tpu.memory_space<vmem_shared>>) dst(%dma_wait3A_62 : memref<20x1024xf32, #tpu.memory_space<vmem>>)
    %add3A_69 = arith.constant 0 : i32
    %add3A_70 = arith.addi %mul3A_2, %add3A_69 : i32
    %dma_start3A_71 = arith.constant 0 : i32
    %dma_start3A_72 = arith.constant 0 : i32
    %dma_start3A_73 = arith.constant 0 : i32
    %dma_start3A_74 = tpu.memref_slice %arg4[%add3A_70, %dma_start3A_72, %dma_start3A_71, %dma_start3A_73] : memref<1024x20x1x1024xf32, #tpu.memory_space<hbm>> -> memref<1x20x1x1024xf32, #tpu.memory_space<hbm>>
    %dma_start3A_75 = tpu.memref_squeeze %dma_start3A_74 : memref<1x20x1x1024xf32, #tpu.memory_space<hbm>> -> memref<1x20x1024xf32, #tpu.memory_space<hbm>>
    %dma_start3A_76 = arith.constant 0 : i32
    %dma_start3A_77 = arith.constant 0 : i32
    %dma_start3A_78 = tpu.memref_slice %arg4[%add3A_70, %dma_start3A_76, %dma_start3A_71, %dma_start3A_77] : memref<1024x20x1x1024xf32, #tpu.memory_space<hbm>> -> memref<1x20x1x1024xf32, #tpu.memory_space<hbm>>
    %dma_start3A_79 = tpu.memref_squeeze %dma_start3A_78 : memref<1x20x1x1024xf32, #tpu.memory_space<hbm>> -> memref<1x20x1024xf32, #tpu.memory_space<hbm>>
    tpu.enqueue_dma source(%arg7 : memref<1x20x1024xf32, #tpu.memory_space<vmem>>) target(%dma_start3A_79 : memref<1x20x1024xf32, #tpu.memory_space<hbm>>) target_semaphore(%arg17 : memref<!tpu.dma_semaphore, #tpu.memory_space<semaphore_mem>>)
    %dma_start3A_80 = arith.constant 3 : i32
    %dma_start3A_81 = arith.constant 0 : i32
    %dma_start3A_82 = arith.constant 0 : i32
    %dma_start3A_83 = arith.constant 0 : i32
    %dma_start3A_84 = tpu.memref_slice %arg10[%dma_start3A_81, %dma_start3A_82, %dma_start3A_83] : memref<1x20x1024xf32, #tpu.memory_space<vmem>> -> memref<1x20x1024xf32, #tpu.memory_space<vmem>>
    %dma_start3A_85 = tpu.memref_squeeze %dma_start3A_84 : memref<1x20x1024xf32, #tpu.memory_space<vmem>> -> memref<20x1024xf32, #tpu.memory_space<vmem>>
    %dma_start3A_86 = arith.constant 0 : i32
    %dma_start3A_87 = tpu.memref_slice %arg5[%dma_start3A_80, %dma_start3A_86] : memref<32x20xi32, #tpu.memory_space<vmem>> -> memref<1x20xi32, #tpu.memory_space<vmem>>
    %dma_start3A_88 = tpu.memref_squeeze %dma_start3A_87 : memref<1x20xi32, #tpu.memory_space<vmem>> -> memref<20xi32, #tpu.memory_space<vmem>>
    %dma_start3A_89 = arith.constant 0 : i32
    %dma_start3A_90 = arith.constant 0 : i32
    %dma_start3A_91 = tpu.memref_slice %arg6[%dma_start3A_89, %dma_start3A_90] : memref<256x1024xf32, #tpu.memory_space<vmem_shared>> -> memref<256x1024xf32, #tpu.memory_space<vmem_shared>>
    tpu.enqueue_indirect_dma source(%dma_start3A_91 : memref<256x1024xf32, #tpu.memory_space<vmem_shared>>) target(%dma_start3A_85 : memref<20x1024xf32, #tpu.memory_space<vmem>>) offsets(%dma_start3A_88 : memref<20xi32, #tpu.memory_space<vmem>>) semaphore(%arg15 : memref<!tpu.dma_semaphore, #tpu.memory_space<semaphore_mem>>)
    %dma_wait3A_92 = arith.constant 1 : i32
    %dma_wait3A_93 = arith.constant 0 : i32
    %dma_wait3A_94 = arith.constant 0 : i32
    %dma_wait3A_95 = arith.constant 0 : i32
    %dma_wait3A_96 = tpu.memref_slice %arg8[%dma_wait3A_93, %dma_wait3A_94, %dma_wait3A_95] : memref<1x20x1024xf32, #tpu.memory_space<vmem>> -> memref<1x20x1024xf32, #tpu.memory_space<vmem>>
    %dma_wait3A_97 = tpu.memref_squeeze %dma_wait3A_96 : memref<1x20x1024xf32, #tpu.memory_space<vmem>> -> memref<20x1024xf32, #tpu.memory_space<vmem>>
    %dma_wait3A_98 = arith.constant 0 : i32
    %dma_wait3A_99 = tpu.memref_slice %arg5[%dma_wait3A_92, %dma_wait3A_98] : memref<32x20xi32, #tpu.memory_space<vmem>> -> memref<1x20xi32, #tpu.memory_space<vmem>>
    %dma_wait3A_100 = tpu.memref_squeeze %dma_wait3A_99 : memref<1x20xi32, #tpu.memory_space<vmem>> -> memref<20xi32, #tpu.memory_space<vmem>>
    %dma_wait3A_101 = arith.constant 0 : i32
    %dma_wait3A_102 = arith.constant 0 : i32
    %dma_wait3A_103 = tpu.memref_slice %arg6[%dma_wait3A_101, %dma_wait3A_102] : memref<256x1024xf32, #tpu.memory_space<vmem_shared>> -> memref<256x1024xf32, #tpu.memory_space<vmem_shared>>
    tpu.wait_indirect_dma semaphore(%arg13 : memref<!tpu.dma_semaphore, #tpu.memory_space<semaphore_mem>>) src(%dma_wait3A_103 : memref<256x1024xf32, #tpu.memory_space<vmem_shared>>) dst(%dma_wait3A_97 : memref<20x1024xf32, #tpu.memory_space<vmem>>)
    %add3A_104 = arith.constant 1 : i32
    %add3A_105 = arith.addi %mul3A_2, %add3A_104 : i32
    %dma_start3A_106 = arith.constant 0 : i32
    %dma_start3A_107 = arith.constant 0 : i32
    %dma_start3A_108 = arith.constant 0 : i32
    %dma_start3A_109 = tpu.memref_slice %arg4[%add3A_105, %dma_start3A_107, %dma_start3A_106, %dma_start3A_108] : memref<1024x20x1x1024xf32, #tpu.memory_space<hbm>> -> memref<1x20x1x1024xf32, #tpu.memory_space<hbm>>
    %dma_start3A_110 = tpu.memref_squeeze %dma_start3A_109 : memref<1x20x1x1024xf32, #tpu.memory_space<hbm>> -> memref<1x20x1024xf32, #tpu.memory_space<hbm>>
    %dma_start3A_111 = arith.constant 0 : i32
    %dma_start3A_112 = arith.constant 0 : i32
    %dma_start3A_113 = tpu.memref_slice %arg4[%add3A_105, %dma_start3A_111, %dma_start3A_106, %dma_start3A_112] : memref<1024x20x1x1024xf32, #tpu.memory_space<hbm>> -> memref<1x20x1x1024xf32, #tpu.memory_space<hbm>>
    %dma_start3A_114 = tpu.memref_squeeze %dma_start3A_113 : memref<1x20x1x1024xf32, #tpu.memory_space<hbm>> -> memref<1x20x1024xf32, #tpu.memory_space<hbm>>
    tpu.enqueue_dma source(%arg8 : memref<1x20x1024xf32, #tpu.memory_space<vmem>>) target(%dma_start3A_114 : memref<1x20x1024xf32, #tpu.memory_space<hbm>>) target_semaphore(%arg18 : memref<!tpu.dma_semaphore, #tpu.memory_space<semaphore_mem>>)
    %dma_start3A_115 = arith.constant 4 : i32
    %dma_start3A_116 = arith.constant 0 : i32
    %dma_start3A_117 = arith.constant 0 : i32
    %dma_start3A_118 = arith.constant 0 : i32
    %dma_start3A_119 = tpu.memref_slice %arg11[%dma_start3A_116, %dma_start3A_117, %dma_start3A_118] : memref<1x20x1024xf32, #tpu.memory_space<vmem>> -> memref<1x20x1024xf32, #tpu.memory_space<vmem>>
    %dma_start3A_120 = tpu.memref_squeeze %dma_start3A_119 : memref<1x20x1024xf32, #tpu.memory_space<vmem>> -> memref<20x1024xf32, #tpu.memory_space<vmem>>
    %dma_start3A_121 = arith.constant 0 : i32
    %dma_start3A_122 = tpu.memref_slice %arg5[%dma_start3A_115, %dma_start3A_121] : memref<32x20xi32, #tpu.memory_space<vmem>> -> memref<1x20xi32, #tpu.memory_space<vmem>>
    %dma_start3A_123 = tpu.memref_squeeze %dma_start3A_122 : memref<1x20xi32, #tpu.memory_space<vmem>> -> memref<20xi32, #tpu.memory_space<vmem>>
    %dma_start3A_124 = arith.constant 0 : i32
    %dma_start3A_125 = arith.constant 0 : i32
    %dma_start3A_126 = tpu.memref_slice %arg6[%dma_start3A_124, %dma_start3A_125] : memref<256x1024xf32, #tpu.memory_space<vmem_shared>> -> memref<256x1024xf32, #tpu.memory_space<vmem_shared>>
    tpu.enqueue_indirect_dma source(%dma_start3A_126 : memref<256x1024xf32, #tpu.memory_space<vmem_shared>>) target(%dma_start3A_120 : memref<20x1024xf32, #tpu.memory_space<vmem>>) offsets(%dma_start3A_123 : memref<20xi32, #tpu.memory_space<vmem>>) semaphore(%arg16 : memref<!tpu.dma_semaphore, #tpu.memory_space<semaphore_mem>>)
    %dma_wait3A_127 = arith.constant 2 : i32
    %dma_wait3A_128 = arith.constant 0 : i32
    %dma_wait3A_129 = arith.constant 0 : i32
    %dma_wait3A_130 = arith.constant 0 : i32
    %dma_wait3A_131 = tpu.memref_slice %arg9[%dma_wait3A_128, %dma_wait3A_129, %dma_wait3A_130] : memref<1x20x1024xf32, #tpu.memory_space<vmem>> -> memref<1x20x1024xf32, #tpu.memory_space<vmem>>
    %dma_wait3A_132 = tpu.memref_squeeze %dma_wait3A_131 : memref<1x20x1024xf32, #tpu.memory_space<vmem>> -> memref<20x1024xf32, #tpu.memory_space<vmem>>
    %dma_wait3A_133 = arith.constant 0 : i32
    %dma_wait3A_134 = tpu.memref_slice %arg5[%dma_wait3A_127, %dma_wait3A_133] : memref<32x20xi32, #tpu.memory_space<vmem>> -> memref<1x20xi32, #tpu.memory_space<vmem>>
    %dma_wait3A_135 = tpu.memref_squeeze %dma_wait3A_134 : memref<1x20xi32, #tpu.memory_space<vmem>> -> memref<20xi32, #tpu.memory_space<vmem>>
    %dma_wait3A_136 = arith.constant 0 : i32
    %dma_wait3A_137 = arith.constant 0 : i32
    %dma_wait3A_138 = tpu.memref_slice %arg6[%dma_wait3A_136, %dma_wait3A_137] : memref<256x1024xf32, #tpu.memory_space<vmem_shared>> -> memref<256x1024xf32, #tpu.memory_space<vmem_shared>>
    tpu.wait_indirect_dma semaphore(%arg14 : memref<!tpu.dma_semaphore, #tpu.memory_space<semaphore_mem>>) src(%dma_wait3A_138 : memref<256x1024xf32, #tpu.memory_space<vmem_shared>>) dst(%dma_wait3A_132 : memref<20x1024xf32, #tpu.memory_space<vmem>>)
    %add3A_139 = arith.constant 2 : i32
    %add3A_140 = arith.addi %mul3A_2, %add3A_139 : i32
    %dma_start3A_141 = arith.constant 0 : i32
    %dma_start3A_142 = arith.constant 0 : i32
    %dma_start3A_143 = arith.constant 0 : i32
    %dma_start3A_144 = tpu.memref_slice %arg4[%add3A_140, %dma_start3A_142, %dma_start3A_141, %dma_start3A_143] : memref<1024x20x1x1024xf32, #tpu.memory_space<hbm>> -> memref<1x20x1x1024xf32, #tpu.memory_space<hbm>>
    %dma_start3A_145 = tpu.memref_squeeze %dma_start3A_144 : memref<1x20x1x1024xf32, #tpu.memory_space<hbm>> -> memref<1x20x1024xf32, #tpu.memory_space<hbm>>
    %dma_start3A_146 = arith.constant 0 : i32
    %dma_start3A_147 = arith.constant 0 : i32
    %dma_start3A_148 = tpu.memref_slice %arg4[%add3A_140, %dma_start3A_146, %dma_start3A_141, %dma_start3A_147] : memref<1024x20x1x1024xf32, #tpu.memory_space<hbm>> -> memref<1x20x1x1024xf32, #tpu.memory_space<hbm>>
    %dma_start3A_149 = tpu.memref_squeeze %dma_start3A_148 : memref<1x20x1x1024xf32, #tpu.memory_space<hbm>> -> memref<1x20x1024xf32, #tpu.memory_space<hbm>>
    tpu.enqueue_dma source(%arg9 : memref<1x20x1024xf32, #tpu.memory_space<vmem>>) target(%dma_start3A_149 : memref<1x20x1024xf32, #tpu.memory_space<hbm>>) target_semaphore(%arg19 : memref<!tpu.dma_semaphore, #tpu.memory_space<semaphore_mem>>)
    %dma_wait3A_150 = arith.constant 0 : i32
    %dma_wait3A_151 = arith.constant 0 : i32
    %dma_wait3A_152 = arith.constant 0 : i32
    %dma_wait3A_153 = tpu.memref_slice %arg4[%add3A_70, %dma_wait3A_151, %dma_wait3A_150, %dma_wait3A_152] : memref<1024x20x1x1024xf32, #tpu.memory_space<hbm>> -> memref<1x20x1x1024xf32, #tpu.memory_space<hbm>>
    %dma_wait3A_154 = tpu.memref_squeeze %dma_wait3A_153 : memref<1x20x1x1024xf32, #tpu.memory_space<hbm>> -> memref<1x20x1024xf32, #tpu.memory_space<hbm>>
    %dma_wait3A_155 = arith.constant 0 : i32
    %dma_wait3A_156 = arith.constant 0 : i32
    %dma_wait3A_157 = tpu.memref_slice %arg4[%add3A_70, %dma_wait3A_155, %dma_wait3A_150, %dma_wait3A_156] : memref<1024x20x1x1024xf32, #tpu.memory_space<hbm>> -> memref<1x20x1x1024xf32, #tpu.memory_space<hbm>>
    %dma_wait3A_158 = tpu.memref_squeeze %dma_wait3A_157 : memref<1x20x1x1024xf32, #tpu.memory_space<hbm>> -> memref<1x20x1024xf32, #tpu.memory_space<hbm>>
    tpu.wait_dma2 semaphore(%arg17 : memref<!tpu.dma_semaphore, #tpu.memory_space<semaphore_mem>>) src(%arg7 : memref<1x20x1024xf32, #tpu.memory_space<vmem>>) dst(%dma_wait3A_158 : memref<1x20x1024xf32, #tpu.memory_space<hbm>>)
    %dma_start3A_159 = arith.constant 5 : i32
    %dma_start3A_160 = arith.constant 0 : i32
    %dma_start3A_161 = arith.constant 0 : i32
    %dma_start3A_162 = arith.constant 0 : i32
    %dma_start3A_163 = tpu.memref_slice %arg7[%dma_start3A_160, %dma_start3A_161, %dma_start3A_162] : memref<1x20x1024xf32, #tpu.memory_space<vmem>> -> memref<1x20x1024xf32, #tpu.memory_space<vmem>>
    %dma_start3A_164 = tpu.memref_squeeze %dma_start3A_163 : memref<1x20x1024xf32, #tpu.memory_space<vmem>> -> memref<20x1024xf32, #tpu.memory_space<vmem>>
    %dma_start3A_165 = arith.constant 0 : i32
    %dma_start3A_166 = tpu.memref_slice %arg5[%dma_start3A_159, %dma_start3A_165] : memref<32x20xi32, #tpu.memory_space<vmem>> -> memref<1x20xi32, #tpu.memory_space<vmem>>
    %dma_start3A_167 = tpu.memref_squeeze %dma_start3A_166 : memref<1x20xi32, #tpu.memory_space<vmem>> -> memref<20xi32, #tpu.memory_space<vmem>>
    %dma_start3A_168 = arith.constant 0 : i32
    %dma_start3A_169 = arith.constant 0 : i32
    %dma_start3A_170 = tpu.memref_slice %arg6[%dma_start3A_168, %dma_start3A_169] : memref<256x1024xf32, #tpu.memory_space<vmem_shared>> -> memref<256x1024xf32, #tpu.memory_space<vmem_shared>>
    tpu.enqueue_indirect_dma source(%dma_start3A_170 : memref<256x1024xf32, #tpu.memory_space<vmem_shared>>) target(%dma_start3A_164 : memref<20x1024xf32, #tpu.memory_space<vmem>>) offsets(%dma_start3A_167 : memref<20xi32, #tpu.memory_space<vmem>>) semaphore(%arg12 : memref<!tpu.dma_semaphore, #tpu.memory_space<semaphore_mem>>)
    %dma_wait3A_171 = arith.constant 3 : i32
    %dma_wait3A_172 = arith.constant 0 : i32
    %dma_wait3A_173 = arith.constant 0 : i32
    %dma_wait3A_174 = arith.constant 0 : i32
    %dma_wait3A_175 = tpu.memref_slice %arg10[%dma_wait3A_172, %dma_wait3A_173, %dma_wait3A_174] : memref<1x20x1024xf32, #tpu.memory_space<vmem>> -> memref<1x20x1024xf32, #tpu.memory_space<vmem>>
    %dma_wait3A_176 = tpu.memref_squeeze %dma_wait3A_175 : memref<1x20x1024xf32, #tpu.memory_space<vmem>> -> memref<20x1024xf32, #tpu.memory_space<vmem>>
    %dma_wait3A_177 = arith.constant 0 : i32
    %dma_wait3A_178 = tpu.memref_slice %arg5[%dma_wait3A_171, %dma_wait3A_177] : memref<32x20xi32, #tpu.memory_space<vmem>> -> memref<1x20xi32, #tpu.memory_space<vmem>>
    %dma_wait3A_179 = tpu.memref_squeeze %dma_wait3A_178 : memref<1x20xi32, #tpu.memory_space<vmem>> -> memref<20xi32, #tpu.memory_space<vmem>>
    %dma_wait3A_180 = arith.constant 0 : i32
    %dma_wait3A_181 = arith.constant 0 : i32
    %dma_wait3A_182 = tpu.memref_slice %arg6[%dma_wait3A_180, %dma_wait3A_181] : memref<256x1024xf32, #tpu.memory_space<vmem_shared>> -> memref<256x1024xf32, #tpu.memory_space<vmem_shared>>
    tpu.wait_indirect_dma semaphore(%arg15 : memref<!tpu.dma_semaphore, #tpu.memory_space<semaphore_mem>>) src(%dma_wait3A_182 : memref<256x1024xf32, #tpu.memory_space<vmem_shared>>) dst(%dma_wait3A_176 : memref<20x1024xf32, #tpu.memory_space<vmem>>)
    %add3A_183 = arith.constant 3 : i32
    %add3A_184 = arith.addi %mul3A_2, %add3A_183 : i32
    %dma_start3A_185 = arith.constant 0 : i32
    %dma_start3A_186 = arith.constant 0 : i32
    %dma_start3A_187 = arith.constant 0 : i32
    %dma_start3A_188 = tpu.memref_slice %arg4[%add3A_184, %dma_start3A_186, %dma_start3A_185, %dma_start3A_187] : memref<1024x20x1x1024xf32, #tpu.memory_space<hbm>> -> memref<1x20x1x1024xf32, #tpu.memory_space<hbm>>
    %dma_start3A_189 = tpu.memref_squeeze %dma_start3A_188 : memref<1x20x1x1024xf32, #tpu.memory_space<hbm>> -> memref<1x20x1024xf32, #tpu.memory_space<hbm>>
    %dma_start3A_190 = arith.constant 0 : i32
    %dma_start3A_191 = arith.constant 0 : i32
    %dma_start3A_192 = tpu.memref_slice %arg4[%add3A_184, %dma_start3A_190, %dma_start3A_185, %dma_start3A_191] : memref<1024x20x1x1024xf32, #tpu.memory_space<hbm>> -> memref<1x20x1x1024xf32, #tpu.memory_space<hbm>>
    %dma_start3A_193 = tpu.memref_squeeze %dma_start3A_192 : memref<1x20x1x1024xf32, #tpu.memory_space<hbm>> -> memref<1x20x1024xf32, #tpu.memory_space<hbm>>
    tpu.enqueue_dma source(%arg10 : memref<1x20x1024xf32, #tpu.memory_space<vmem>>) target(%dma_start3A_193 : memref<1x20x1024xf32, #tpu.memory_space<hbm>>) target_semaphore(%arg20 : memref<!tpu.dma_semaphore, #tpu.memory_space<semaphore_mem>>)
    %dma_wait3A_194 = arith.constant 0 : i32
    %dma_wait3A_195 = arith.constant 0 : i32
    %dma_wait3A_196 = arith.constant 0 : i32
    %dma_wait3A_197 = tpu.memref_slice %arg4[%add3A_105, %dma_wait3A_195, %dma_wait3A_194, %dma_wait3A_196] : memref<1024x20x1x1024xf32, #tpu.memory_space<hbm>> -> memref<1x20x1x1024xf32, #tpu.memory_space<hbm>>
    %dma_wait3A_198 = tpu.memref_squeeze %dma_wait3A_197 : memref<1x20x1x1024xf32, #tpu.memory_space<hbm>> -> memref<1x20x1024xf32, #tpu.memory_space<hbm>>
    %dma_wait3A_199 = arith.constant 0 : i32
    %dma_wait3A_200 = arith.constant 0 : i32
    %dma_wait3A_201 = tpu.memref_slice %arg4[%add3A_105, %dma_wait3A_199, %dma_wait3A_194, %dma_wait3A_200] : memref<1024x20x1x1024xf32, #tpu.memory_space<hbm>> -> memref<1x20x1x1024xf32, #tpu.memory_space<hbm>>
    %dma_wait3A_202 = tpu.memref_squeeze %dma_wait3A_201 : memref<1x20x1x1024xf32, #tpu.memory_space<hbm>> -> memref<1x20x1024xf32, #tpu.memory_space<hbm>>
    tpu.wait_dma2 semaphore(%arg18 : memref<!tpu.dma_semaphore, #tpu.memory_space<semaphore_mem>>) src(%arg8 : memref<1x20x1024xf32, #tpu.memory_space<vmem>>) dst(%dma_wait3A_202 : memref<1x20x1024xf32, #tpu.memory_space<hbm>>)
    %dma_start3A_203 = arith.constant 6 : i32
    %dma_start3A_204 = arith.constant 0 : i32
    %dma_start3A_205 = arith.constant 0 : i32
    %dma_start3A_206 = arith.constant 0 : i32
    %dma_start3A_207 = tpu.memref_slice %arg8[%dma_start3A_204, %dma_start3A_205, %dma_start3A_206] : memref<1x20x1024xf32, #tpu.memory_space<vmem>> -> memref<1x20x1024xf32, #tpu.memory_space<vmem>>
    %dma_start3A_208 = tpu.memref_squeeze %dma_start3A_207 : memref<1x20x1024xf32, #tpu.memory_space<vmem>> -> memref<20x1024xf32, #tpu.memory_space<vmem>>
    %dma_start3A_209 = arith.constant 0 : i32
    %dma_start3A_210 = tpu.memref_slice %arg5[%dma_start3A_203, %dma_start3A_209] : memref<32x20xi32, #tpu.memory_space<vmem>> -> memref<1x20xi32, #tpu.memory_space<vmem>>
    %dma_start3A_211 = tpu.memref_squeeze %dma_start3A_210 : memref<1x20xi32, #tpu.memory_space<vmem>> -> memref<20xi32, #tpu.memory_space<vmem>>
    %dma_start3A_212 = arith.constant 0 : i32
    %dma_start3A_213 = arith.constant 0 : i32
    %dma_start3A_214 = tpu.memref_slice %arg6[%dma_start3A_212, %dma_start3A_213] : memref<256x1024xf32, #tpu.memory_space<vmem_shared>> -> memref<256x1024xf32, #tpu.memory_space<vmem_shared>>
    tpu.enqueue_indirect_dma source(%dma_start3A_214 : memref<256x1024xf32, #tpu.memory_space<vmem_shared>>) target(%dma_start3A_208 : memref<20x1024xf32, #tpu.memory_space<vmem>>) offsets(%dma_start3A_211 : memref<20xi32, #tpu.memory_space<vmem>>) semaphore(%arg13 : memref<!tpu.dma_semaphore, #tpu.memory_space<semaphore_mem>>)
    %dma_wait3A_215 = arith.constant 4 : i32
    %dma_wait3A_216 = arith.constant 0 : i32
    %dma_wait3A_217 = arith.constant 0 : i32
    %dma_wait3A_218 = arith.constant 0 : i32
    %dma_wait3A_219 = tpu.memref_slice %arg11[%dma_wait3A_216, %dma_wait3A_217, %dma_wait3A_218] : memref<1x20x1024xf32, #tpu.memory_space<vmem>> -> memref<1x20x1024xf32, #tpu.memory_space<vmem>>
    %dma_wait3A_220 = tpu.memref_squeeze %dma_wait3A_219 : memref<1x20x1024xf32, #tpu.memory_space<vmem>> -> memref<20x1024xf32, #tpu.memory_space<vmem>>
    %dma_wait3A_221 = arith.constant 0 : i32
    %dma_wait3A_222 = tpu.memref_slice %arg5[%dma_wait3A_215, %dma_wait3A_221] : memref<32x20xi32, #tpu.memory_space<vmem>> -> memref<1x20xi32, #tpu.memory_space<vmem>>
    %dma_wait3A_223 = tpu.memref_squeeze %dma_wait3A_222 : memref<1x20xi32, #tpu.memory_space<vmem>> -> memref<20xi32, #tpu.memory_space<vmem>>
    %dma_wait3A_224 = arith.constant 0 : i32
    %dma_wait3A_225 = arith.constant 0 : i32
    %dma_wait3A_226 = tpu.memref_slice %arg6[%dma_wait3A_224, %dma_wait3A_225] : memref<256x1024xf32, #tpu.memory_space<vmem_shared>> -> memref<256x1024xf32, #tpu.memory_space<vmem_shared>>
    tpu.wait_indirect_dma semaphore(%arg16 : memref<!tpu.dma_semaphore, #tpu.memory_space<semaphore_mem>>) src(%dma_wait3A_226 : memref<256x1024xf32, #tpu.memory_space<vmem_shared>>) dst(%dma_wait3A_220 : memref<20x1024xf32, #tpu.memory_space<vmem>>)
    %add3A_227 = arith.constant 4 : i32
    %add3A_228 = arith.addi %mul3A_2, %add3A_227 : i32
    %dma_start3A_229 = arith.constant 0 : i32
    %dma_start3A_230 = arith.constant 0 : i32
    %dma_start3A_231 = arith.constant 0 : i32
    %dma_start3A_232 = tpu.memref_slice %arg4[%add3A_228, %dma_start3A_230, %dma_start3A_229, %dma_start3A_231] : memref<1024x20x1x1024xf32, #tpu.memory_space<hbm>> -> memref<1x20x1x1024xf32, #tpu.memory_space<hbm>>
    %dma_start3A_233 = tpu.memref_squeeze %dma_start3A_232 : memref<1x20x1x1024xf32, #tpu.memory_space<hbm>> -> memref<1x20x1024xf32, #tpu.memory_space<hbm>>
    %dma_start3A_234 = arith.constant 0 : i32
    %dma_start3A_235 = arith.constant 0 : i32
    %dma_start3A_236 = tpu.memref_slice %arg4[%add3A_228, %dma_start3A_234, %dma_start3A_229, %dma_start3A_235] : memref<1024x20x1x1024xf32, #tpu.memory_space<hbm>> -> memref<1x20x1x1024xf32, #tpu.memory_space<hbm>>
    %dma_start3A_237 = tpu.memref_squeeze %dma_start3A_236 : memref<1x20x1x1024xf32, #tpu.memory_space<hbm>> -> memref<1x20x1024xf32, #tpu.memory_space<hbm>>
    tpu.enqueue_dma source(%arg11 : memref<1x20x1024xf32, #tpu.memory_space<vmem>>) target(%dma_start3A_237 : memref<1x20x1024xf32, #tpu.memory_space<hbm>>) target_semaphore(%arg21 : memref<!tpu.dma_semaphore, #tpu.memory_space<semaphore_mem>>)
    %dma_wait3A_238 = arith.constant 0 : i32
    %dma_wait3A_239 = arith.constant 0 : i32
    %dma_wait3A_240 = arith.constant 0 : i32
    %dma_wait3A_241 = tpu.memref_slice %arg4[%add3A_140, %dma_wait3A_239, %dma_wait3A_238, %dma_wait3A_240] : memref<1024x20x1x1024xf32, #tpu.memory_space<hbm>> -> memref<1x20x1x1024xf32, #tpu.memory_space<hbm>>
    %dma_wait3A_242 = tpu.memref_squeeze %dma_wait3A_241 : memref<1x20x1x1024xf32, #tpu.memory_space<hbm>> -> memref<1x20x1024xf32, #tpu.memory_space<hbm>>
    %dma_wait3A_243 = arith.constant 0 : i32
    %dma_wait3A_244 = arith.constant 0 : i32
    %dma_wait3A_245 = tpu.memref_slice %arg4[%add3A_140, %dma_wait3A_243, %dma_wait3A_238, %dma_wait3A_244] : memref<1024x20x1x1024xf32, #tpu.memory_space<hbm>> -> memref<1x20x1x1024xf32, #tpu.memory_space<hbm>>
    %dma_wait3A_246 = tpu.memref_squeeze %dma_wait3A_245 : memref<1x20x1x1024xf32, #tpu.memory_space<hbm>> -> memref<1x20x1024xf32, #tpu.memory_space<hbm>>
    tpu.wait_dma2 semaphore(%arg19 : memref<!tpu.dma_semaphore, #tpu.memory_space<semaphore_mem>>) src(%arg9 : memref<1x20x1024xf32, #tpu.memory_space<vmem>>) dst(%dma_wait3A_246 : memref<1x20x1024xf32, #tpu.memory_space<hbm>>)
    %dma_start3A_247 = arith.constant 7 : i32
    %dma_start3A_248 = arith.constant 0 : i32
    %dma_start3A_249 = arith.constant 0 : i32
    %dma_start3A_250 = arith.constant 0 : i32
    %dma_start3A_251 = tpu.memref_slice %arg9[%dma_start3A_248, %dma_start3A_249, %dma_start3A_250] : memref<1x20x1024xf32, #tpu.memory_space<vmem>> -> memref<1x20x1024xf32, #tpu.memory_space<vmem>>
    %dma_start3A_252 = tpu.memref_squeeze %dma_start3A_251 : memref<1x20x1024xf32, #tpu.memory_space<vmem>> -> memref<20x1024xf32, #tpu.memory_space<vmem>>
    %dma_start3A_253 = arith.constant 0 : i32
    %dma_start3A_254 = tpu.memref_slice %arg5[%dma_start3A_247, %dma_start3A_253] : memref<32x20xi32, #tpu.memory_space<vmem>> -> memref<1x20xi32, #tpu.memory_space<vmem>>
    %dma_start3A_255 = tpu.memref_squeeze %dma_start3A_254 : memref<1x20xi32, #tpu.memory_space<vmem>> -> memref<20xi32, #tpu.memory_space<vmem>>
    %dma_start3A_256 = arith.constant 0 : i32
    %dma_start3A_257 = arith.constant 0 : i32
    %dma_start3A_258 = tpu.memref_slice %arg6[%dma_start3A_256, %dma_start3A_257] : memref<256x1024xf32, #tpu.memory_space<vmem_shared>> -> memref<256x1024xf32, #tpu.memory_space<vmem_shared>>
    tpu.enqueue_indirect_dma source(%dma_start3A_258 : memref<256x1024xf32, #tpu.memory_space<vmem_shared>>) target(%dma_start3A_252 : memref<20x1024xf32, #tpu.memory_space<vmem>>) offsets(%dma_start3A_255 : memref<20xi32, #tpu.memory_space<vmem>>) semaphore(%arg14 : memref<!tpu.dma_semaphore, #tpu.memory_space<semaphore_mem>>)
    %dma_wait3A_259 = arith.constant 5 : i32
    %dma_wait3A_260 = arith.constant 0 : i32
    %dma_wait3A_261 = arith.constant 0 : i32
    %dma_wait3A_262 = arith.constant 0 : i32
    %dma_wait3A_263 = tpu.memref_slice %arg7[%dma_wait3A_260, %dma_wait3A_261, %dma_wait3A_262] : memref<1x20x1024xf32, #tpu.memory_space<vmem>> -> memref<1x20x1024xf32, #tpu.memory_space<vmem>>
    %dma_wait3A_264 = tpu.memref_squeeze %dma_wait3A_263 : memref<1x20x1024xf32, #tpu.memory_space<vmem>> -> memref<20x1024xf32, #tpu.memory_space<vmem>>
    %dma_wait3A_265 = arith.constant 0 : i32
    %dma_wait3A_266 = tpu.memref_slice %arg5[%dma_wait3A_259, %dma_wait3A_265] : memref<32x20xi32, #tpu.memory_space<vmem>> -> memref<1x20xi32, #tpu.memory_space<vmem>>
    %dma_wait3A_267 = tpu.memref_squeeze %dma_wait3A_266 : memref<1x20xi32, #tpu.memory_space<vmem>> -> memref<20xi32, #tpu.memory_space<vmem>>
    %dma_wait3A_268 = arith.constant 0 : i32
    %dma_wait3A_269 = arith.constant 0 : i32
    %dma_wait3A_270 = tpu.memref_slice %arg6[%dma_wait3A_268, %dma_wait3A_269] : memref<256x1024xf32, #tpu.memory_space<vmem_shared>> -> memref<256x1024xf32, #tpu.memory_space<vmem_shared>>
    tpu.wait_indirect_dma semaphore(%arg12 : memref<!tpu.dma_semaphore, #tpu.memory_space<semaphore_mem>>) src(%dma_wait3A_270 : memref<256x1024xf32, #tpu.memory_space<vmem_shared>>) dst(%dma_wait3A_264 : memref<20x1024xf32, #tpu.memory_space<vmem>>)
    %add3A_271 = arith.constant 5 : i32
    %add3A_272 = arith.addi %mul3A_2, %add3A_271 : i32
    %dma_start3A_273 = arith.constant 0 : i32
    %dma_start3A_274 = arith.constant 0 : i32
    %dma_start3A_275 = arith.constant 0 : i32
    %dma_start3A_276 = tpu.memref_slice %arg4[%add3A_272, %dma_start3A_274, %dma_start3A_273, %dma_start3A_275] : memref<1024x20x1x1024xf32, #tpu.memory_space<hbm>> -> memref<1x20x1x1024xf32, #tpu.memory_space<hbm>>
    %dma_start3A_277 = tpu.memref_squeeze %dma_start3A_276 : memref<1x20x1x1024xf32, #tpu.memory_space<hbm>> -> memref<1x20x1024xf32, #tpu.memory_space<hbm>>
    %dma_start3A_278 = arith.constant 0 : i32
    %dma_start3A_279 = arith.constant 0 : i32
    %dma_start3A_280 = tpu.memref_slice %arg4[%add3A_272, %dma_start3A_278, %dma_start3A_273, %dma_start3A_279] : memref<1024x20x1x1024xf32, #tpu.memory_space<hbm>> -> memref<1x20x1x1024xf32, #tpu.memory_space<hbm>>
    %dma_start3A_281 = tpu.memref_squeeze %dma_start3A_280 : memref<1x20x1x1024xf32, #tpu.memory_space<hbm>> -> memref<1x20x1024xf32, #tpu.memory_space<hbm>>
    tpu.enqueue_dma source(%arg7 : memref<1x20x1024xf32, #tpu.memory_space<vmem>>) target(%dma_start3A_281 : memref<1x20x1024xf32, #tpu.memory_space<hbm>>) target_semaphore(%arg17 : memref<!tpu.dma_semaphore, #tpu.memory_space<semaphore_mem>>)
    %dma_wait3A_282 = arith.constant 0 : i32
    %dma_wait3A_283 = arith.constant 0 : i32
    %dma_wait3A_284 = arith.constant 0 : i32
    %dma_wait3A_285 = tpu.memref_slice %arg4[%add3A_184, %dma_wait3A_283, %dma_wait3A_282, %dma_wait3A_284] : memref<1024x20x1x1024xf32, #tpu.memory_space<hbm>> -> memref<1x20x1x1024xf32, #tpu.memory_space<hbm>>
    %dma_wait3A_286 = tpu.memref_squeeze %dma_wait3A_285 : memref<1x20x1x1024xf32, #tpu.memory_space<hbm>> -> memref<1x20x1024xf32, #tpu.memory_space<hbm>>
    %dma_wait3A_287 = arith.constant 0 : i32
    %dma_wait3A_288 = arith.constant 0 : i32
    %dma_wait3A_289 = tpu.memref_slice %arg4[%add3A_184, %dma_wait3A_287, %dma_wait3A_282, %dma_wait3A_288] : memref<1024x20x1x1024xf32, #tpu.memory_space<hbm>> -> memref<1x20x1x1024xf32, #tpu.memory_space<hbm>>
    %dma_wait3A_290 = tpu.memref_squeeze %dma_wait3A_289 : memref<1x20x1x1024xf32, #tpu.memory_space<hbm>> -> memref<1x20x1024xf32, #tpu.memory_space<hbm>>
    tpu.wait_dma2 semaphore(%arg20 : memref<!tpu.dma_semaphore, #tpu.memory_space<semaphore_mem>>) src(%arg10 : memref<1x20x1024xf32, #tpu.memory_space<vmem>>) dst(%dma_wait3A_290 : memref<1x20x1024xf32, #tpu.memory_space<hbm>>)
    %dma_start3A_291 = arith.constant 8 : i32
    %dma_start3A_292 = arith.constant 0 : i32
    %dma_start3A_293 = arith.constant 0 : i32
    %dma_start3A_294 = arith.constant 0 : i32
    %dma_start3A_295 = tpu.memref_slice %arg10[%dma_start3A_292, %dma_start3A_293, %dma_start3A_294] : memref<1x20x1024xf32, #tpu.memory_space<vmem>> -> memref<1x20x1024xf32, #tpu.memory_space<vmem>>
    %dma_start3A_296 = tpu.memref_squeeze %dma_start3A_295 : memref<1x20x1024xf32, #tpu.memory_space<vmem>> -> memref<20x1024xf32, #tpu.memory_space<vmem>>
    %dma_start3A_297 = arith.constant 0 : i32
    %dma_start3A_298 = tpu.memref_slice %arg5[%dma_start3A_291, %dma_start3A_297] : memref<32x20xi32, #tpu.memory_space<vmem>> -> memref<1x20xi32, #tpu.memory_space<vmem>>
    %dma_start3A_299 = tpu.memref_squeeze %dma_start3A_298 : memref<1x20xi32, #tpu.memory_space<vmem>> -> memref<20xi32, #tpu.memory_space<vmem>>
    %dma_start3A_300 = arith.constant 0 : i32
    %dma_start3A_301 = arith.constant 0 : i32
    %dma_start3A_302 = tpu.memref_slice %arg6[%dma_start3A_300, %dma_start3A_301] : memref<256x1024xf32, #tpu.memory_space<vmem_shared>> -> memref<256x1024xf32, #tpu.memory_space<vmem_shared>>
    tpu.enqueue_indirect_dma source(%dma_start3A_302 : memref<256x1024xf32, #tpu.memory_space<vmem_shared>>) target(%dma_start3A_296 : memref<20x1024xf32, #tpu.memory_space<vmem>>) offsets(%dma_start3A_299 : memref<20xi32, #tpu.memory_space<vmem>>) semaphore(%arg15 : memref<!tpu.dma_semaphore, #tpu.memory_space<semaphore_mem>>)
    %dma_wait3A_303 = arith.constant 6 : i32
    %dma_wait3A_304 = arith.constant 0 : i32
    %dma_wait3A_305 = arith.constant 0 : i32
    %dma_wait3A_306 = arith.constant 0 : i32
    %dma_wait3A_307 = tpu.memref_slice %arg8[%dma_wait3A_304, %dma_wait3A_305, %dma_wait3A_306] : memref<1x20x1024xf32, #tpu.memory_space<vmem>> -> memref<1x20x1024xf32, #tpu.memory_space<vmem>>
    %dma_wait3A_308 = tpu.memref_squeeze %dma_wait3A_307 : memref<1x20x1024xf32, #tpu.memory_space<vmem>> -> memref<20x1024xf32, #tpu.memory_space<vmem>>
    %dma_wait3A_309 = arith.constant 0 : i32
    %dma_wait3A_310 = tpu.memref_slice %arg5[%dma_wait3A_303, %dma_wait3A_309] : memref<32x20xi32, #tpu.memory_space<vmem>> -> memref<1x20xi32, #tpu.memory_space<vmem>>
    %dma_wait3A_311 = tpu.memref_squeeze %dma_wait3A_310 : memref<1x20xi32, #tpu.memory_space<vmem>> -> memref<20xi32, #tpu.memory_space<vmem>>
    %dma_wait3A_312 = arith.constant 0 : i32
    %dma_wait3A_313 = arith.constant 0 : i32
    %dma_wait3A_314 = tpu.memref_slice %arg6[%dma_wait3A_312, %dma_wait3A_313] : memref<256x1024xf32, #tpu.memory_space<vmem_shared>> -> memref<256x1024xf32, #tpu.memory_space<vmem_shared>>
    tpu.wait_indirect_dma semaphore(%arg13 : memref<!tpu.dma_semaphore, #tpu.memory_space<semaphore_mem>>) src(%dma_wait3A_314 : memref<256x1024xf32, #tpu.memory_space<vmem_shared>>) dst(%dma_wait3A_308 : memref<20x1024xf32, #tpu.memory_space<vmem>>)
    %add3A_315 = arith.constant 6 : i32
    %add3A_316 = arith.addi %mul3A_2, %add3A_315 : i32
    %dma_start3A_317 = arith.constant 0 : i32
    %dma_start3A_318 = arith.constant 0 : i32
    %dma_start3A_319 = arith.constant 0 : i32
    %dma_start3A_320 = tpu.memref_slice %arg4[%add3A_316, %dma_start3A_318, %dma_start3A_317, %dma_start3A_319] : memref<1024x20x1x1024xf32, #tpu.memory_space<hbm>> -> memref<1x20x1x1024xf32, #tpu.memory_space<hbm>>
    %dma_start3A_321 = tpu.memref_squeeze %dma_start3A_320 : memref<1x20x1x1024xf32, #tpu.memory_space<hbm>> -> memref<1x20x1024xf32, #tpu.memory_space<hbm>>
    %dma_start3A_322 = arith.constant 0 : i32
    %dma_start3A_323 = arith.constant 0 : i32
    %dma_start3A_324 = tpu.memref_slice %arg4[%add3A_316, %dma_start3A_322, %dma_start3A_317, %dma_start3A_323] : memref<1024x20x1x1024xf32, #tpu.memory_space<hbm>> -> memref<1x20x1x1024xf32, #tpu.memory_space<hbm>>
    %dma_start3A_325 = tpu.memref_squeeze %dma_start3A_324 : memref<1x20x1x1024xf32, #tpu.memory_space<hbm>> -> memref<1x20x1024xf32, #tpu.memory_space<hbm>>
    tpu.enqueue_dma source(%arg8 : memref<1x20x1024xf32, #tpu.memory_space<vmem>>) target(%dma_start3A_325 : memref<1x20x1024xf32, #tpu.memory_space<hbm>>) target_semaphore(%arg18 : memref<!tpu.dma_semaphore, #tpu.memory_space<semaphore_mem>>)
    %dma_wait3A_326 = arith.constant 0 : i32
    %dma_wait3A_327 = arith.constant 0 : i32
    %dma_wait3A_328 = arith.constant 0 : i32
    %dma_wait3A_329 = tpu.memref_slice %arg4[%add3A_228, %dma_wait3A_327, %dma_wait3A_326, %dma_wait3A_328] : memref<1024x20x1x1024xf32, #tpu.memory_space<hbm>> -> memref<1x20x1x1024xf32, #tpu.memory_space<hbm>>
    %dma_wait3A_330 = tpu.memref_squeeze %dma_wait3A_329 : memref<1x20x1x1024xf32, #tpu.memory_space<hbm>> -> memref<1x20x1024xf32, #tpu.memory_space<hbm>>
    %dma_wait3A_331 = arith.constant 0 : i32
    %dma_wait3A_332 = arith.constant 0 : i32
    %dma_wait3A_333 = tpu.memref_slice %arg4[%add3A_228, %dma_wait3A_331, %dma_wait3A_326, %dma_wait3A_332] : memref<1024x20x1x1024xf32, #tpu.memory_space<hbm>> -> memref<1x20x1x1024xf32, #tpu.memory_space<hbm>>
    %dma_wait3A_334 = tpu.memref_squeeze %dma_wait3A_333 : memref<1x20x1x1024xf32, #tpu.memory_space<hbm>> -> memref<1x20x1024xf32, #tpu.memory_space<hbm>>
    tpu.wait_dma2 semaphore(%arg21 : memref<!tpu.dma_semaphore, #tpu.memory_space<semaphore_mem>>) src(%arg11 : memref<1x20x1024xf32, #tpu.memory_space<vmem>>) dst(%dma_wait3A_334 : memref<1x20x1024xf32, #tpu.memory_space<hbm>>)
    %dma_start3A_335 = arith.constant 9 : i32
    %dma_start3A_336 = arith.constant 0 : i32
    %dma_start3A_337 = arith.constant 0 : i32
    %dma_start3A_338 = arith.constant 0 : i32
    %dma_start3A_339 = tpu.memref_slice %arg11[%dma_start3A_336, %dma_start3A_337, %dma_start3A_338] : memref<1x20x1024xf32, #tpu.memory_space<vmem>> -> memref<1x20x1024xf32, #tpu.memory_space<vmem>>
    %dma_start3A_340 = tpu.memref_squeeze %dma_start3A_339 : memref<1x20x1024xf32, #tpu.memory_space<vmem>> -> memref<20x1024xf32, #tpu.memory_space<vmem>>
    %dma_start3A_341 = arith.constant 0 : i32
    %dma_start3A_342 = tpu.memref_slice %arg5[%dma_start3A_335, %dma_start3A_341] : memref<32x20xi32, #tpu.memory_space<vmem>> -> memref<1x20xi32, #tpu.memory_space<vmem>>
    %dma_start3A_343 = tpu.memref_squeeze %dma_start3A_342 : memref<1x20xi32, #tpu.memory_space<vmem>> -> memref<20xi32, #tpu.memory_space<vmem>>
    %dma_start3A_344 = arith.constant 0 : i32
    %dma_start3A_345 = arith.constant 0 : i32
    %dma_start3A_346 = tpu.memref_slice %arg6[%dma_start3A_344, %dma_start3A_345] : memref<256x1024xf32, #tpu.memory_space<vmem_shared>> -> memref<256x1024xf32, #tpu.memory_space<vmem_shared>>
    tpu.enqueue_indirect_dma source(%dma_start3A_346 : memref<256x1024xf32, #tpu.memory_space<vmem_shared>>) target(%dma_start3A_340 : memref<20x1024xf32, #tpu.memory_space<vmem>>) offsets(%dma_start3A_343 : memref<20xi32, #tpu.memory_space<vmem>>) semaphore(%arg16 : memref<!tpu.dma_semaphore, #tpu.memory_space<semaphore_mem>>)
    %dma_wait3A_347 = arith.constant 7 : i32
    %dma_wait3A_348 = arith.constant 0 : i32
    %dma_wait3A_349 = arith.constant 0 : i32
    %dma_wait3A_350 = arith.constant 0 : i32
    %dma_wait3A_351 = tpu.memref_slice %arg9[%dma_wait3A_348, %dma_wait3A_349, %dma_wait3A_350] : memref<1x20x1024xf32, #tpu.memory_space<vmem>> -> memref<1x20x1024xf32, #tpu.memory_space<vmem>>
    %dma_wait3A_352 = tpu.memref_squeeze %dma_wait3A_351 : memref<1x20x1024xf32, #tpu.memory_space<vmem>> -> memref<20x1024xf32, #tpu.memory_space<vmem>>
    %dma_wait3A_353 = arith.constant 0 : i32
    %dma_wait3A_354 = tpu.memref_slice %arg5[%dma_wait3A_347, %dma_wait3A_353] : memref<32x20xi32, #tpu.memory_space<vmem>> -> memref<1x20xi32, #tpu.memory_space<vmem>>
    %dma_wait3A_355 = tpu.memref_squeeze %dma_wait3A_354 : memref<1x20xi32, #tpu.memory_space<vmem>> -> memref<20xi32, #tpu.memory_space<vmem>>
    %dma_wait3A_356 = arith.constant 0 : i32
    %dma_wait3A_357 = arith.constant 0 : i32
    %dma_wait3A_358 = tpu.memref_slice %arg6[%dma_wait3A_356, %dma_wait3A_357] : memref<256x1024xf32, #tpu.memory_space<vmem_shared>> -> memref<256x1024xf32, #tpu.memory_space<vmem_shared>>
    tpu.wait_indirect_dma semaphore(%arg14 : memref<!tpu.dma_semaphore, #tpu.memory_space<semaphore_mem>>) src(%dma_wait3A_358 : memref<256x1024xf32, #tpu.memory_space<vmem_shared>>) dst(%dma_wait3A_352 : memref<20x1024xf32, #tpu.memory_space<vmem>>)
    %add3A_359 = arith.constant 7 : i32
    %add3A_360 = arith.addi %mul3A_2, %add3A_359 : i32
    %dma_start3A_361 = arith.constant 0 : i32
    %dma_start3A_362 = arith.constant 0 : i32
    %dma_start3A_363 = arith.constant 0 : i32
    %dma_start3A_364 = tpu.memref_slice %arg4[%add3A_360, %dma_start3A_362, %dma_start3A_361, %dma_start3A_363] : memref<1024x20x1x1024xf32, #tpu.memory_space<hbm>> -> memref<1x20x1x1024xf32, #tpu.memory_space<hbm>>
    %dma_start3A_365 = tpu.memref_squeeze %dma_start3A_364 : memref<1x20x1x1024xf32, #tpu.memory_space<hbm>> -> memref<1x20x1024xf32, #tpu.memory_space<hbm>>
    %dma_start3A_366 = arith.constant 0 : i32
    %dma_start3A_367 = arith.constant 0 : i32
    %dma_start3A_368 = tpu.memref_slice %arg4[%add3A_360, %dma_start3A_366, %dma_start3A_361, %dma_start3A_367] : memref<1024x20x1x1024xf32, #tpu.memory_space<hbm>> -> memref<1x20x1x1024xf32, #tpu.memory_space<hbm>>
    %dma_start3A_369 = tpu.memref_squeeze %dma_start3A_368 : memref<1x20x1x1024xf32, #tpu.memory_space<hbm>> -> memref<1x20x1024xf32, #tpu.memory_space<hbm>>
    tpu.enqueue_dma source(%arg9 : memref<1x20x1024xf32, #tpu.memory_space<vmem>>) target(%dma_start3A_369 : memref<1x20x1024xf32, #tpu.memory_space<hbm>>) target_semaphore(%arg19 : memref<!tpu.dma_semaphore, #tpu.memory_space<semaphore_mem>>)
    %dma_wait3A_370 = arith.constant 0 : i32
    %dma_wait3A_371 = arith.constant 0 : i32
    %dma_wait3A_372 = arith.constant 0 : i32
    %dma_wait3A_373 = tpu.memref_slice %arg4[%add3A_272, %dma_wait3A_371, %dma_wait3A_370, %dma_wait3A_372] : memref<1024x20x1x1024xf32, #tpu.memory_space<hbm>> -> memref<1x20x1x1024xf32, #tpu.memory_space<hbm>>
    %dma_wait3A_374 = tpu.memref_squeeze %dma_wait3A_373 : memref<1x20x1x1024xf32, #tpu.memory_space<hbm>> -> memref<1x20x1024xf32, #tpu.memory_space<hbm>>
    %dma_wait3A_375 = arith.constant 0 : i32
    %dma_wait3A_376 = arith.constant 0 : i32
    %dma_wait3A_377 = tpu.memref_slice %arg4[%add3A_272, %dma_wait3A_375, %dma_wait3A_370, %dma_wait3A_376] : memref<1024x20x1x1024xf32, #tpu.memory_space<hbm>> -> memref<1x20x1x1024xf32, #tpu.memory_space<hbm>>
    %dma_wait3A_378 = tpu.memref_squeeze %dma_wait3A_377 : memref<1x20x1x1024xf32, #tpu.memory_space<hbm>> -> memref<1x20x1024xf32, #tpu.memory_space<hbm>>
    tpu.wait_dma2 semaphore(%arg17 : memref<!tpu.dma_semaphore, #tpu.memory_space<semaphore_mem>>) src(%arg7 : memref<1x20x1024xf32, #tpu.memory_space<vmem>>) dst(%dma_wait3A_378 : memref<1x20x1024xf32, #tpu.memory_space<hbm>>)
    %dma_start3A_379 = arith.constant 10 : i32
    %dma_start3A_380 = arith.constant 0 : i32
    %dma_start3A_381 = arith.constant 0 : i32
    %dma_start3A_382 = arith.constant 0 : i32
    %dma_start3A_383 = tpu.memref_slice %arg7[%dma_start3A_380, %dma_start3A_381, %dma_start3A_382] : memref<1x20x1024xf32, #tpu.memory_space<vmem>> -> memref<1x20x1024xf32, #tpu.memory_space<vmem>>
    %dma_start3A_384 = tpu.memref_squeeze %dma_start3A_383 : memref<1x20x1024xf32, #tpu.memory_space<vmem>> -> memref<20x1024xf32, #tpu.memory_space<vmem>>
    %dma_start3A_385 = arith.constant 0 : i32
    %dma_start3A_386 = tpu.memref_slice %arg5[%dma_start3A_379, %dma_start3A_385] : memref<32x20xi32, #tpu.memory_space<vmem>> -> memref<1x20xi32, #tpu.memory_space<vmem>>
    %dma_start3A_387 = tpu.memref_squeeze %dma_start3A_386 : memref<1x20xi32, #tpu.memory_space<vmem>> -> memref<20xi32, #tpu.memory_space<vmem>>
    %dma_start3A_388 = arith.constant 0 : i32
    %dma_start3A_389 = arith.constant 0 : i32
    %dma_start3A_390 = tpu.memref_slice %arg6[%dma_start3A_388, %dma_start3A_389] : memref<256x1024xf32, #tpu.memory_space<vmem_shared>> -> memref<256x1024xf32, #tpu.memory_space<vmem_shared>>
    tpu.enqueue_indirect_dma source(%dma_start3A_390 : memref<256x1024xf32, #tpu.memory_space<vmem_shared>>) target(%dma_start3A_384 : memref<20x1024xf32, #tpu.memory_space<vmem>>) offsets(%dma_start3A_387 : memref<20xi32, #tpu.memory_space<vmem>>) semaphore(%arg12 : memref<!tpu.dma_semaphore, #tpu.memory_space<semaphore_mem>>)
    %dma_wait3A_391 = arith.constant 8 : i32
    %dma_wait3A_392 = arith.constant 0 : i32
    %dma_wait3A_393 = arith.constant 0 : i32
    %dma_wait3A_394 = arith.constant 0 : i32
    %dma_wait3A_395 = tpu.memref_slice %arg10[%dma_wait3A_392, %dma_wait3A_393, %dma_wait3A_394] : memref<1x20x1024xf32, #tpu.memory_space<vmem>> -> memref<1x20x1024xf32, #tpu.memory_space<vmem>>
    %dma_wait3A_396 = tpu.memref_squeeze %dma_wait3A_395 : memref<1x20x1024xf32, #tpu.memory_space<vmem>> -> memref<20x1024xf32, #tpu.memory_space<vmem>>
    %dma_wait3A_397 = arith.constant 0 : i32
    %dma_wait3A_398 = tpu.memref_slice %arg5[%dma_wait3A_391, %dma_wait3A_397] : memref<32x20xi32, #tpu.memory_space<vmem>> -> memref<1x20xi32, #tpu.memory_space<vmem>>
    %dma_wait3A_399 = tpu.memref_squeeze %dma_wait3A_398 : memref<1x20xi32, #tpu.memory_space<vmem>> -> memref<20xi32, #tpu.memory_space<vmem>>
    %dma_wait3A_400 = arith.constant 0 : i32
    %dma_wait3A_401 = arith.constant 0 : i32
    %dma_wait3A_402 = tpu.memref_slice %arg6[%dma_wait3A_400, %dma_wait3A_401] : memref<256x1024xf32, #tpu.memory_space<vmem_shared>> -> memref<256x1024xf32, #tpu.memory_space<vmem_shared>>
    tpu.wait_indirect_dma semaphore(%arg15 : memref<!tpu.dma_semaphore, #tpu.memory_space<semaphore_mem>>) src(%dma_wait3A_402 : memref<256x1024xf32, #tpu.memory_space<vmem_shared>>) dst(%dma_wait3A_396 : memref<20x1024xf32, #tpu.memory_space<vmem>>)
    %add3A_403 = arith.constant 8 : i32
    %add3A_404 = arith.addi %mul3A_2, %add3A_403 : i32
    %dma_start3A_405 = arith.constant 0 : i32
    %dma_start3A_406 = arith.constant 0 : i32
    %dma_start3A_407 = arith.constant 0 : i32
    %dma_start3A_408 = tpu.memref_slice %arg4[%add3A_404, %dma_start3A_406, %dma_start3A_405, %dma_start3A_407] : memref<1024x20x1x1024xf32, #tpu.memory_space<hbm>> -> memref<1x20x1x1024xf32, #tpu.memory_space<hbm>>
    %dma_start3A_409 = tpu.memref_squeeze %dma_start3A_408 : memref<1x20x1x1024xf32, #tpu.memory_space<hbm>> -> memref<1x20x1024xf32, #tpu.memory_space<hbm>>
    %dma_start3A_410 = arith.constant 0 : i32
    %dma_start3A_411 = arith.constant 0 : i32
    %dma_start3A_412 = tpu.memref_slice %arg4[%add3A_404, %dma_start3A_410, %dma_start3A_405, %dma_start3A_411] : memref<1024x20x1x1024xf32, #tpu.memory_space<hbm>> -> memref<1x20x1x1024xf32, #tpu.memory_space<hbm>>
    %dma_start3A_413 = tpu.memref_squeeze %dma_start3A_412 : memref<1x20x1x1024xf32, #tpu.memory_space<hbm>> -> memref<1x20x1024xf32, #tpu.memory_space<hbm>>
    tpu.enqueue_dma source(%arg10 : memref<1x20x1024xf32, #tpu.memory_space<vmem>>) target(%dma_start3A_413 : memref<1x20x1024xf32, #tpu.memory_space<hbm>>) target_semaphore(%arg20 : memref<!tpu.dma_semaphore, #tpu.memory_space<semaphore_mem>>)
    %dma_wait3A_414 = arith.constant 0 : i32
    %dma_wait3A_415 = arith.constant 0 : i32
    %dma_wait3A_416 = arith.constant 0 : i32
    %dma_wait3A_417 = tpu.memref_slice %arg4[%add3A_316, %dma_wait3A_415, %dma_wait3A_414, %dma_wait3A_416] : memref<1024x20x1x1024xf32, #tpu.memory_space<hbm>> -> memref<1x20x1x1024xf32, #tpu.memory_space<hbm>>
    %dma_wait3A_418 = tpu.memref_squeeze %dma_wait3A_417 : memref<1x20x1x1024xf32, #tpu.memory_space<hbm>> -> memref<1x20x1024xf32, #tpu.memory_space<hbm>>
    %dma_wait3A_419 = arith.constant 0 : i32
    %dma_wait3A_420 = arith.constant 0 : i32
    %dma_wait3A_421 = tpu.memref_slice %arg4[%add3A_316, %dma_wait3A_419, %dma_wait3A_414, %dma_wait3A_420] : memref<1024x20x1x1024xf32, #tpu.memory_space<hbm>> -> memref<1x20x1x1024xf32, #tpu.memory_space<hbm>>
    %dma_wait3A_422 = tpu.memref_squeeze %dma_wait3A_421 : memref<1x20x1x1024xf32, #tpu.memory_space<hbm>> -> memref<1x20x1024xf32, #tpu.memory_space<hbm>>
    tpu.wait_dma2 semaphore(%arg18 : memref<!tpu.dma_semaphore, #tpu.memory_space<semaphore_mem>>) src(%arg8 : memref<1x20x1024xf32, #tpu.memory_space<vmem>>) dst(%dma_wait3A_422 : memref<1x20x1024xf32, #tpu.memory_space<hbm>>)
    %dma_start3A_423 = arith.constant 11 : i32
    %dma_start3A_424 = arith.constant 0 : i32
    %dma_start3A_425 = arith.constant 0 : i32
    %dma_start3A_426 = arith.constant 0 : i32
    %dma_start3A_427 = tpu.memref_slice %arg8[%dma_start3A_424, %dma_start3A_425, %dma_start3A_426] : memref<1x20x1024xf32, #tpu.memory_space<vmem>> -> memref<1x20x1024xf32, #tpu.memory_space<vmem>>
    %dma_start3A_428 = tpu.memref_squeeze %dma_start3A_427 : memref<1x20x1024xf32, #tpu.memory_space<vmem>> -> memref<20x1024xf32, #tpu.memory_space<vmem>>
    %dma_start3A_429 = arith.constant 0 : i32
    %dma_start3A_430 = tpu.memref_slice %arg5[%dma_start3A_423, %dma_start3A_429] : memref<32x20xi32, #tpu.memory_space<vmem>> -> memref<1x20xi32, #tpu.memory_space<vmem>>
    %dma_start3A_431 = tpu.memref_squeeze %dma_start3A_430 : memref<1x20xi32, #tpu.memory_space<vmem>> -> memref<20xi32, #tpu.memory_space<vmem>>
    %dma_start3A_432 = arith.constant 0 : i32
    %dma_start3A_433 = arith.constant 0 : i32
    %dma_start3A_434 = tpu.memref_slice %arg6[%dma_start3A_432, %dma_start3A_433] : memref<256x1024xf32, #tpu.memory_space<vmem_shared>> -> memref<256x1024xf32, #tpu.memory_space<vmem_shared>>
    tpu.enqueue_indirect_dma source(%dma_start3A_434 : memref<256x1024xf32, #tpu.memory_space<vmem_shared>>) target(%dma_start3A_428 : memref<20x1024xf32, #tpu.memory_space<vmem>>) offsets(%dma_start3A_431 : memref<20xi32, #tpu.memory_space<vmem>>) semaphore(%arg13 : memref<!tpu.dma_semaphore, #tpu.memory_space<semaphore_mem>>)
    %dma_wait3A_435 = arith.constant 9 : i32
    %dma_wait3A_436 = arith.constant 0 : i32
    %dma_wait3A_437 = arith.constant 0 : i32
    %dma_wait3A_438 = arith.constant 0 : i32
    %dma_wait3A_439 = tpu.memref_slice %arg11[%dma_wait3A_436, %dma_wait3A_437, %dma_wait3A_438] : memref<1x20x1024xf32, #tpu.memory_space<vmem>> -> memref<1x20x1024xf32, #tpu.memory_space<vmem>>
    %dma_wait3A_440 = tpu.memref_squeeze %dma_wait3A_439 : memref<1x20x1024xf32, #tpu.memory_space<vmem>> -> memref<20x1024xf32, #tpu.memory_space<vmem>>
    %dma_wait3A_441 = arith.constant 0 : i32
    %dma_wait3A_442 = tpu.memref_slice %arg5[%dma_wait3A_435, %dma_wait3A_441] : memref<32x20xi32, #tpu.memory_space<vmem>> -> memref<1x20xi32, #tpu.memory_space<vmem>>
    %dma_wait3A_443 = tpu.memref_squeeze %dma_wait3A_442 : memref<1x20xi32, #tpu.memory_space<vmem>> -> memref<20xi32, #tpu.memory_space<vmem>>
    %dma_wait3A_444 = arith.constant 0 : i32
    %dma_wait3A_445 = arith.constant 0 : i32
    %dma_wait3A_446 = tpu.memref_slice %arg6[%dma_wait3A_444, %dma_wait3A_445] : memref<256x1024xf32, #tpu.memory_space<vmem_shared>> -> memref<256x1024xf32, #tpu.memory_space<vmem_shared>>
    tpu.wait_indirect_dma semaphore(%arg16 : memref<!tpu.dma_semaphore, #tpu.memory_space<semaphore_mem>>) src(%dma_wait3A_446 : memref<256x1024xf32, #tpu.memory_space<vmem_shared>>) dst(%dma_wait3A_440 : memref<20x1024xf32, #tpu.memory_space<vmem>>)
    %add3A_447 = arith.constant 9 : i32
    %add3A_448 = arith.addi %mul3A_2, %add3A_447 : i32
    %dma_start3A_449 = arith.constant 0 : i32
    %dma_start3A_450 = arith.constant 0 : i32
    %dma_start3A_451 = arith.constant 0 : i32
    %dma_start3A_452 = tpu.memref_slice %arg4[%add3A_448, %dma_start3A_450, %dma_start3A_449, %dma_start3A_451] : memref<1024x20x1x1024xf32, #tpu.memory_space<hbm>> -> memref<1x20x1x1024xf32, #tpu.memory_space<hbm>>
    %dma_start3A_453 = tpu.memref_squeeze %dma_start3A_452 : memref<1x20x1x1024xf32, #tpu.memory_space<hbm>> -> memref<1x20x1024xf32, #tpu.memory_space<hbm>>
    %dma_start3A_454 = arith.constant 0 : i32
    %dma_start3A_455 = arith.constant 0 : i32
    %dma_start3A_456 = tpu.memref_slice %arg4[%add3A_448, %dma_start3A_454, %dma_start3A_449, %dma_start3A_455] : memref<1024x20x1x1024xf32, #tpu.memory_space<hbm>> -> memref<1x20x1x1024xf32, #tpu.memory_space<hbm>>
    %dma_start3A_457 = tpu.memref_squeeze %dma_start3A_456 : memref<1x20x1x1024xf32, #tpu.memory_space<hbm>> -> memref<1x20x1024xf32, #tpu.memory_space<hbm>>
    tpu.enqueue_dma source(%arg11 : memref<1x20x1024xf32, #tpu.memory_space<vmem>>) target(%dma_start3A_457 : memref<1x20x1024xf32, #tpu.memory_space<hbm>>) target_semaphore(%arg21 : memref<!tpu.dma_semaphore, #tpu.memory_space<semaphore_mem>>)
    %dma_wait3A_458 = arith.constant 0 : i32
    %dma_wait3A_459 = arith.constant 0 : i32
    %dma_wait3A_460 = arith.constant 0 : i32
    %dma_wait3A_461 = tpu.memref_slice %arg4[%add3A_360, %dma_wait3A_459, %dma_wait3A_458, %dma_wait3A_460] : memref<1024x20x1x1024xf32, #tpu.memory_space<hbm>> -> memref<1x20x1x1024xf32, #tpu.memory_space<hbm>>
    %dma_wait3A_462 = tpu.memref_squeeze %dma_wait3A_461 : memref<1x20x1x1024xf32, #tpu.memory_space<hbm>> -> memref<1x20x1024xf32, #tpu.memory_space<hbm>>
    %dma_wait3A_463 = arith.constant 0 : i32
    %dma_wait3A_464 = arith.constant 0 : i32
    %dma_wait3A_465 = tpu.memref_slice %arg4[%add3A_360, %dma_wait3A_463, %dma_wait3A_458, %dma_wait3A_464] : memref<1024x20x1x1024xf32, #tpu.memory_space<hbm>> -> memref<1x20x1x1024xf32, #tpu.memory_space<hbm>>
    %dma_wait3A_466 = tpu.memref_squeeze %dma_wait3A_465 : memref<1x20x1x1024xf32, #tpu.memory_space<hbm>> -> memref<1x20x1024xf32, #tpu.memory_space<hbm>>
    tpu.wait_dma2 semaphore(%arg19 : memref<!tpu.dma_semaphore, #tpu.memory_space<semaphore_mem>>) src(%arg9 : memref<1x20x1024xf32, #tpu.memory_space<vmem>>) dst(%dma_wait3A_466 : memref<1x20x1024xf32, #tpu.memory_space<hbm>>)
    %dma_start3A_467 = arith.constant 12 : i32
    %dma_start3A_468 = arith.constant 0 : i32
    %dma_start3A_469 = arith.constant 0 : i32
    %dma_start3A_470 = arith.constant 0 : i32
    %dma_start3A_471 = tpu.memref_slice %arg9[%dma_start3A_468, %dma_start3A_469, %dma_start3A_470] : memref<1x20x1024xf32, #tpu.memory_space<vmem>> -> memref<1x20x1024xf32, #tpu.memory_space<vmem>>
    %dma_start3A_472 = tpu.memref_squeeze %dma_start3A_471 : memref<1x20x1024xf32, #tpu.memory_space<vmem>> -> memref<20x1024xf32, #tpu.memory_space<vmem>>
    %dma_start3A_473 = arith.constant 0 : i32
    %dma_start3A_474 = tpu.memref_slice %arg5[%dma_start3A_467, %dma_start3A_473] : memref<32x20xi32, #tpu.memory_space<vmem>> -> memref<1x20xi32, #tpu.memory_space<vmem>>
    %dma_start3A_475 = tpu.memref_squeeze %dma_start3A_474 : memref<1x20xi32, #tpu.memory_space<vmem>> -> memref<20xi32, #tpu.memory_space<vmem>>
    %dma_start3A_476 = arith.constant 0 : i32
    %dma_start3A_477 = arith.constant 0 : i32
    %dma_start3A_478 = tpu.memref_slice %arg6[%dma_start3A_476, %dma_start3A_477] : memref<256x1024xf32, #tpu.memory_space<vmem_shared>> -> memref<256x1024xf32, #tpu.memory_space<vmem_shared>>
    tpu.enqueue_indirect_dma source(%dma_start3A_478 : memref<256x1024xf32, #tpu.memory_space<vmem_shared>>) target(%dma_start3A_472 : memref<20x1024xf32, #tpu.memory_space<vmem>>) offsets(%dma_start3A_475 : memref<20xi32, #tpu.memory_space<vmem>>) semaphore(%arg14 : memref<!tpu.dma_semaphore, #tpu.memory_space<semaphore_mem>>)
    %dma_wait3A_479 = arith.constant 10 : i32
    %dma_wait3A_480 = arith.constant 0 : i32
    %dma_wait3A_481 = arith.constant 0 : i32
    %dma_wait3A_482 = arith.constant 0 : i32
    %dma_wait3A_483 = tpu.memref_slice %arg7[%dma_wait3A_480, %dma_wait3A_481, %dma_wait3A_482] : memref<1x20x1024xf32, #tpu.memory_space<vmem>> -> memref<1x20x1024xf32, #tpu.memory_space<vmem>>
    %dma_wait3A_484 = tpu.memref_squeeze %dma_wait3A_483 : memref<1x20x1024xf32, #tpu.memory_space<vmem>> -> memref<20x1024xf32, #tpu.memory_space<vmem>>
    %dma_wait3A_485 = arith.constant 0 : i32
    %dma_wait3A_486 = tpu.memref_slice %arg5[%dma_wait3A_479, %dma_wait3A_485] : memref<32x20xi32, #tpu.memory_space<vmem>> -> memref<1x20xi32, #tpu.memory_space<vmem>>
    %dma_wait3A_487 = tpu.memref_squeeze %dma_wait3A_486 : memref<1x20xi32, #tpu.memory_space<vmem>> -> memref<20xi32, #tpu.memory_space<vmem>>
    %dma_wait3A_488 = arith.constant 0 : i32
    %dma_wait3A_489 = arith.constant 0 : i32
    %dma_wait3A_490 = tpu.memref_slice %arg6[%dma_wait3A_488, %dma_wait3A_489] : memref<256x1024xf32, #tpu.memory_space<vmem_shared>> -> memref<256x1024xf32, #tpu.memory_space<vmem_shared>>
    tpu.wait_indirect_dma semaphore(%arg12 : memref<!tpu.dma_semaphore, #tpu.memory_space<semaphore_mem>>) src(%dma_wait3A_490 : memref<256x1024xf32, #tpu.memory_space<vmem_shared>>) dst(%dma_wait3A_484 : memref<20x1024xf32, #tpu.memory_space<vmem>>)
    %add3A_491 = arith.constant 10 : i32
    %add3A_492 = arith.addi %mul3A_2, %add3A_491 : i32
    %dma_start3A_493 = arith.constant 0 : i32
    %dma_start3A_494 = arith.constant 0 : i32
    %dma_start3A_495 = arith.constant 0 : i32
    %dma_start3A_496 = tpu.memref_slice %arg4[%add3A_492, %dma_start3A_494, %dma_start3A_493, %dma_start3A_495] : memref<1024x20x1x1024xf32, #tpu.memory_space<hbm>> -> memref<1x20x1x1024xf32, #tpu.memory_space<hbm>>
    %dma_start3A_497 = tpu.memref_squeeze %dma_start3A_496 : memref<1x20x1x1024xf32, #tpu.memory_space<hbm>> -> memref<1x20x1024xf32, #tpu.memory_space<hbm>>
    %dma_start3A_498 = arith.constant 0 : i32
    %dma_start3A_499 = arith.constant 0 : i32
    %dma_start3A_500 = tpu.memref_slice %arg4[%add3A_492, %dma_start3A_498, %dma_start3A_493, %dma_start3A_499] : memref<1024x20x1x1024xf32, #tpu.memory_space<hbm>> -> memref<1x20x1x1024xf32, #tpu.memory_space<hbm>>
    %dma_start3A_501 = tpu.memref_squeeze %dma_start3A_500 : memref<1x20x1x1024xf32, #tpu.memory_space<hbm>> -> memref<1x20x1024xf32, #tpu.memory_space<hbm>>
    tpu.enqueue_dma source(%arg7 : memref<1x20x1024xf32, #tpu.memory_space<vmem>>) target(%dma_start3A_501 : memref<1x20x1024xf32, #tpu.memory_space<hbm>>) target_semaphore(%arg17 : memref<!tpu.dma_semaphore, #tpu.memory_space<semaphore_mem>>)
    %dma_wait3A_502 = arith.constant 0 : i32
    %dma_wait3A_503 = arith.constant 0 : i32
    %dma_wait3A_504 = arith.constant 0 : i32
    %dma_wait3A_505 = tpu.memref_slice %arg4[%add3A_404, %dma_wait3A_503, %dma_wait3A_502, %dma_wait3A_504] : memref<1024x20x1x1024xf32, #tpu.memory_space<hbm>> -> memref<1x20x1x1024xf32, #tpu.memory_space<hbm>>
    %dma_wait3A_506 = tpu.memref_squeeze %dma_wait3A_505 : memref<1x20x1x1024xf32, #tpu.memory_space<hbm>> -> memref<1x20x1024xf32, #tpu.memory_space<hbm>>
    %dma_wait3A_507 = arith.constant 0 : i32
    %dma_wait3A_508 = arith.constant 0 : i32
    %dma_wait3A_509 = tpu.memref_slice %arg4[%add3A_404, %dma_wait3A_507, %dma_wait3A_502, %dma_wait3A_508] : memref<1024x20x1x1024xf32, #tpu.memory_space<hbm>> -> memref<1x20x1x1024xf32, #tpu.memory_space<hbm>>
    %dma_wait3A_510 = tpu.memref_squeeze %dma_wait3A_509 : memref<1x20x1x1024xf32, #tpu.memory_space<hbm>> -> memref<1x20x1024xf32, #tpu.memory_space<hbm>>
    tpu.wait_dma2 semaphore(%arg20 : memref<!tpu.dma_semaphore, #tpu.memory_space<semaphore_mem>>) src(%arg10 : memref<1x20x1024xf32, #tpu.memory_space<vmem>>) dst(%dma_wait3A_510 : memref<1x20x1024xf32, #tpu.memory_space<hbm>>)
    %dma_start3A_511 = arith.constant 13 : i32
    %dma_start3A_512 = arith.constant 0 : i32
    %dma_start3A_513 = arith.constant 0 : i32
    %dma_start3A_514 = arith.constant 0 : i32
    %dma_start3A_515 = tpu.memref_slice %arg10[%dma_start3A_512, %dma_start3A_513, %dma_start3A_514] : memref<1x20x1024xf32, #tpu.memory_space<vmem>> -> memref<1x20x1024xf32, #tpu.memory_space<vmem>>
    %dma_start3A_516 = tpu.memref_squeeze %dma_start3A_515 : memref<1x20x1024xf32, #tpu.memory_space<vmem>> -> memref<20x1024xf32, #tpu.memory_space<vmem>>
    %dma_start3A_517 = arith.constant 0 : i32
    %dma_start3A_518 = tpu.memref_slice %arg5[%dma_start3A_511, %dma_start3A_517] : memref<32x20xi32, #tpu.memory_space<vmem>> -> memref<1x20xi32, #tpu.memory_space<vmem>>
    %dma_start3A_519 = tpu.memref_squeeze %dma_start3A_518 : memref<1x20xi32, #tpu.memory_space<vmem>> -> memref<20xi32, #tpu.memory_space<vmem>>
    %dma_start3A_520 = arith.constant 0 : i32
    %dma_start3A_521 = arith.constant 0 : i32
    %dma_start3A_522 = tpu.memref_slice %arg6[%dma_start3A_520, %dma_start3A_521] : memref<256x1024xf32, #tpu.memory_space<vmem_shared>> -> memref<256x1024xf32, #tpu.memory_space<vmem_shared>>
    tpu.enqueue_indirect_dma source(%dma_start3A_522 : memref<256x1024xf32, #tpu.memory_space<vmem_shared>>) target(%dma_start3A_516 : memref<20x1024xf32, #tpu.memory_space<vmem>>) offsets(%dma_start3A_519 : memref<20xi32, #tpu.memory_space<vmem>>) semaphore(%arg15 : memref<!tpu.dma_semaphore, #tpu.memory_space<semaphore_mem>>)
    %dma_wait3A_523 = arith.constant 11 : i32
    %dma_wait3A_524 = arith.constant 0 : i32
    %dma_wait3A_525 = arith.constant 0 : i32
    %dma_wait3A_526 = arith.constant 0 : i32
    %dma_wait3A_527 = tpu.memref_slice %arg8[%dma_wait3A_524, %dma_wait3A_525, %dma_wait3A_526] : memref<1x20x1024xf32, #tpu.memory_space<vmem>> -> memref<1x20x1024xf32, #tpu.memory_space<vmem>>
    %dma_wait3A_528 = tpu.memref_squeeze %dma_wait3A_527 : memref<1x20x1024xf32, #tpu.memory_space<vmem>> -> memref<20x1024xf32, #tpu.memory_space<vmem>>
    %dma_wait3A_529 = arith.constant 0 : i32
    %dma_wait3A_530 = tpu.memref_slice %arg5[%dma_wait3A_523, %dma_wait3A_529] : memref<32x20xi32, #tpu.memory_space<vmem>> -> memref<1x20xi32, #tpu.memory_space<vmem>>
    %dma_wait3A_531 = tpu.memref_squeeze %dma_wait3A_530 : memref<1x20xi32, #tpu.memory_space<vmem>> -> memref<20xi32, #tpu.memory_space<vmem>>
    %dma_wait3A_532 = arith.constant 0 : i32
    %dma_wait3A_533 = arith.constant 0 : i32
    %dma_wait3A_534 = tpu.memref_slice %arg6[%dma_wait3A_532, %dma_wait3A_533] : memref<256x1024xf32, #tpu.memory_space<vmem_shared>> -> memref<256x1024xf32, #tpu.memory_space<vmem_shared>>
    tpu.wait_indirect_dma semaphore(%arg13 : memref<!tpu.dma_semaphore, #tpu.memory_space<semaphore_mem>>) src(%dma_wait3A_534 : memref<256x1024xf32, #tpu.memory_space<vmem_shared>>) dst(%dma_wait3A_528 : memref<20x1024xf32, #tpu.memory_space<vmem>>)
    %add3A_535 = arith.constant 11 : i32
    %add3A_536 = arith.addi %mul3A_2, %add3A_535 : i32
    %dma_start3A_537 = arith.constant 0 : i32
    %dma_start3A_538 = arith.constant 0 : i32
    %dma_start3A_539 = arith.constant 0 : i32
    %dma_start3A_540 = tpu.memref_slice %arg4[%add3A_536, %dma_start3A_538, %dma_start3A_537, %dma_start3A_539] : memref<1024x20x1x1024xf32, #tpu.memory_space<hbm>> -> memref<1x20x1x1024xf32, #tpu.memory_space<hbm>>
    %dma_start3A_541 = tpu.memref_squeeze %dma_start3A_540 : memref<1x20x1x1024xf32, #tpu.memory_space<hbm>> -> memref<1x20x1024xf32, #tpu.memory_space<hbm>>
    %dma_start3A_542 = arith.constant 0 : i32
    %dma_start3A_543 = arith.constant 0 : i32
    %dma_start3A_544 = tpu.memref_slice %arg4[%add3A_536, %dma_start3A_542, %dma_start3A_537, %dma_start3A_543] : memref<1024x20x1x1024xf32, #tpu.memory_space<hbm>> -> memref<1x20x1x1024xf32, #tpu.memory_space<hbm>>
    %dma_start3A_545 = tpu.memref_squeeze %dma_start3A_544 : memref<1x20x1x1024xf32, #tpu.memory_space<hbm>> -> memref<1x20x1024xf32, #tpu.memory_space<hbm>>
    tpu.enqueue_dma source(%arg8 : memref<1x20x1024xf32, #tpu.memory_space<vmem>>) target(%dma_start3A_545 : memref<1x20x1024xf32, #tpu.memory_space<hbm>>) target_semaphore(%arg18 : memref<!tpu.dma_semaphore, #tpu.memory_space<semaphore_mem>>)
    %dma_wait3A_546 = arith.constant 0 : i32
    %dma_wait3A_547 = arith.constant 0 : i32
    %dma_wait3A_548 = arith.constant 0 : i32
    %dma_wait3A_549 = tpu.memref_slice %arg4[%add3A_448, %dma_wait3A_547, %dma_wait3A_546, %dma_wait3A_548] : memref<1024x20x1x1024xf32, #tpu.memory_space<hbm>> -> memref<1x20x1x1024xf32, #tpu.memory_space<hbm>>
    %dma_wait3A_550 = tpu.memref_squeeze %dma_wait3A_549 : memref<1x20x1x1024xf32, #tpu.memory_space<hbm>> -> memref<1x20x1024xf32, #tpu.memory_space<hbm>>
    %dma_wait3A_551 = arith.constant 0 : i32
    %dma_wait3A_552 = arith.constant 0 : i32
    %dma_wait3A_553 = tpu.memref_slice %arg4[%add3A_448, %dma_wait3A_551, %dma_wait3A_546, %dma_wait3A_552] : memref<1024x20x1x1024xf32, #tpu.memory_space<hbm>> -> memref<1x20x1x1024xf32, #tpu.memory_space<hbm>>
    %dma_wait3A_554 = tpu.memref_squeeze %dma_wait3A_553 : memref<1x20x1x1024xf32, #tpu.memory_space<hbm>> -> memref<1x20x1024xf32, #tpu.memory_space<hbm>>
    tpu.wait_dma2 semaphore(%arg21 : memref<!tpu.dma_semaphore, #tpu.memory_space<semaphore_mem>>) src(%arg11 : memref<1x20x1024xf32, #tpu.memory_space<vmem>>) dst(%dma_wait3A_554 : memref<1x20x1024xf32, #tpu.memory_space<hbm>>)
    %dma_start3A_555 = arith.constant 14 : i32
    %dma_start3A_556 = arith.constant 0 : i32
    %dma_start3A_557 = arith.constant 0 : i32
    %dma_start3A_558 = arith.constant 0 : i32
    %dma_start3A_559 = tpu.memref_slice %arg11[%dma_start3A_556, %dma_start3A_557, %dma_start3A_558] : memref<1x20x1024xf32, #tpu.memory_space<vmem>> -> memref<1x20x1024xf32, #tpu.memory_space<vmem>>
    %dma_start3A_560 = tpu.memref_squeeze %dma_start3A_559 : memref<1x20x1024xf32, #tpu.memory_space<vmem>> -> memref<20x1024xf32, #tpu.memory_space<vmem>>
    %dma_start3A_561 = arith.constant 0 : i32
    %dma_start3A_562 = tpu.memref_slice %arg5[%dma_start3A_555, %dma_start3A_561] : memref<32x20xi32, #tpu.memory_space<vmem>> -> memref<1x20xi32, #tpu.memory_space<vmem>>
    %dma_start3A_563 = tpu.memref_squeeze %dma_start3A_562 : memref<1x20xi32, #tpu.memory_space<vmem>> -> memref<20xi32, #tpu.memory_space<vmem>>
    %dma_start3A_564 = arith.constant 0 : i32
    %dma_start3A_565 = arith.constant 0 : i32
    %dma_start3A_566 = tpu.memref_slice %arg6[%dma_start3A_564, %dma_start3A_565] : memref<256x1024xf32, #tpu.memory_space<vmem_shared>> -> memref<256x1024xf32, #tpu.memory_space<vmem_shared>>
    tpu.enqueue_indirect_dma source(%dma_start3A_566 : memref<256x1024xf32, #tpu.memory_space<vmem_shared>>) target(%dma_start3A_560 : memref<20x1024xf32, #tpu.memory_space<vmem>>) offsets(%dma_start3A_563 : memref<20xi32, #tpu.memory_space<vmem>>) semaphore(%arg16 : memref<!tpu.dma_semaphore, #tpu.memory_space<semaphore_mem>>)
    %dma_wait3A_567 = arith.constant 12 : i32
    %dma_wait3A_568 = arith.constant 0 : i32
    %dma_wait3A_569 = arith.constant 0 : i32
    %dma_wait3A_570 = arith.constant 0 : i32
    %dma_wait3A_571 = tpu.memref_slice %arg9[%dma_wait3A_568, %dma_wait3A_569, %dma_wait3A_570] : memref<1x20x1024xf32, #tpu.memory_space<vmem>> -> memref<1x20x1024xf32, #tpu.memory_space<vmem>>
    %dma_wait3A_572 = tpu.memref_squeeze %dma_wait3A_571 : memref<1x20x1024xf32, #tpu.memory_space<vmem>> -> memref<20x1024xf32, #tpu.memory_space<vmem>>
    %dma_wait3A_573 = arith.constant 0 : i32
    %dma_wait3A_574 = tpu.memref_slice %arg5[%dma_wait3A_567, %dma_wait3A_573] : memref<32x20xi32, #tpu.memory_space<vmem>> -> memref<1x20xi32, #tpu.memory_space<vmem>>
    %dma_wait3A_575 = tpu.memref_squeeze %dma_wait3A_574 : memref<1x20xi32, #tpu.memory_space<vmem>> -> memref<20xi32, #tpu.memory_space<vmem>>
    %dma_wait3A_576 = arith.constant 0 : i32
    %dma_wait3A_577 = arith.constant 0 : i32
    %dma_wait3A_578 = tpu.memref_slice %arg6[%dma_wait3A_576, %dma_wait3A_577] : memref<256x1024xf32, #tpu.memory_space<vmem_shared>> -> memref<256x1024xf32, #tpu.memory_space<vmem_shared>>
    tpu.wait_indirect_dma semaphore(%arg14 : memref<!tpu.dma_semaphore, #tpu.memory_space<semaphore_mem>>) src(%dma_wait3A_578 : memref<256x1024xf32, #tpu.memory_space<vmem_shared>>) dst(%dma_wait3A_572 : memref<20x1024xf32, #tpu.memory_space<vmem>>)
    %add3A_579 = arith.constant 12 : i32
    %add3A_580 = arith.addi %mul3A_2, %add3A_579 : i32
    %dma_start3A_581 = arith.constant 0 : i32
    %dma_start3A_582 = arith.constant 0 : i32
    %dma_start3A_583 = arith.constant 0 : i32
    %dma_start3A_584 = tpu.memref_slice %arg4[%add3A_580, %dma_start3A_582, %dma_start3A_581, %dma_start3A_583] : memref<1024x20x1x1024xf32, #tpu.memory_space<hbm>> -> memref<1x20x1x1024xf32, #tpu.memory_space<hbm>>
    %dma_start3A_585 = tpu.memref_squeeze %dma_start3A_584 : memref<1x20x1x1024xf32, #tpu.memory_space<hbm>> -> memref<1x20x1024xf32, #tpu.memory_space<hbm>>
    %dma_start3A_586 = arith.constant 0 : i32
    %dma_start3A_587 = arith.constant 0 : i32
    %dma_start3A_588 = tpu.memref_slice %arg4[%add3A_580, %dma_start3A_586, %dma_start3A_581, %dma_start3A_587] : memref<1024x20x1x1024xf32, #tpu.memory_space<hbm>> -> memref<1x20x1x1024xf32, #tpu.memory_space<hbm>>
    %dma_start3A_589 = tpu.memref_squeeze %dma_start3A_588 : memref<1x20x1x1024xf32, #tpu.memory_space<hbm>> -> memref<1x20x1024xf32, #tpu.memory_space<hbm>>
    tpu.enqueue_dma source(%arg9 : memref<1x20x1024xf32, #tpu.memory_space<vmem>>) target(%dma_start3A_589 : memref<1x20x1024xf32, #tpu.memory_space<hbm>>) target_semaphore(%arg19 : memref<!tpu.dma_semaphore, #tpu.memory_space<semaphore_mem>>)
    %dma_wait3A_590 = arith.constant 0 : i32
    %dma_wait3A_591 = arith.constant 0 : i32
    %dma_wait3A_592 = arith.constant 0 : i32
    %dma_wait3A_593 = tpu.memref_slice %arg4[%add3A_492, %dma_wait3A_591, %dma_wait3A_590, %dma_wait3A_592] : memref<1024x20x1x1024xf32, #tpu.memory_space<hbm>> -> memref<1x20x1x1024xf32, #tpu.memory_space<hbm>>
    %dma_wait3A_594 = tpu.memref_squeeze %dma_wait3A_593 : memref<1x20x1x1024xf32, #tpu.memory_space<hbm>> -> memref<1x20x1024xf32, #tpu.memory_space<hbm>>
    %dma_wait3A_595 = arith.constant 0 : i32
    %dma_wait3A_596 = arith.constant 0 : i32
    %dma_wait3A_597 = tpu.memref_slice %arg4[%add3A_492, %dma_wait3A_595, %dma_wait3A_590, %dma_wait3A_596] : memref<1024x20x1x1024xf32, #tpu.memory_space<hbm>> -> memref<1x20x1x1024xf32, #tpu.memory_space<hbm>>
    %dma_wait3A_598 = tpu.memref_squeeze %dma_wait3A_597 : memref<1x20x1x1024xf32, #tpu.memory_space<hbm>> -> memref<1x20x1024xf32, #tpu.memory_space<hbm>>
    tpu.wait_dma2 semaphore(%arg17 : memref<!tpu.dma_semaphore, #tpu.memory_space<semaphore_mem>>) src(%arg7 : memref<1x20x1024xf32, #tpu.memory_space<vmem>>) dst(%dma_wait3A_598 : memref<1x20x1024xf32, #tpu.memory_space<hbm>>)
    %dma_start3A_599 = arith.constant 15 : i32
    %dma_start3A_600 = arith.constant 0 : i32
    %dma_start3A_601 = arith.constant 0 : i32
    %dma_start3A_602 = arith.constant 0 : i32
    %dma_start3A_603 = tpu.memref_slice %arg7[%dma_start3A_600, %dma_start3A_601, %dma_start3A_602] : memref<1x20x1024xf32, #tpu.memory_space<vmem>> -> memref<1x20x1024xf32, #tpu.memory_space<vmem>>
    %dma_start3A_604 = tpu.memref_squeeze %dma_start3A_603 : memref<1x20x1024xf32, #tpu.memory_space<vmem>> -> memref<20x1024xf32, #tpu.memory_space<vmem>>
    %dma_start3A_605 = arith.constant 0 : i32
    %dma_start3A_606 = tpu.memref_slice %arg5[%dma_start3A_599, %dma_start3A_605] : memref<32x20xi32, #tpu.memory_space<vmem>> -> memref<1x20xi32, #tpu.memory_space<vmem>>
    %dma_start3A_607 = tpu.memref_squeeze %dma_start3A_606 : memref<1x20xi32, #tpu.memory_space<vmem>> -> memref<20xi32, #tpu.memory_space<vmem>>
    %dma_start3A_608 = arith.constant 0 : i32
    %dma_start3A_609 = arith.constant 0 : i32
    %dma_start3A_610 = tpu.memref_slice %arg6[%dma_start3A_608, %dma_start3A_609] : memref<256x1024xf32, #tpu.memory_space<vmem_shared>> -> memref<256x1024xf32, #tpu.memory_space<vmem_shared>>
    tpu.enqueue_indirect_dma source(%dma_start3A_610 : memref<256x1024xf32, #tpu.memory_space<vmem_shared>>) target(%dma_start3A_604 : memref<20x1024xf32, #tpu.memory_space<vmem>>) offsets(%dma_start3A_607 : memref<20xi32, #tpu.memory_space<vmem>>) semaphore(%arg12 : memref<!tpu.dma_semaphore, #tpu.memory_space<semaphore_mem>>)
    %dma_wait3A_611 = arith.constant 13 : i32
    %dma_wait3A_612 = arith.constant 0 : i32
    %dma_wait3A_613 = arith.constant 0 : i32
    %dma_wait3A_614 = arith.constant 0 : i32
    %dma_wait3A_615 = tpu.memref_slice %arg10[%dma_wait3A_612, %dma_wait3A_613, %dma_wait3A_614] : memref<1x20x1024xf32, #tpu.memory_space<vmem>> -> memref<1x20x1024xf32, #tpu.memory_space<vmem>>
    %dma_wait3A_616 = tpu.memref_squeeze %dma_wait3A_615 : memref<1x20x1024xf32, #tpu.memory_space<vmem>> -> memref<20x1024xf32, #tpu.memory_space<vmem>>
    %dma_wait3A_617 = arith.constant 0 : i32
    %dma_wait3A_618 = tpu.memref_slice %arg5[%dma_wait3A_611, %dma_wait3A_617] : memref<32x20xi32, #tpu.memory_space<vmem>> -> memref<1x20xi32, #tpu.memory_space<vmem>>
    %dma_wait3A_619 = tpu.memref_squeeze %dma_wait3A_618 : memref<1x20xi32, #tpu.memory_space<vmem>> -> memref<20xi32, #tpu.memory_space<vmem>>
    %dma_wait3A_620 = arith.constant 0 : i32
    %dma_wait3A_621 = arith.constant 0 : i32
    %dma_wait3A_622 = tpu.memref_slice %arg6[%dma_wait3A_620, %dma_wait3A_621] : memref<256x1024xf32, #tpu.memory_space<vmem_shared>> -> memref<256x1024xf32, #tpu.memory_space<vmem_shared>>
    tpu.wait_indirect_dma semaphore(%arg15 : memref<!tpu.dma_semaphore, #tpu.memory_space<semaphore_mem>>) src(%dma_wait3A_622 : memref<256x1024xf32, #tpu.memory_space<vmem_shared>>) dst(%dma_wait3A_616 : memref<20x1024xf32, #tpu.memory_space<vmem>>)
    %add3A_623 = arith.constant 13 : i32
    %add3A_624 = arith.addi %mul3A_2, %add3A_623 : i32
    %dma_start3A_625 = arith.constant 0 : i32
    %dma_start3A_626 = arith.constant 0 : i32
    %dma_start3A_627 = arith.constant 0 : i32
    %dma_start3A_628 = tpu.memref_slice %arg4[%add3A_624, %dma_start3A_626, %dma_start3A_625, %dma_start3A_627] : memref<1024x20x1x1024xf32, #tpu.memory_space<hbm>> -> memref<1x20x1x1024xf32, #tpu.memory_space<hbm>>
    %dma_start3A_629 = tpu.memref_squeeze %dma_start3A_628 : memref<1x20x1x1024xf32, #tpu.memory_space<hbm>> -> memref<1x20x1024xf32, #tpu.memory_space<hbm>>
    %dma_start3A_630 = arith.constant 0 : i32
    %dma_start3A_631 = arith.constant 0 : i32
    %dma_start3A_632 = tpu.memref_slice %arg4[%add3A_624, %dma_start3A_630, %dma_start3A_625, %dma_start3A_631] : memref<1024x20x1x1024xf32, #tpu.memory_space<hbm>> -> memref<1x20x1x1024xf32, #tpu.memory_space<hbm>>
    %dma_start3A_633 = tpu.memref_squeeze %dma_start3A_632 : memref<1x20x1x1024xf32, #tpu.memory_space<hbm>> -> memref<1x20x1024xf32, #tpu.memory_space<hbm>>
    tpu.enqueue_dma source(%arg10 : memref<1x20x1024xf32, #tpu.memory_space<vmem>>) target(%dma_start3A_633 : memref<1x20x1024xf32, #tpu.memory_space<hbm>>) target_semaphore(%arg20 : memref<!tpu.dma_semaphore, #tpu.memory_space<semaphore_mem>>)
    %dma_wait3A_634 = arith.constant 0 : i32
    %dma_wait3A_635 = arith.constant 0 : i32
    %dma_wait3A_636 = arith.constant 0 : i32
    %dma_wait3A_637 = tpu.memref_slice %arg4[%add3A_536, %dma_wait3A_635, %dma_wait3A_634, %dma_wait3A_636] : memref<1024x20x1x1024xf32, #tpu.memory_space<hbm>> -> memref<1x20x1x1024xf32, #tpu.memory_space<hbm>>
    %dma_wait3A_638 = tpu.memref_squeeze %dma_wait3A_637 : memref<1x20x1x1024xf32, #tpu.memory_space<hbm>> -> memref<1x20x1024xf32, #tpu.memory_space<hbm>>
    %dma_wait3A_639 = arith.constant 0 : i32
    %dma_wait3A_640 = arith.constant 0 : i32
    %dma_wait3A_641 = tpu.memref_slice %arg4[%add3A_536, %dma_wait3A_639, %dma_wait3A_634, %dma_wait3A_640] : memref<1024x20x1x1024xf32, #tpu.memory_space<hbm>> -> memref<1x20x1x1024xf32, #tpu.memory_space<hbm>>
    %dma_wait3A_642 = tpu.memref_squeeze %dma_wait3A_641 : memref<1x20x1x1024xf32, #tpu.memory_space<hbm>> -> memref<1x20x1024xf32, #tpu.memory_space<hbm>>
    tpu.wait_dma2 semaphore(%arg18 : memref<!tpu.dma_semaphore, #tpu.memory_space<semaphore_mem>>) src(%arg8 : memref<1x20x1024xf32, #tpu.memory_space<vmem>>) dst(%dma_wait3A_642 : memref<1x20x1024xf32, #tpu.memory_space<hbm>>)
    %dma_start3A_643 = arith.constant 16 : i32
    %dma_start3A_644 = arith.constant 0 : i32
    %dma_start3A_645 = arith.constant 0 : i32
    %dma_start3A_646 = arith.constant 0 : i32
    %dma_start3A_647 = tpu.memref_slice %arg8[%dma_start3A_644, %dma_start3A_645, %dma_start3A_646] : memref<1x20x1024xf32, #tpu.memory_space<vmem>> -> memref<1x20x1024xf32, #tpu.memory_space<vmem>>
    %dma_start3A_648 = tpu.memref_squeeze %dma_start3A_647 : memref<1x20x1024xf32, #tpu.memory_space<vmem>> -> memref<20x1024xf32, #tpu.memory_space<vmem>>
    %dma_start3A_649 = arith.constant 0 : i32
    %dma_start3A_650 = tpu.memref_slice %arg5[%dma_start3A_643, %dma_start3A_649] : memref<32x20xi32, #tpu.memory_space<vmem>> -> memref<1x20xi32, #tpu.memory_space<vmem>>
    %dma_start3A_651 = tpu.memref_squeeze %dma_start3A_650 : memref<1x20xi32, #tpu.memory_space<vmem>> -> memref<20xi32, #tpu.memory_space<vmem>>
    %dma_start3A_652 = arith.constant 0 : i32
    %dma_start3A_653 = arith.constant 0 : i32
    %dma_start3A_654 = tpu.memref_slice %arg6[%dma_start3A_652, %dma_start3A_653] : memref<256x1024xf32, #tpu.memory_space<vmem_shared>> -> memref<256x1024xf32, #tpu.memory_space<vmem_shared>>
    tpu.enqueue_indirect_dma source(%dma_start3A_654 : memref<256x1024xf32, #tpu.memory_space<vmem_shared>>) target(%dma_start3A_648 : memref<20x1024xf32, #tpu.memory_space<vmem>>) offsets(%dma_start3A_651 : memref<20xi32, #tpu.memory_space<vmem>>) semaphore(%arg13 : memref<!tpu.dma_semaphore, #tpu.memory_space<semaphore_mem>>)
    %dma_wait3A_655 = arith.constant 14 : i32
    %dma_wait3A_656 = arith.constant 0 : i32
    %dma_wait3A_657 = arith.constant 0 : i32
    %dma_wait3A_658 = arith.constant 0 : i32
    %dma_wait3A_659 = tpu.memref_slice %arg11[%dma_wait3A_656, %dma_wait3A_657, %dma_wait3A_658] : memref<1x20x1024xf32, #tpu.memory_space<vmem>> -> memref<1x20x1024xf32, #tpu.memory_space<vmem>>
    %dma_wait3A_660 = tpu.memref_squeeze %dma_wait3A_659 : memref<1x20x1024xf32, #tpu.memory_space<vmem>> -> memref<20x1024xf32, #tpu.memory_space<vmem>>
    %dma_wait3A_661 = arith.constant 0 : i32
    %dma_wait3A_662 = tpu.memref_slice %arg5[%dma_wait3A_655, %dma_wait3A_661] : memref<32x20xi32, #tpu.memory_space<vmem>> -> memref<1x20xi32, #tpu.memory_space<vmem>>
    %dma_wait3A_663 = tpu.memref_squeeze %dma_wait3A_662 : memref<1x20xi32, #tpu.memory_space<vmem>> -> memref<20xi32, #tpu.memory_space<vmem>>
    %dma_wait3A_664 = arith.constant 0 : i32
    %dma_wait3A_665 = arith.constant 0 : i32
    %dma_wait3A_666 = tpu.memref_slice %arg6[%dma_wait3A_664, %dma_wait3A_665] : memref<256x1024xf32, #tpu.memory_space<vmem_shared>> -> memref<256x1024xf32, #tpu.memory_space<vmem_shared>>
    tpu.wait_indirect_dma semaphore(%arg16 : memref<!tpu.dma_semaphore, #tpu.memory_space<semaphore_mem>>) src(%dma_wait3A_666 : memref<256x1024xf32, #tpu.memory_space<vmem_shared>>) dst(%dma_wait3A_660 : memref<20x1024xf32, #tpu.memory_space<vmem>>)
    %add3A_667 = arith.constant 14 : i32
    %add3A_668 = arith.addi %mul3A_2, %add3A_667 : i32
    %dma_start3A_669 = arith.constant 0 : i32
    %dma_start3A_670 = arith.constant 0 : i32
    %dma_start3A_671 = arith.constant 0 : i32
    %dma_start3A_672 = tpu.memref_slice %arg4[%add3A_668, %dma_start3A_670, %dma_start3A_669, %dma_start3A_671] : memref<1024x20x1x1024xf32, #tpu.memory_space<hbm>> -> memref<1x20x1x1024xf32, #tpu.memory_space<hbm>>
    %dma_start3A_673 = tpu.memref_squeeze %dma_start3A_672 : memref<1x20x1x1024xf32, #tpu.memory_space<hbm>> -> memref<1x20x1024xf32, #tpu.memory_space<hbm>>
    %dma_start3A_674 = arith.constant 0 : i32
    %dma_start3A_675 = arith.constant 0 : i32
    %dma_start3A_676 = tpu.memref_slice %arg4[%add3A_668, %dma_start3A_674, %dma_start3A_669, %dma_start3A_675] : memref<1024x20x1x1024xf32, #tpu.memory_space<hbm>> -> memref<1x20x1x1024xf32, #tpu.memory_space<hbm>>
    %dma_start3A_677 = tpu.memref_squeeze %dma_start3A_676 : memref<1x20x1x1024xf32, #tpu.memory_space<hbm>> -> memref<1x20x1024xf32, #tpu.memory_space<hbm>>
    tpu.enqueue_dma source(%arg11 : memref<1x20x1024xf32, #tpu.memory_space<vmem>>) target(%dma_start3A_677 : memref<1x20x1024xf32, #tpu.memory_space<hbm>>) target_semaphore(%arg21 : memref<!tpu.dma_semaphore, #tpu.memory_space<semaphore_mem>>)
    %dma_wait3A_678 = arith.constant 0 : i32
    %dma_wait3A_679 = arith.constant 0 : i32
    %dma_wait3A_680 = arith.constant 0 : i32
    %dma_wait3A_681 = tpu.memref_slice %arg4[%add3A_580, %dma_wait3A_679, %dma_wait3A_678, %dma_wait3A_680] : memref<1024x20x1x1024xf32, #tpu.memory_space<hbm>> -> memref<1x20x1x1024xf32, #tpu.memory_space<hbm>>
    %dma_wait3A_682 = tpu.memref_squeeze %dma_wait3A_681 : memref<1x20x1x1024xf32, #tpu.memory_space<hbm>> -> memref<1x20x1024xf32, #tpu.memory_space<hbm>>
    %dma_wait3A_683 = arith.constant 0 : i32
    %dma_wait3A_684 = arith.constant 0 : i32
    %dma_wait3A_685 = tpu.memref_slice %arg4[%add3A_580, %dma_wait3A_683, %dma_wait3A_678, %dma_wait3A_684] : memref<1024x20x1x1024xf32, #tpu.memory_space<hbm>> -> memref<1x20x1x1024xf32, #tpu.memory_space<hbm>>
    %dma_wait3A_686 = tpu.memref_squeeze %dma_wait3A_685 : memref<1x20x1x1024xf32, #tpu.memory_space<hbm>> -> memref<1x20x1024xf32, #tpu.memory_space<hbm>>
    tpu.wait_dma2 semaphore(%arg19 : memref<!tpu.dma_semaphore, #tpu.memory_space<semaphore_mem>>) src(%arg9 : memref<1x20x1024xf32, #tpu.memory_space<vmem>>) dst(%dma_wait3A_686 : memref<1x20x1024xf32, #tpu.memory_space<hbm>>)
    %dma_start3A_687 = arith.constant 17 : i32
    %dma_start3A_688 = arith.constant 0 : i32
    %dma_start3A_689 = arith.constant 0 : i32
    %dma_start3A_690 = arith.constant 0 : i32
    %dma_start3A_691 = tpu.memref_slice %arg9[%dma_start3A_688, %dma_start3A_689, %dma_start3A_690] : memref<1x20x1024xf32, #tpu.memory_space<vmem>> -> memref<1x20x1024xf32, #tpu.memory_space<vmem>>
    %dma_start3A_692 = tpu.memref_squeeze %dma_start3A_691 : memref<1x20x1024xf32, #tpu.memory_space<vmem>> -> memref<20x1024xf32, #tpu.memory_space<vmem>>
    %dma_start3A_693 = arith.constant 0 : i32
    %dma_start3A_694 = tpu.memref_slice %arg5[%dma_start3A_687, %dma_start3A_693] : memref<32x20xi32, #tpu.memory_space<vmem>> -> memref<1x20xi32, #tpu.memory_space<vmem>>
    %dma_start3A_695 = tpu.memref_squeeze %dma_start3A_694 : memref<1x20xi32, #tpu.memory_space<vmem>> -> memref<20xi32, #tpu.memory_space<vmem>>
    %dma_start3A_696 = arith.constant 0 : i32
    %dma_start3A_697 = arith.constant 0 : i32
    %dma_start3A_698 = tpu.memref_slice %arg6[%dma_start3A_696, %dma_start3A_697] : memref<256x1024xf32, #tpu.memory_space<vmem_shared>> -> memref<256x1024xf32, #tpu.memory_space<vmem_shared>>
    tpu.enqueue_indirect_dma source(%dma_start3A_698 : memref<256x1024xf32, #tpu.memory_space<vmem_shared>>) target(%dma_start3A_692 : memref<20x1024xf32, #tpu.memory_space<vmem>>) offsets(%dma_start3A_695 : memref<20xi32, #tpu.memory_space<vmem>>) semaphore(%arg14 : memref<!tpu.dma_semaphore, #tpu.memory_space<semaphore_mem>>)
    %dma_wait3A_699 = arith.constant 15 : i32
    %dma_wait3A_700 = arith.constant 0 : i32
    %dma_wait3A_701 = arith.constant 0 : i32
    %dma_wait3A_702 = arith.constant 0 : i32
    %dma_wait3A_703 = tpu.memref_slice %arg7[%dma_wait3A_700, %dma_wait3A_701, %dma_wait3A_702] : memref<1x20x1024xf32, #tpu.memory_space<vmem>> -> memref<1x20x1024xf32, #tpu.memory_space<vmem>>
    %dma_wait3A_704 = tpu.memref_squeeze %dma_wait3A_703 : memref<1x20x1024xf32, #tpu.memory_space<vmem>> -> memref<20x1024xf32, #tpu.memory_space<vmem>>
    %dma_wait3A_705 = arith.constant 0 : i32
    %dma_wait3A_706 = tpu.memref_slice %arg5[%dma_wait3A_699, %dma_wait3A_705] : memref<32x20xi32, #tpu.memory_space<vmem>> -> memref<1x20xi32, #tpu.memory_space<vmem>>
    %dma_wait3A_707 = tpu.memref_squeeze %dma_wait3A_706 : memref<1x20xi32, #tpu.memory_space<vmem>> -> memref<20xi32, #tpu.memory_space<vmem>>
    %dma_wait3A_708 = arith.constant 0 : i32
    %dma_wait3A_709 = arith.constant 0 : i32
    %dma_wait3A_710 = tpu.memref_slice %arg6[%dma_wait3A_708, %dma_wait3A_709] : memref<256x1024xf32, #tpu.memory_space<vmem_shared>> -> memref<256x1024xf32, #tpu.memory_space<vmem_shared>>
    tpu.wait_indirect_dma semaphore(%arg12 : memref<!tpu.dma_semaphore, #tpu.memory_space<semaphore_mem>>) src(%dma_wait3A_710 : memref<256x1024xf32, #tpu.memory_space<vmem_shared>>) dst(%dma_wait3A_704 : memref<20x1024xf32, #tpu.memory_space<vmem>>)
    %add3A_711 = arith.constant 15 : i32
    %add3A_712 = arith.addi %mul3A_2, %add3A_711 : i32
    %dma_start3A_713 = arith.constant 0 : i32
    %dma_start3A_714 = arith.constant 0 : i32
    %dma_start3A_715 = arith.constant 0 : i32
    %dma_start3A_716 = tpu.memref_slice %arg4[%add3A_712, %dma_start3A_714, %dma_start3A_713, %dma_start3A_715] : memref<1024x20x1x1024xf32, #tpu.memory_space<hbm>> -> memref<1x20x1x1024xf32, #tpu.memory_space<hbm>>
    %dma_start3A_717 = tpu.memref_squeeze %dma_start3A_716 : memref<1x20x1x1024xf32, #tpu.memory_space<hbm>> -> memref<1x20x1024xf32, #tpu.memory_space<hbm>>
    %dma_start3A_718 = arith.constant 0 : i32
    %dma_start3A_719 = arith.constant 0 : i32
    %dma_start3A_720 = tpu.memref_slice %arg4[%add3A_712, %dma_start3A_718, %dma_start3A_713, %dma_start3A_719] : memref<1024x20x1x1024xf32, #tpu.memory_space<hbm>> -> memref<1x20x1x1024xf32, #tpu.memory_space<hbm>>
    %dma_start3A_721 = tpu.memref_squeeze %dma_start3A_720 : memref<1x20x1x1024xf32, #tpu.memory_space<hbm>> -> memref<1x20x1024xf32, #tpu.memory_space<hbm>>
    tpu.enqueue_dma source(%arg7 : memref<1x20x1024xf32, #tpu.memory_space<vmem>>) target(%dma_start3A_721 : memref<1x20x1024xf32, #tpu.memory_space<hbm>>) target_semaphore(%arg17 : memref<!tpu.dma_semaphore, #tpu.memory_space<semaphore_mem>>)
    %dma_wait3A_722 = arith.constant 0 : i32
    %dma_wait3A_723 = arith.constant 0 : i32
    %dma_wait3A_724 = arith.constant 0 : i32
    %dma_wait3A_725 = tpu.memref_slice %arg4[%add3A_624, %dma_wait3A_723, %dma_wait3A_722, %dma_wait3A_724] : memref<1024x20x1x1024xf32, #tpu.memory_space<hbm>> -> memref<1x20x1x1024xf32, #tpu.memory_space<hbm>>
    %dma_wait3A_726 = tpu.memref_squeeze %dma_wait3A_725 : memref<1x20x1x1024xf32, #tpu.memory_space<hbm>> -> memref<1x20x1024xf32, #tpu.memory_space<hbm>>
    %dma_wait3A_727 = arith.constant 0 : i32
    %dma_wait3A_728 = arith.constant 0 : i32
    %dma_wait3A_729 = tpu.memref_slice %arg4[%add3A_624, %dma_wait3A_727, %dma_wait3A_722, %dma_wait3A_728] : memref<1024x20x1x1024xf32, #tpu.memory_space<hbm>> -> memref<1x20x1x1024xf32, #tpu.memory_space<hbm>>
    %dma_wait3A_730 = tpu.memref_squeeze %dma_wait3A_729 : memref<1x20x1x1024xf32, #tpu.memory_space<hbm>> -> memref<1x20x1024xf32, #tpu.memory_space<hbm>>
    tpu.wait_dma2 semaphore(%arg20 : memref<!tpu.dma_semaphore, #tpu.memory_space<semaphore_mem>>) src(%arg10 : memref<1x20x1024xf32, #tpu.memory_space<vmem>>) dst(%dma_wait3A_730 : memref<1x20x1024xf32, #tpu.memory_space<hbm>>)
    %dma_start3A_731 = arith.constant 18 : i32
    %dma_start3A_732 = arith.constant 0 : i32
    %dma_start3A_733 = arith.constant 0 : i32
    %dma_start3A_734 = arith.constant 0 : i32
    %dma_start3A_735 = tpu.memref_slice %arg10[%dma_start3A_732, %dma_start3A_733, %dma_start3A_734] : memref<1x20x1024xf32, #tpu.memory_space<vmem>> -> memref<1x20x1024xf32, #tpu.memory_space<vmem>>
    %dma_start3A_736 = tpu.memref_squeeze %dma_start3A_735 : memref<1x20x1024xf32, #tpu.memory_space<vmem>> -> memref<20x1024xf32, #tpu.memory_space<vmem>>
    %dma_start3A_737 = arith.constant 0 : i32
    %dma_start3A_738 = tpu.memref_slice %arg5[%dma_start3A_731, %dma_start3A_737] : memref<32x20xi32, #tpu.memory_space<vmem>> -> memref<1x20xi32, #tpu.memory_space<vmem>>
    %dma_start3A_739 = tpu.memref_squeeze %dma_start3A_738 : memref<1x20xi32, #tpu.memory_space<vmem>> -> memref<20xi32, #tpu.memory_space<vmem>>
    %dma_start3A_740 = arith.constant 0 : i32
    %dma_start3A_741 = arith.constant 0 : i32
    %dma_start3A_742 = tpu.memref_slice %arg6[%dma_start3A_740, %dma_start3A_741] : memref<256x1024xf32, #tpu.memory_space<vmem_shared>> -> memref<256x1024xf32, #tpu.memory_space<vmem_shared>>
    tpu.enqueue_indirect_dma source(%dma_start3A_742 : memref<256x1024xf32, #tpu.memory_space<vmem_shared>>) target(%dma_start3A_736 : memref<20x1024xf32, #tpu.memory_space<vmem>>) offsets(%dma_start3A_739 : memref<20xi32, #tpu.memory_space<vmem>>) semaphore(%arg15 : memref<!tpu.dma_semaphore, #tpu.memory_space<semaphore_mem>>)
    %dma_wait3A_743 = arith.constant 16 : i32
    %dma_wait3A_744 = arith.constant 0 : i32
    %dma_wait3A_745 = arith.constant 0 : i32
    %dma_wait3A_746 = arith.constant 0 : i32
    %dma_wait3A_747 = tpu.memref_slice %arg8[%dma_wait3A_744, %dma_wait3A_745, %dma_wait3A_746] : memref<1x20x1024xf32, #tpu.memory_space<vmem>> -> memref<1x20x1024xf32, #tpu.memory_space<vmem>>
    %dma_wait3A_748 = tpu.memref_squeeze %dma_wait3A_747 : memref<1x20x1024xf32, #tpu.memory_space<vmem>> -> memref<20x1024xf32, #tpu.memory_space<vmem>>
    %dma_wait3A_749 = arith.constant 0 : i32
    %dma_wait3A_750 = tpu.memref_slice %arg5[%dma_wait3A_743, %dma_wait3A_749] : memref<32x20xi32, #tpu.memory_space<vmem>> -> memref<1x20xi32, #tpu.memory_space<vmem>>
    %dma_wait3A_751 = tpu.memref_squeeze %dma_wait3A_750 : memref<1x20xi32, #tpu.memory_space<vmem>> -> memref<20xi32, #tpu.memory_space<vmem>>
    %dma_wait3A_752 = arith.constant 0 : i32
    %dma_wait3A_753 = arith.constant 0 : i32
    %dma_wait3A_754 = tpu.memref_slice %arg6[%dma_wait3A_752, %dma_wait3A_753] : memref<256x1024xf32, #tpu.memory_space<vmem_shared>> -> memref<256x1024xf32, #tpu.memory_space<vmem_shared>>
    tpu.wait_indirect_dma semaphore(%arg13 : memref<!tpu.dma_semaphore, #tpu.memory_space<semaphore_mem>>) src(%dma_wait3A_754 : memref<256x1024xf32, #tpu.memory_space<vmem_shared>>) dst(%dma_wait3A_748 : memref<20x1024xf32, #tpu.memory_space<vmem>>)
    %add3A_755 = arith.constant 16 : i32
    %add3A_756 = arith.addi %mul3A_2, %add3A_755 : i32
    %dma_start3A_757 = arith.constant 0 : i32
    %dma_start3A_758 = arith.constant 0 : i32
    %dma_start3A_759 = arith.constant 0 : i32
    %dma_start3A_760 = tpu.memref_slice %arg4[%add3A_756, %dma_start3A_758, %dma_start3A_757, %dma_start3A_759] : memref<1024x20x1x1024xf32, #tpu.memory_space<hbm>> -> memref<1x20x1x1024xf32, #tpu.memory_space<hbm>>
    %dma_start3A_761 = tpu.memref_squeeze %dma_start3A_760 : memref<1x20x1x1024xf32, #tpu.memory_space<hbm>> -> memref<1x20x1024xf32, #tpu.memory_space<hbm>>
    %dma_start3A_762 = arith.constant 0 : i32
    %dma_start3A_763 = arith.constant 0 : i32
    %dma_start3A_764 = tpu.memref_slice %arg4[%add3A_756, %dma_start3A_762, %dma_start3A_757, %dma_start3A_763] : memref<1024x20x1x1024xf32, #tpu.memory_space<hbm>> -> memref<1x20x1x1024xf32, #tpu.memory_space<hbm>>
    %dma_start3A_765 = tpu.memref_squeeze %dma_start3A_764 : memref<1x20x1x1024xf32, #tpu.memory_space<hbm>> -> memref<1x20x1024xf32, #tpu.memory_space<hbm>>
    tpu.enqueue_dma source(%arg8 : memref<1x20x1024xf32, #tpu.memory_space<vmem>>) target(%dma_start3A_765 : memref<1x20x1024xf32, #tpu.memory_space<hbm>>) target_semaphore(%arg18 : memref<!tpu.dma_semaphore, #tpu.memory_space<semaphore_mem>>)
    %dma_wait3A_766 = arith.constant 0 : i32
    %dma_wait3A_767 = arith.constant 0 : i32
    %dma_wait3A_768 = arith.constant 0 : i32
    %dma_wait3A_769 = tpu.memref_slice %arg4[%add3A_668, %dma_wait3A_767, %dma_wait3A_766, %dma_wait3A_768] : memref<1024x20x1x1024xf32, #tpu.memory_space<hbm>> -> memref<1x20x1x1024xf32, #tpu.memory_space<hbm>>
    %dma_wait3A_770 = tpu.memref_squeeze %dma_wait3A_769 : memref<1x20x1x1024xf32, #tpu.memory_space<hbm>> -> memref<1x20x1024xf32, #tpu.memory_space<hbm>>
    %dma_wait3A_771 = arith.constant 0 : i32
    %dma_wait3A_772 = arith.constant 0 : i32
    %dma_wait3A_773 = tpu.memref_slice %arg4[%add3A_668, %dma_wait3A_771, %dma_wait3A_766, %dma_wait3A_772] : memref<1024x20x1x1024xf32, #tpu.memory_space<hbm>> -> memref<1x20x1x1024xf32, #tpu.memory_space<hbm>>
    %dma_wait3A_774 = tpu.memref_squeeze %dma_wait3A_773 : memref<1x20x1x1024xf32, #tpu.memory_space<hbm>> -> memref<1x20x1024xf32, #tpu.memory_space<hbm>>
    tpu.wait_dma2 semaphore(%arg21 : memref<!tpu.dma_semaphore, #tpu.memory_space<semaphore_mem>>) src(%arg11 : memref<1x20x1024xf32, #tpu.memory_space<vmem>>) dst(%dma_wait3A_774 : memref<1x20x1024xf32, #tpu.memory_space<hbm>>)
    %dma_start3A_775 = arith.constant 19 : i32
    %dma_start3A_776 = arith.constant 0 : i32
    %dma_start3A_777 = arith.constant 0 : i32
    %dma_start3A_778 = arith.constant 0 : i32
    %dma_start3A_779 = tpu.memref_slice %arg11[%dma_start3A_776, %dma_start3A_777, %dma_start3A_778] : memref<1x20x1024xf32, #tpu.memory_space<vmem>> -> memref<1x20x1024xf32, #tpu.memory_space<vmem>>
    %dma_start3A_780 = tpu.memref_squeeze %dma_start3A_779 : memref<1x20x1024xf32, #tpu.memory_space<vmem>> -> memref<20x1024xf32, #tpu.memory_space<vmem>>
    %dma_start3A_781 = arith.constant 0 : i32
    %dma_start3A_782 = tpu.memref_slice %arg5[%dma_start3A_775, %dma_start3A_781] : memref<32x20xi32, #tpu.memory_space<vmem>> -> memref<1x20xi32, #tpu.memory_space<vmem>>
    %dma_start3A_783 = tpu.memref_squeeze %dma_start3A_782 : memref<1x20xi32, #tpu.memory_space<vmem>> -> memref<20xi32, #tpu.memory_space<vmem>>
    %dma_start3A_784 = arith.constant 0 : i32
    %dma_start3A_785 = arith.constant 0 : i32
    %dma_start3A_786 = tpu.memref_slice %arg6[%dma_start3A_784, %dma_start3A_785] : memref<256x1024xf32, #tpu.memory_space<vmem_shared>> -> memref<256x1024xf32, #tpu.memory_space<vmem_shared>>
    tpu.enqueue_indirect_dma source(%dma_start3A_786 : memref<256x1024xf32, #tpu.memory_space<vmem_shared>>) target(%dma_start3A_780 : memref<20x1024xf32, #tpu.memory_space<vmem>>) offsets(%dma_start3A_783 : memref<20xi32, #tpu.memory_space<vmem>>) semaphore(%arg16 : memref<!tpu.dma_semaphore, #tpu.memory_space<semaphore_mem>>)
    %dma_wait3A_787 = arith.constant 17 : i32
    %dma_wait3A_788 = arith.constant 0 : i32
    %dma_wait3A_789 = arith.constant 0 : i32
    %dma_wait3A_790 = arith.constant 0 : i32
    %dma_wait3A_791 = tpu.memref_slice %arg9[%dma_wait3A_788, %dma_wait3A_789, %dma_wait3A_790] : memref<1x20x1024xf32, #tpu.memory_space<vmem>> -> memref<1x20x1024xf32, #tpu.memory_space<vmem>>
    %dma_wait3A_792 = tpu.memref_squeeze %dma_wait3A_791 : memref<1x20x1024xf32, #tpu.memory_space<vmem>> -> memref<20x1024xf32, #tpu.memory_space<vmem>>
    %dma_wait3A_793 = arith.constant 0 : i32
    %dma_wait3A_794 = tpu.memref_slice %arg5[%dma_wait3A_787, %dma_wait3A_793] : memref<32x20xi32, #tpu.memory_space<vmem>> -> memref<1x20xi32, #tpu.memory_space<vmem>>
    %dma_wait3A_795 = tpu.memref_squeeze %dma_wait3A_794 : memref<1x20xi32, #tpu.memory_space<vmem>> -> memref<20xi32, #tpu.memory_space<vmem>>
    %dma_wait3A_796 = arith.constant 0 : i32
    %dma_wait3A_797 = arith.constant 0 : i32
    %dma_wait3A_798 = tpu.memref_slice %arg6[%dma_wait3A_796, %dma_wait3A_797] : memref<256x1024xf32, #tpu.memory_space<vmem_shared>> -> memref<256x1024xf32, #tpu.memory_space<vmem_shared>>
    tpu.wait_indirect_dma semaphore(%arg14 : memref<!tpu.dma_semaphore, #tpu.memory_space<semaphore_mem>>) src(%dma_wait3A_798 : memref<256x1024xf32, #tpu.memory_space<vmem_shared>>) dst(%dma_wait3A_792 : memref<20x1024xf32, #tpu.memory_space<vmem>>)
    %add3A_799 = arith.constant 17 : i32
    %add3A_800 = arith.addi %mul3A_2, %add3A_799 : i32
    %dma_start3A_801 = arith.constant 0 : i32
    %dma_start3A_802 = arith.constant 0 : i32
    %dma_start3A_803 = arith.constant 0 : i32
    %dma_start3A_804 = tpu.memref_slice %arg4[%add3A_800, %dma_start3A_802, %dma_start3A_801, %dma_start3A_803] : memref<1024x20x1x1024xf32, #tpu.memory_space<hbm>> -> memref<1x20x1x1024xf32, #tpu.memory_space<hbm>>
    %dma_start3A_805 = tpu.memref_squeeze %dma_start3A_804 : memref<1x20x1x1024xf32, #tpu.memory_space<hbm>> -> memref<1x20x1024xf32, #tpu.memory_space<hbm>>
    %dma_start3A_806 = arith.constant 0 : i32
    %dma_start3A_807 = arith.constant 0 : i32
    %dma_start3A_808 = tpu.memref_slice %arg4[%add3A_800, %dma_start3A_806, %dma_start3A_801, %dma_start3A_807] : memref<1024x20x1x1024xf32, #tpu.memory_space<hbm>> -> memref<1x20x1x1024xf32, #tpu.memory_space<hbm>>
    %dma_start3A_809 = tpu.memref_squeeze %dma_start3A_808 : memref<1x20x1x1024xf32, #tpu.memory_space<hbm>> -> memref<1x20x1024xf32, #tpu.memory_space<hbm>>
    tpu.enqueue_dma source(%arg9 : memref<1x20x1024xf32, #tpu.memory_space<vmem>>) target(%dma_start3A_809 : memref<1x20x1024xf32, #tpu.memory_space<hbm>>) target_semaphore(%arg19 : memref<!tpu.dma_semaphore, #tpu.memory_space<semaphore_mem>>)
    %dma_wait3A_810 = arith.constant 0 : i32
    %dma_wait3A_811 = arith.constant 0 : i32
    %dma_wait3A_812 = arith.constant 0 : i32
    %dma_wait3A_813 = tpu.memref_slice %arg4[%add3A_712, %dma_wait3A_811, %dma_wait3A_810, %dma_wait3A_812] : memref<1024x20x1x1024xf32, #tpu.memory_space<hbm>> -> memref<1x20x1x1024xf32, #tpu.memory_space<hbm>>
    %dma_wait3A_814 = tpu.memref_squeeze %dma_wait3A_813 : memref<1x20x1x1024xf32, #tpu.memory_space<hbm>> -> memref<1x20x1024xf32, #tpu.memory_space<hbm>>
    %dma_wait3A_815 = arith.constant 0 : i32
    %dma_wait3A_816 = arith.constant 0 : i32
    %dma_wait3A_817 = tpu.memref_slice %arg4[%add3A_712, %dma_wait3A_815, %dma_wait3A_810, %dma_wait3A_816] : memref<1024x20x1x1024xf32, #tpu.memory_space<hbm>> -> memref<1x20x1x1024xf32, #tpu.memory_space<hbm>>
    %dma_wait3A_818 = tpu.memref_squeeze %dma_wait3A_817 : memref<1x20x1x1024xf32, #tpu.memory_space<hbm>> -> memref<1x20x1024xf32, #tpu.memory_space<hbm>>
    tpu.wait_dma2 semaphore(%arg17 : memref<!tpu.dma_semaphore, #tpu.memory_space<semaphore_mem>>) src(%arg7 : memref<1x20x1024xf32, #tpu.memory_space<vmem>>) dst(%dma_wait3A_818 : memref<1x20x1024xf32, #tpu.memory_space<hbm>>)
    %dma_start3A_819 = arith.constant 20 : i32
    %dma_start3A_820 = arith.constant 0 : i32
    %dma_start3A_821 = arith.constant 0 : i32
    %dma_start3A_822 = arith.constant 0 : i32
    %dma_start3A_823 = tpu.memref_slice %arg7[%dma_start3A_820, %dma_start3A_821, %dma_start3A_822] : memref<1x20x1024xf32, #tpu.memory_space<vmem>> -> memref<1x20x1024xf32, #tpu.memory_space<vmem>>
    %dma_start3A_824 = tpu.memref_squeeze %dma_start3A_823 : memref<1x20x1024xf32, #tpu.memory_space<vmem>> -> memref<20x1024xf32, #tpu.memory_space<vmem>>
    %dma_start3A_825 = arith.constant 0 : i32
    %dma_start3A_826 = tpu.memref_slice %arg5[%dma_start3A_819, %dma_start3A_825] : memref<32x20xi32, #tpu.memory_space<vmem>> -> memref<1x20xi32, #tpu.memory_space<vmem>>
    %dma_start3A_827 = tpu.memref_squeeze %dma_start3A_826 : memref<1x20xi32, #tpu.memory_space<vmem>> -> memref<20xi32, #tpu.memory_space<vmem>>
    %dma_start3A_828 = arith.constant 0 : i32
    %dma_start3A_829 = arith.constant 0 : i32
    %dma_start3A_830 = tpu.memref_slice %arg6[%dma_start3A_828, %dma_start3A_829] : memref<256x1024xf32, #tpu.memory_space<vmem_shared>> -> memref<256x1024xf32, #tpu.memory_space<vmem_shared>>
    tpu.enqueue_indirect_dma source(%dma_start3A_830 : memref<256x1024xf32, #tpu.memory_space<vmem_shared>>) target(%dma_start3A_824 : memref<20x1024xf32, #tpu.memory_space<vmem>>) offsets(%dma_start3A_827 : memref<20xi32, #tpu.memory_space<vmem>>) semaphore(%arg12 : memref<!tpu.dma_semaphore, #tpu.memory_space<semaphore_mem>>)
    %dma_wait3A_831 = arith.constant 18 : i32
    %dma_wait3A_832 = arith.constant 0 : i32
    %dma_wait3A_833 = arith.constant 0 : i32
    %dma_wait3A_834 = arith.constant 0 : i32
    %dma_wait3A_835 = tpu.memref_slice %arg10[%dma_wait3A_832, %dma_wait3A_833, %dma_wait3A_834] : memref<1x20x1024xf32, #tpu.memory_space<vmem>> -> memref<1x20x1024xf32, #tpu.memory_space<vmem>>
    %dma_wait3A_836 = tpu.memref_squeeze %dma_wait3A_835 : memref<1x20x1024xf32, #tpu.memory_space<vmem>> -> memref<20x1024xf32, #tpu.memory_space<vmem>>
    %dma_wait3A_837 = arith.constant 0 : i32
    %dma_wait3A_838 = tpu.memref_slice %arg5[%dma_wait3A_831, %dma_wait3A_837] : memref<32x20xi32, #tpu.memory_space<vmem>> -> memref<1x20xi32, #tpu.memory_space<vmem>>
    %dma_wait3A_839 = tpu.memref_squeeze %dma_wait3A_838 : memref<1x20xi32, #tpu.memory_space<vmem>> -> memref<20xi32, #tpu.memory_space<vmem>>
    %dma_wait3A_840 = arith.constant 0 : i32
    %dma_wait3A_841 = arith.constant 0 : i32
    %dma_wait3A_842 = tpu.memref_slice %arg6[%dma_wait3A_840, %dma_wait3A_841] : memref<256x1024xf32, #tpu.memory_space<vmem_shared>> -> memref<256x1024xf32, #tpu.memory_space<vmem_shared>>
    tpu.wait_indirect_dma semaphore(%arg15 : memref<!tpu.dma_semaphore, #tpu.memory_space<semaphore_mem>>) src(%dma_wait3A_842 : memref<256x1024xf32, #tpu.memory_space<vmem_shared>>) dst(%dma_wait3A_836 : memref<20x1024xf32, #tpu.memory_space<vmem>>)
    %add3A_843 = arith.constant 18 : i32
    %add3A_844 = arith.addi %mul3A_2, %add3A_843 : i32
    %dma_start3A_845 = arith.constant 0 : i32
    %dma_start3A_846 = arith.constant 0 : i32
    %dma_start3A_847 = arith.constant 0 : i32
    %dma_start3A_848 = tpu.memref_slice %arg4[%add3A_844, %dma_start3A_846, %dma_start3A_845, %dma_start3A_847] : memref<1024x20x1x1024xf32, #tpu.memory_space<hbm>> -> memref<1x20x1x1024xf32, #tpu.memory_space<hbm>>
    %dma_start3A_849 = tpu.memref_squeeze %dma_start3A_848 : memref<1x20x1x1024xf32, #tpu.memory_space<hbm>> -> memref<1x20x1024xf32, #tpu.memory_space<hbm>>
    %dma_start3A_850 = arith.constant 0 : i32
    %dma_start3A_851 = arith.constant 0 : i32
    %dma_start3A_852 = tpu.memref_slice %arg4[%add3A_844, %dma_start3A_850, %dma_start3A_845, %dma_start3A_851] : memref<1024x20x1x1024xf32, #tpu.memory_space<hbm>> -> memref<1x20x1x1024xf32, #tpu.memory_space<hbm>>
    %dma_start3A_853 = tpu.memref_squeeze %dma_start3A_852 : memref<1x20x1x1024xf32, #tpu.memory_space<hbm>> -> memref<1x20x1024xf32, #tpu.memory_space<hbm>>
    tpu.enqueue_dma source(%arg10 : memref<1x20x1024xf32, #tpu.memory_space<vmem>>) target(%dma_start3A_853 : memref<1x20x1024xf32, #tpu.memory_space<hbm>>) target_semaphore(%arg20 : memref<!tpu.dma_semaphore, #tpu.memory_space<semaphore_mem>>)
    %dma_wait3A_854 = arith.constant 0 : i32
    %dma_wait3A_855 = arith.constant 0 : i32
    %dma_wait3A_856 = arith.constant 0 : i32
    %dma_wait3A_857 = tpu.memref_slice %arg4[%add3A_756, %dma_wait3A_855, %dma_wait3A_854, %dma_wait3A_856] : memref<1024x20x1x1024xf32, #tpu.memory_space<hbm>> -> memref<1x20x1x1024xf32, #tpu.memory_space<hbm>>
    %dma_wait3A_858 = tpu.memref_squeeze %dma_wait3A_857 : memref<1x20x1x1024xf32, #tpu.memory_space<hbm>> -> memref<1x20x1024xf32, #tpu.memory_space<hbm>>
    %dma_wait3A_859 = arith.constant 0 : i32
    %dma_wait3A_860 = arith.constant 0 : i32
    %dma_wait3A_861 = tpu.memref_slice %arg4[%add3A_756, %dma_wait3A_859, %dma_wait3A_854, %dma_wait3A_860] : memref<1024x20x1x1024xf32, #tpu.memory_space<hbm>> -> memref<1x20x1x1024xf32, #tpu.memory_space<hbm>>
    %dma_wait3A_862 = tpu.memref_squeeze %dma_wait3A_861 : memref<1x20x1x1024xf32, #tpu.memory_space<hbm>> -> memref<1x20x1024xf32, #tpu.memory_space<hbm>>
    tpu.wait_dma2 semaphore(%arg18 : memref<!tpu.dma_semaphore, #tpu.memory_space<semaphore_mem>>) src(%arg8 : memref<1x20x1024xf32, #tpu.memory_space<vmem>>) dst(%dma_wait3A_862 : memref<1x20x1024xf32, #tpu.memory_space<hbm>>)
    %dma_start3A_863 = arith.constant 21 : i32
    %dma_start3A_864 = arith.constant 0 : i32
    %dma_start3A_865 = arith.constant 0 : i32
    %dma_start3A_866 = arith.constant 0 : i32
    %dma_start3A_867 = tpu.memref_slice %arg8[%dma_start3A_864, %dma_start3A_865, %dma_start3A_866] : memref<1x20x1024xf32, #tpu.memory_space<vmem>> -> memref<1x20x1024xf32, #tpu.memory_space<vmem>>
    %dma_start3A_868 = tpu.memref_squeeze %dma_start3A_867 : memref<1x20x1024xf32, #tpu.memory_space<vmem>> -> memref<20x1024xf32, #tpu.memory_space<vmem>>
    %dma_start3A_869 = arith.constant 0 : i32
    %dma_start3A_870 = tpu.memref_slice %arg5[%dma_start3A_863, %dma_start3A_869] : memref<32x20xi32, #tpu.memory_space<vmem>> -> memref<1x20xi32, #tpu.memory_space<vmem>>
    %dma_start3A_871 = tpu.memref_squeeze %dma_start3A_870 : memref<1x20xi32, #tpu.memory_space<vmem>> -> memref<20xi32, #tpu.memory_space<vmem>>
    %dma_start3A_872 = arith.constant 0 : i32
    %dma_start3A_873 = arith.constant 0 : i32
    %dma_start3A_874 = tpu.memref_slice %arg6[%dma_start3A_872, %dma_start3A_873] : memref<256x1024xf32, #tpu.memory_space<vmem_shared>> -> memref<256x1024xf32, #tpu.memory_space<vmem_shared>>
    tpu.enqueue_indirect_dma source(%dma_start3A_874 : memref<256x1024xf32, #tpu.memory_space<vmem_shared>>) target(%dma_start3A_868 : memref<20x1024xf32, #tpu.memory_space<vmem>>) offsets(%dma_start3A_871 : memref<20xi32, #tpu.memory_space<vmem>>) semaphore(%arg13 : memref<!tpu.dma_semaphore, #tpu.memory_space<semaphore_mem>>)
    %dma_wait3A_875 = arith.constant 19 : i32
    %dma_wait3A_876 = arith.constant 0 : i32
    %dma_wait3A_877 = arith.constant 0 : i32
    %dma_wait3A_878 = arith.constant 0 : i32
    %dma_wait3A_879 = tpu.memref_slice %arg11[%dma_wait3A_876, %dma_wait3A_877, %dma_wait3A_878] : memref<1x20x1024xf32, #tpu.memory_space<vmem>> -> memref<1x20x1024xf32, #tpu.memory_space<vmem>>
    %dma_wait3A_880 = tpu.memref_squeeze %dma_wait3A_879 : memref<1x20x1024xf32, #tpu.memory_space<vmem>> -> memref<20x1024xf32, #tpu.memory_space<vmem>>
    %dma_wait3A_881 = arith.constant 0 : i32
    %dma_wait3A_882 = tpu.memref_slice %arg5[%dma_wait3A_875, %dma_wait3A_881] : memref<32x20xi32, #tpu.memory_space<vmem>> -> memref<1x20xi32, #tpu.memory_space<vmem>>
    %dma_wait3A_883 = tpu.memref_squeeze %dma_wait3A_882 : memref<1x20xi32, #tpu.memory_space<vmem>> -> memref<20xi32, #tpu.memory_space<vmem>>
    %dma_wait3A_884 = arith.constant 0 : i32
    %dma_wait3A_885 = arith.constant 0 : i32
    %dma_wait3A_886 = tpu.memref_slice %arg6[%dma_wait3A_884, %dma_wait3A_885] : memref<256x1024xf32, #tpu.memory_space<vmem_shared>> -> memref<256x1024xf32, #tpu.memory_space<vmem_shared>>
    tpu.wait_indirect_dma semaphore(%arg16 : memref<!tpu.dma_semaphore, #tpu.memory_space<semaphore_mem>>) src(%dma_wait3A_886 : memref<256x1024xf32, #tpu.memory_space<vmem_shared>>) dst(%dma_wait3A_880 : memref<20x1024xf32, #tpu.memory_space<vmem>>)
    %add3A_887 = arith.constant 19 : i32
    %add3A_888 = arith.addi %mul3A_2, %add3A_887 : i32
    %dma_start3A_889 = arith.constant 0 : i32
    %dma_start3A_890 = arith.constant 0 : i32
    %dma_start3A_891 = arith.constant 0 : i32
    %dma_start3A_892 = tpu.memref_slice %arg4[%add3A_888, %dma_start3A_890, %dma_start3A_889, %dma_start3A_891] : memref<1024x20x1x1024xf32, #tpu.memory_space<hbm>> -> memref<1x20x1x1024xf32, #tpu.memory_space<hbm>>
    %dma_start3A_893 = tpu.memref_squeeze %dma_start3A_892 : memref<1x20x1x1024xf32, #tpu.memory_space<hbm>> -> memref<1x20x1024xf32, #tpu.memory_space<hbm>>
    %dma_start3A_894 = arith.constant 0 : i32
    %dma_start3A_895 = arith.constant 0 : i32
    %dma_start3A_896 = tpu.memref_slice %arg4[%add3A_888, %dma_start3A_894, %dma_start3A_889, %dma_start3A_895] : memref<1024x20x1x1024xf32, #tpu.memory_space<hbm>> -> memref<1x20x1x1024xf32, #tpu.memory_space<hbm>>
    %dma_start3A_897 = tpu.memref_squeeze %dma_start3A_896 : memref<1x20x1x1024xf32, #tpu.memory_space<hbm>> -> memref<1x20x1024xf32, #tpu.memory_space<hbm>>
    tpu.enqueue_dma source(%arg11 : memref<1x20x1024xf32, #tpu.memory_space<vmem>>) target(%dma_start3A_897 : memref<1x20x1024xf32, #tpu.memory_space<hbm>>) target_semaphore(%arg21 : memref<!tpu.dma_semaphore, #tpu.memory_space<semaphore_mem>>)
    %dma_wait3A_898 = arith.constant 0 : i32
    %dma_wait3A_899 = arith.constant 0 : i32
    %dma_wait3A_900 = arith.constant 0 : i32
    %dma_wait3A_901 = tpu.memref_slice %arg4[%add3A_800, %dma_wait3A_899, %dma_wait3A_898, %dma_wait3A_900] : memref<1024x20x1x1024xf32, #tpu.memory_space<hbm>> -> memref<1x20x1x1024xf32, #tpu.memory_space<hbm>>
    %dma_wait3A_902 = tpu.memref_squeeze %dma_wait3A_901 : memref<1x20x1x1024xf32, #tpu.memory_space<hbm>> -> memref<1x20x1024xf32, #tpu.memory_space<hbm>>
    %dma_wait3A_903 = arith.constant 0 : i32
    %dma_wait3A_904 = arith.constant 0 : i32
    %dma_wait3A_905 = tpu.memref_slice %arg4[%add3A_800, %dma_wait3A_903, %dma_wait3A_898, %dma_wait3A_904] : memref<1024x20x1x1024xf32, #tpu.memory_space<hbm>> -> memref<1x20x1x1024xf32, #tpu.memory_space<hbm>>
    %dma_wait3A_906 = tpu.memref_squeeze %dma_wait3A_905 : memref<1x20x1x1024xf32, #tpu.memory_space<hbm>> -> memref<1x20x1024xf32, #tpu.memory_space<hbm>>
    tpu.wait_dma2 semaphore(%arg19 : memref<!tpu.dma_semaphore, #tpu.memory_space<semaphore_mem>>) src(%arg9 : memref<1x20x1024xf32, #tpu.memory_space<vmem>>) dst(%dma_wait3A_906 : memref<1x20x1024xf32, #tpu.memory_space<hbm>>)
    %dma_start3A_907 = arith.constant 22 : i32
    %dma_start3A_908 = arith.constant 0 : i32
    %dma_start3A_909 = arith.constant 0 : i32
    %dma_start3A_910 = arith.constant 0 : i32
    %dma_start3A_911 = tpu.memref_slice %arg9[%dma_start3A_908, %dma_start3A_909, %dma_start3A_910] : memref<1x20x1024xf32, #tpu.memory_space<vmem>> -> memref<1x20x1024xf32, #tpu.memory_space<vmem>>
    %dma_start3A_912 = tpu.memref_squeeze %dma_start3A_911 : memref<1x20x1024xf32, #tpu.memory_space<vmem>> -> memref<20x1024xf32, #tpu.memory_space<vmem>>
    %dma_start3A_913 = arith.constant 0 : i32
    %dma_start3A_914 = tpu.memref_slice %arg5[%dma_start3A_907, %dma_start3A_913] : memref<32x20xi32, #tpu.memory_space<vmem>> -> memref<1x20xi32, #tpu.memory_space<vmem>>
    %dma_start3A_915 = tpu.memref_squeeze %dma_start3A_914 : memref<1x20xi32, #tpu.memory_space<vmem>> -> memref<20xi32, #tpu.memory_space<vmem>>
    %dma_start3A_916 = arith.constant 0 : i32
    %dma_start3A_917 = arith.constant 0 : i32
    %dma_start3A_918 = tpu.memref_slice %arg6[%dma_start3A_916, %dma_start3A_917] : memref<256x1024xf32, #tpu.memory_space<vmem_shared>> -> memref<256x1024xf32, #tpu.memory_space<vmem_shared>>
    tpu.enqueue_indirect_dma source(%dma_start3A_918 : memref<256x1024xf32, #tpu.memory_space<vmem_shared>>) target(%dma_start3A_912 : memref<20x1024xf32, #tpu.memory_space<vmem>>) offsets(%dma_start3A_915 : memref<20xi32, #tpu.memory_space<vmem>>) semaphore(%arg14 : memref<!tpu.dma_semaphore, #tpu.memory_space<semaphore_mem>>)
    %dma_wait3A_919 = arith.constant 20 : i32
    %dma_wait3A_920 = arith.constant 0 : i32
    %dma_wait3A_921 = arith.constant 0 : i32
    %dma_wait3A_922 = arith.constant 0 : i32
    %dma_wait3A_923 = tpu.memref_slice %arg7[%dma_wait3A_920, %dma_wait3A_921, %dma_wait3A_922] : memref<1x20x1024xf32, #tpu.memory_space<vmem>> -> memref<1x20x1024xf32, #tpu.memory_space<vmem>>
    %dma_wait3A_924 = tpu.memref_squeeze %dma_wait3A_923 : memref<1x20x1024xf32, #tpu.memory_space<vmem>> -> memref<20x1024xf32, #tpu.memory_space<vmem>>
    %dma_wait3A_925 = arith.constant 0 : i32
    %dma_wait3A_926 = tpu.memref_slice %arg5[%dma_wait3A_919, %dma_wait3A_925] : memref<32x20xi32, #tpu.memory_space<vmem>> -> memref<1x20xi32, #tpu.memory_space<vmem>>
    %dma_wait3A_927 = tpu.memref_squeeze %dma_wait3A_926 : memref<1x20xi32, #tpu.memory_space<vmem>> -> memref<20xi32, #tpu.memory_space<vmem>>
    %dma_wait3A_928 = arith.constant 0 : i32
    %dma_wait3A_929 = arith.constant 0 : i32
    %dma_wait3A_930 = tpu.memref_slice %arg6[%dma_wait3A_928, %dma_wait3A_929] : memref<256x1024xf32, #tpu.memory_space<vmem_shared>> -> memref<256x1024xf32, #tpu.memory_space<vmem_shared>>
    tpu.wait_indirect_dma semaphore(%arg12 : memref<!tpu.dma_semaphore, #tpu.memory_space<semaphore_mem>>) src(%dma_wait3A_930 : memref<256x1024xf32, #tpu.memory_space<vmem_shared>>) dst(%dma_wait3A_924 : memref<20x1024xf32, #tpu.memory_space<vmem>>)
    %add3A_931 = arith.constant 20 : i32
    %add3A_932 = arith.addi %mul3A_2, %add3A_931 : i32
    %dma_start3A_933 = arith.constant 0 : i32
    %dma_start3A_934 = arith.constant 0 : i32
    %dma_start3A_935 = arith.constant 0 : i32
    %dma_start3A_936 = tpu.memref_slice %arg4[%add3A_932, %dma_start3A_934, %dma_start3A_933, %dma_start3A_935] : memref<1024x20x1x1024xf32, #tpu.memory_space<hbm>> -> memref<1x20x1x1024xf32, #tpu.memory_space<hbm>>
    %dma_start3A_937 = tpu.memref_squeeze %dma_start3A_936 : memref<1x20x1x1024xf32, #tpu.memory_space<hbm>> -> memref<1x20x1024xf32, #tpu.memory_space<hbm>>
    %dma_start3A_938 = arith.constant 0 : i32
    %dma_start3A_939 = arith.constant 0 : i32
    %dma_start3A_940 = tpu.memref_slice %arg4[%add3A_932, %dma_start3A_938, %dma_start3A_933, %dma_start3A_939] : memref<1024x20x1x1024xf32, #tpu.memory_space<hbm>> -> memref<1x20x1x1024xf32, #tpu.memory_space<hbm>>
    %dma_start3A_941 = tpu.memref_squeeze %dma_start3A_940 : memref<1x20x1x1024xf32, #tpu.memory_space<hbm>> -> memref<1x20x1024xf32, #tpu.memory_space<hbm>>
    tpu.enqueue_dma source(%arg7 : memref<1x20x1024xf32, #tpu.memory_space<vmem>>) target(%dma_start3A_941 : memref<1x20x1024xf32, #tpu.memory_space<hbm>>) target_semaphore(%arg17 : memref<!tpu.dma_semaphore, #tpu.memory_space<semaphore_mem>>)
    %dma_wait3A_942 = arith.constant 0 : i32
    %dma_wait3A_943 = arith.constant 0 : i32
    %dma_wait3A_944 = arith.constant 0 : i32
    %dma_wait3A_945 = tpu.memref_slice %arg4[%add3A_844, %dma_wait3A_943, %dma_wait3A_942, %dma_wait3A_944] : memref<1024x20x1x1024xf32, #tpu.memory_space<hbm>> -> memref<1x20x1x1024xf32, #tpu.memory_space<hbm>>
    %dma_wait3A_946 = tpu.memref_squeeze %dma_wait3A_945 : memref<1x20x1x1024xf32, #tpu.memory_space<hbm>> -> memref<1x20x1024xf32, #tpu.memory_space<hbm>>
    %dma_wait3A_947 = arith.constant 0 : i32
    %dma_wait3A_948 = arith.constant 0 : i32
    %dma_wait3A_949 = tpu.memref_slice %arg4[%add3A_844, %dma_wait3A_947, %dma_wait3A_942, %dma_wait3A_948] : memref<1024x20x1x1024xf32, #tpu.memory_space<hbm>> -> memref<1x20x1x1024xf32, #tpu.memory_space<hbm>>
    %dma_wait3A_950 = tpu.memref_squeeze %dma_wait3A_949 : memref<1x20x1x1024xf32, #tpu.memory_space<hbm>> -> memref<1x20x1024xf32, #tpu.memory_space<hbm>>
    tpu.wait_dma2 semaphore(%arg20 : memref<!tpu.dma_semaphore, #tpu.memory_space<semaphore_mem>>) src(%arg10 : memref<1x20x1024xf32, #tpu.memory_space<vmem>>) dst(%dma_wait3A_950 : memref<1x20x1024xf32, #tpu.memory_space<hbm>>)
    %dma_start3A_951 = arith.constant 23 : i32
    %dma_start3A_952 = arith.constant 0 : i32
    %dma_start3A_953 = arith.constant 0 : i32
    %dma_start3A_954 = arith.constant 0 : i32
    %dma_start3A_955 = tpu.memref_slice %arg10[%dma_start3A_952, %dma_start3A_953, %dma_start3A_954] : memref<1x20x1024xf32, #tpu.memory_space<vmem>> -> memref<1x20x1024xf32, #tpu.memory_space<vmem>>
    %dma_start3A_956 = tpu.memref_squeeze %dma_start3A_955 : memref<1x20x1024xf32, #tpu.memory_space<vmem>> -> memref<20x1024xf32, #tpu.memory_space<vmem>>
    %dma_start3A_957 = arith.constant 0 : i32
    %dma_start3A_958 = tpu.memref_slice %arg5[%dma_start3A_951, %dma_start3A_957] : memref<32x20xi32, #tpu.memory_space<vmem>> -> memref<1x20xi32, #tpu.memory_space<vmem>>
    %dma_start3A_959 = tpu.memref_squeeze %dma_start3A_958 : memref<1x20xi32, #tpu.memory_space<vmem>> -> memref<20xi32, #tpu.memory_space<vmem>>
    %dma_start3A_960 = arith.constant 0 : i32
    %dma_start3A_961 = arith.constant 0 : i32
    %dma_start3A_962 = tpu.memref_slice %arg6[%dma_start3A_960, %dma_start3A_961] : memref<256x1024xf32, #tpu.memory_space<vmem_shared>> -> memref<256x1024xf32, #tpu.memory_space<vmem_shared>>
    tpu.enqueue_indirect_dma source(%dma_start3A_962 : memref<256x1024xf32, #tpu.memory_space<vmem_shared>>) target(%dma_start3A_956 : memref<20x1024xf32, #tpu.memory_space<vmem>>) offsets(%dma_start3A_959 : memref<20xi32, #tpu.memory_space<vmem>>) semaphore(%arg15 : memref<!tpu.dma_semaphore, #tpu.memory_space<semaphore_mem>>)
    %dma_wait3A_963 = arith.constant 21 : i32
    %dma_wait3A_964 = arith.constant 0 : i32
    %dma_wait3A_965 = arith.constant 0 : i32
    %dma_wait3A_966 = arith.constant 0 : i32
    %dma_wait3A_967 = tpu.memref_slice %arg8[%dma_wait3A_964, %dma_wait3A_965, %dma_wait3A_966] : memref<1x20x1024xf32, #tpu.memory_space<vmem>> -> memref<1x20x1024xf32, #tpu.memory_space<vmem>>
    %dma_wait3A_968 = tpu.memref_squeeze %dma_wait3A_967 : memref<1x20x1024xf32, #tpu.memory_space<vmem>> -> memref<20x1024xf32, #tpu.memory_space<vmem>>
    %dma_wait3A_969 = arith.constant 0 : i32
    %dma_wait3A_970 = tpu.memref_slice %arg5[%dma_wait3A_963, %dma_wait3A_969] : memref<32x20xi32, #tpu.memory_space<vmem>> -> memref<1x20xi32, #tpu.memory_space<vmem>>
    %dma_wait3A_971 = tpu.memref_squeeze %dma_wait3A_970 : memref<1x20xi32, #tpu.memory_space<vmem>> -> memref<20xi32, #tpu.memory_space<vmem>>
    %dma_wait3A_972 = arith.constant 0 : i32
    %dma_wait3A_973 = arith.constant 0 : i32
    %dma_wait3A_974 = tpu.memref_slice %arg6[%dma_wait3A_972, %dma_wait3A_973] : memref<256x1024xf32, #tpu.memory_space<vmem_shared>> -> memref<256x1024xf32, #tpu.memory_space<vmem_shared>>
    tpu.wait_indirect_dma semaphore(%arg13 : memref<!tpu.dma_semaphore, #tpu.memory_space<semaphore_mem>>) src(%dma_wait3A_974 : memref<256x1024xf32, #tpu.memory_space<vmem_shared>>) dst(%dma_wait3A_968 : memref<20x1024xf32, #tpu.memory_space<vmem>>)
    %add3A_975 = arith.constant 21 : i32
    %add3A_976 = arith.addi %mul3A_2, %add3A_975 : i32
    %dma_start3A_977 = arith.constant 0 : i32
    %dma_start3A_978 = arith.constant 0 : i32
    %dma_start3A_979 = arith.constant 0 : i32
    %dma_start3A_980 = tpu.memref_slice %arg4[%add3A_976, %dma_start3A_978, %dma_start3A_977, %dma_start3A_979] : memref<1024x20x1x1024xf32, #tpu.memory_space<hbm>> -> memref<1x20x1x1024xf32, #tpu.memory_space<hbm>>
    %dma_start3A_981 = tpu.memref_squeeze %dma_start3A_980 : memref<1x20x1x1024xf32, #tpu.memory_space<hbm>> -> memref<1x20x1024xf32, #tpu.memory_space<hbm>>
    %dma_start3A_982 = arith.constant 0 : i32
    %dma_start3A_983 = arith.constant 0 : i32
    %dma_start3A_984 = tpu.memref_slice %arg4[%add3A_976, %dma_start3A_982, %dma_start3A_977, %dma_start3A_983] : memref<1024x20x1x1024xf32, #tpu.memory_space<hbm>> -> memref<1x20x1x1024xf32, #tpu.memory_space<hbm>>
    %dma_start3A_985 = tpu.memref_squeeze %dma_start3A_984 : memref<1x20x1x1024xf32, #tpu.memory_space<hbm>> -> memref<1x20x1024xf32, #tpu.memory_space<hbm>>
    tpu.enqueue_dma source(%arg8 : memref<1x20x1024xf32, #tpu.memory_space<vmem>>) target(%dma_start3A_985 : memref<1x20x1024xf32, #tpu.memory_space<hbm>>) target_semaphore(%arg18 : memref<!tpu.dma_semaphore, #tpu.memory_space<semaphore_mem>>)
    %dma_wait3A_986 = arith.constant 0 : i32
    %dma_wait3A_987 = arith.constant 0 : i32
    %dma_wait3A_988 = arith.constant 0 : i32
    %dma_wait3A_989 = tpu.memref_slice %arg4[%add3A_888, %dma_wait3A_987, %dma_wait3A_986, %dma_wait3A_988] : memref<1024x20x1x1024xf32, #tpu.memory_space<hbm>> -> memref<1x20x1x1024xf32, #tpu.memory_space<hbm>>
    %dma_wait3A_990 = tpu.memref_squeeze %dma_wait3A_989 : memref<1x20x1x1024xf32, #tpu.memory_space<hbm>> -> memref<1x20x1024xf32, #tpu.memory_space<hbm>>
    %dma_wait3A_991 = arith.constant 0 : i32
    %dma_wait3A_992 = arith.constant 0 : i32
    %dma_wait3A_993 = tpu.memref_slice %arg4[%add3A_888, %dma_wait3A_991, %dma_wait3A_986, %dma_wait3A_992] : memref<1024x20x1x1024xf32, #tpu.memory_space<hbm>> -> memref<1x20x1x1024xf32, #tpu.memory_space<hbm>>
    %dma_wait3A_994 = tpu.memref_squeeze %dma_wait3A_993 : memref<1x20x1x1024xf32, #tpu.memory_space<hbm>> -> memref<1x20x1024xf32, #tpu.memory_space<hbm>>
    tpu.wait_dma2 semaphore(%arg21 : memref<!tpu.dma_semaphore, #tpu.memory_space<semaphore_mem>>) src(%arg11 : memref<1x20x1024xf32, #tpu.memory_space<vmem>>) dst(%dma_wait3A_994 : memref<1x20x1024xf32, #tpu.memory_space<hbm>>)
    %dma_start3A_995 = arith.constant 24 : i32
    %dma_start3A_996 = arith.constant 0 : i32
    %dma_start3A_997 = arith.constant 0 : i32
    %dma_start3A_998 = arith.constant 0 : i32
    %dma_start3A_999 = tpu.memref_slice %arg11[%dma_start3A_996, %dma_start3A_997, %dma_start3A_998] : memref<1x20x1024xf32, #tpu.memory_space<vmem>> -> memref<1x20x1024xf32, #tpu.memory_space<vmem>>
    %dma_start3A_1000 = tpu.memref_squeeze %dma_start3A_999 : memref<1x20x1024xf32, #tpu.memory_space<vmem>> -> memref<20x1024xf32, #tpu.memory_space<vmem>>
    %dma_start3A_1001 = arith.constant 0 : i32
    %dma_start3A_1002 = tpu.memref_slice %arg5[%dma_start3A_995, %dma_start3A_1001] : memref<32x20xi32, #tpu.memory_space<vmem>> -> memref<1x20xi32, #tpu.memory_space<vmem>>
    %dma_start3A_1003 = tpu.memref_squeeze %dma_start3A_1002 : memref<1x20xi32, #tpu.memory_space<vmem>> -> memref<20xi32, #tpu.memory_space<vmem>>
    %dma_start3A_1004 = arith.constant 0 : i32
    %dma_start3A_1005 = arith.constant 0 : i32
    %dma_start3A_1006 = tpu.memref_slice %arg6[%dma_start3A_1004, %dma_start3A_1005] : memref<256x1024xf32, #tpu.memory_space<vmem_shared>> -> memref<256x1024xf32, #tpu.memory_space<vmem_shared>>
    tpu.enqueue_indirect_dma source(%dma_start3A_1006 : memref<256x1024xf32, #tpu.memory_space<vmem_shared>>) target(%dma_start3A_1000 : memref<20x1024xf32, #tpu.memory_space<vmem>>) offsets(%dma_start3A_1003 : memref<20xi32, #tpu.memory_space<vmem>>) semaphore(%arg16 : memref<!tpu.dma_semaphore, #tpu.memory_space<semaphore_mem>>)
    %dma_wait3A_1007 = arith.constant 22 : i32
    %dma_wait3A_1008 = arith.constant 0 : i32
    %dma_wait3A_1009 = arith.constant 0 : i32
    %dma_wait3A_1010 = arith.constant 0 : i32
    %dma_wait3A_1011 = tpu.memref_slice %arg9[%dma_wait3A_1008, %dma_wait3A_1009, %dma_wait3A_1010] : memref<1x20x1024xf32, #tpu.memory_space<vmem>> -> memref<1x20x1024xf32, #tpu.memory_space<vmem>>
    %dma_wait3A_1012 = tpu.memref_squeeze %dma_wait3A_1011 : memref<1x20x1024xf32, #tpu.memory_space<vmem>> -> memref<20x1024xf32, #tpu.memory_space<vmem>>
    %dma_wait3A_1013 = arith.constant 0 : i32
    %dma_wait3A_1014 = tpu.memref_slice %arg5[%dma_wait3A_1007, %dma_wait3A_1013] : memref<32x20xi32, #tpu.memory_space<vmem>> -> memref<1x20xi32, #tpu.memory_space<vmem>>
    %dma_wait3A_1015 = tpu.memref_squeeze %dma_wait3A_1014 : memref<1x20xi32, #tpu.memory_space<vmem>> -> memref<20xi32, #tpu.memory_space<vmem>>
    %dma_wait3A_1016 = arith.constant 0 : i32
    %dma_wait3A_1017 = arith.constant 0 : i32
    %dma_wait3A_1018 = tpu.memref_slice %arg6[%dma_wait3A_1016, %dma_wait3A_1017] : memref<256x1024xf32, #tpu.memory_space<vmem_shared>> -> memref<256x1024xf32, #tpu.memory_space<vmem_shared>>
    tpu.wait_indirect_dma semaphore(%arg14 : memref<!tpu.dma_semaphore, #tpu.memory_space<semaphore_mem>>) src(%dma_wait3A_1018 : memref<256x1024xf32, #tpu.memory_space<vmem_shared>>) dst(%dma_wait3A_1012 : memref<20x1024xf32, #tpu.memory_space<vmem>>)
    %add3A_1019 = arith.constant 22 : i32
    %add3A_1020 = arith.addi %mul3A_2, %add3A_1019 : i32
    %dma_start3A_1021 = arith.constant 0 : i32
    %dma_start3A_1022 = arith.constant 0 : i32
    %dma_start3A_1023 = arith.constant 0 : i32
    %dma_start3A_1024 = tpu.memref_slice %arg4[%add3A_1020, %dma_start3A_1022, %dma_start3A_1021, %dma_start3A_1023] : memref<1024x20x1x1024xf32, #tpu.memory_space<hbm>> -> memref<1x20x1x1024xf32, #tpu.memory_space<hbm>>
    %dma_start3A_1025 = tpu.memref_squeeze %dma_start3A_1024 : memref<1x20x1x1024xf32, #tpu.memory_space<hbm>> -> memref<1x20x1024xf32, #tpu.memory_space<hbm>>
    %dma_start3A_1026 = arith.constant 0 : i32
    %dma_start3A_1027 = arith.constant 0 : i32
    %dma_start3A_1028 = tpu.memref_slice %arg4[%add3A_1020, %dma_start3A_1026, %dma_start3A_1021, %dma_start3A_1027] : memref<1024x20x1x1024xf32, #tpu.memory_space<hbm>> -> memref<1x20x1x1024xf32, #tpu.memory_space<hbm>>
    %dma_start3A_1029 = tpu.memref_squeeze %dma_start3A_1028 : memref<1x20x1x1024xf32, #tpu.memory_space<hbm>> -> memref<1x20x1024xf32, #tpu.memory_space<hbm>>
    tpu.enqueue_dma source(%arg9 : memref<1x20x1024xf32, #tpu.memory_space<vmem>>) target(%dma_start3A_1029 : memref<1x20x1024xf32, #tpu.memory_space<hbm>>) target_semaphore(%arg19 : memref<!tpu.dma_semaphore, #tpu.memory_space<semaphore_mem>>)
    %dma_wait3A_1030 = arith.constant 0 : i32
    %dma_wait3A_1031 = arith.constant 0 : i32
    %dma_wait3A_1032 = arith.constant 0 : i32
    %dma_wait3A_1033 = tpu.memref_slice %arg4[%add3A_932, %dma_wait3A_1031, %dma_wait3A_1030, %dma_wait3A_1032] : memref<1024x20x1x1024xf32, #tpu.memory_space<hbm>> -> memref<1x20x1x1024xf32, #tpu.memory_space<hbm>>
    %dma_wait3A_1034 = tpu.memref_squeeze %dma_wait3A_1033 : memref<1x20x1x1024xf32, #tpu.memory_space<hbm>> -> memref<1x20x1024xf32, #tpu.memory_space<hbm>>
    %dma_wait3A_1035 = arith.constant 0 : i32
    %dma_wait3A_1036 = arith.constant 0 : i32
    %dma_wait3A_1037 = tpu.memref_slice %arg4[%add3A_932, %dma_wait3A_1035, %dma_wait3A_1030, %dma_wait3A_1036] : memref<1024x20x1x1024xf32, #tpu.memory_space<hbm>> -> memref<1x20x1x1024xf32, #tpu.memory_space<hbm>>
    %dma_wait3A_1038 = tpu.memref_squeeze %dma_wait3A_1037 : memref<1x20x1x1024xf32, #tpu.memory_space<hbm>> -> memref<1x20x1024xf32, #tpu.memory_space<hbm>>
    tpu.wait_dma2 semaphore(%arg17 : memref<!tpu.dma_semaphore, #tpu.memory_space<semaphore_mem>>) src(%arg7 : memref<1x20x1024xf32, #tpu.memory_space<vmem>>) dst(%dma_wait3A_1038 : memref<1x20x1024xf32, #tpu.memory_space<hbm>>)
    %dma_start3A_1039 = arith.constant 25 : i32
    %dma_start3A_1040 = arith.constant 0 : i32
    %dma_start3A_1041 = arith.constant 0 : i32
    %dma_start3A_1042 = arith.constant 0 : i32
    %dma_start3A_1043 = tpu.memref_slice %arg7[%dma_start3A_1040, %dma_start3A_1041, %dma_start3A_1042] : memref<1x20x1024xf32, #tpu.memory_space<vmem>> -> memref<1x20x1024xf32, #tpu.memory_space<vmem>>
    %dma_start3A_1044 = tpu.memref_squeeze %dma_start3A_1043 : memref<1x20x1024xf32, #tpu.memory_space<vmem>> -> memref<20x1024xf32, #tpu.memory_space<vmem>>
    %dma_start3A_1045 = arith.constant 0 : i32
    %dma_start3A_1046 = tpu.memref_slice %arg5[%dma_start3A_1039, %dma_start3A_1045] : memref<32x20xi32, #tpu.memory_space<vmem>> -> memref<1x20xi32, #tpu.memory_space<vmem>>
    %dma_start3A_1047 = tpu.memref_squeeze %dma_start3A_1046 : memref<1x20xi32, #tpu.memory_space<vmem>> -> memref<20xi32, #tpu.memory_space<vmem>>
    %dma_start3A_1048 = arith.constant 0 : i32
    %dma_start3A_1049 = arith.constant 0 : i32
    %dma_start3A_1050 = tpu.memref_slice %arg6[%dma_start3A_1048, %dma_start3A_1049] : memref<256x1024xf32, #tpu.memory_space<vmem_shared>> -> memref<256x1024xf32, #tpu.memory_space<vmem_shared>>
    tpu.enqueue_indirect_dma source(%dma_start3A_1050 : memref<256x1024xf32, #tpu.memory_space<vmem_shared>>) target(%dma_start3A_1044 : memref<20x1024xf32, #tpu.memory_space<vmem>>) offsets(%dma_start3A_1047 : memref<20xi32, #tpu.memory_space<vmem>>) semaphore(%arg12 : memref<!tpu.dma_semaphore, #tpu.memory_space<semaphore_mem>>)
    %dma_wait3A_1051 = arith.constant 23 : i32
    %dma_wait3A_1052 = arith.constant 0 : i32
    %dma_wait3A_1053 = arith.constant 0 : i32
    %dma_wait3A_1054 = arith.constant 0 : i32
    %dma_wait3A_1055 = tpu.memref_slice %arg10[%dma_wait3A_1052, %dma_wait3A_1053, %dma_wait3A_1054] : memref<1x20x1024xf32, #tpu.memory_space<vmem>> -> memref<1x20x1024xf32, #tpu.memory_space<vmem>>
    %dma_wait3A_1056 = tpu.memref_squeeze %dma_wait3A_1055 : memref<1x20x1024xf32, #tpu.memory_space<vmem>> -> memref<20x1024xf32, #tpu.memory_space<vmem>>
    %dma_wait3A_1057 = arith.constant 0 : i32
    %dma_wait3A_1058 = tpu.memref_slice %arg5[%dma_wait3A_1051, %dma_wait3A_1057] : memref<32x20xi32, #tpu.memory_space<vmem>> -> memref<1x20xi32, #tpu.memory_space<vmem>>
    %dma_wait3A_1059 = tpu.memref_squeeze %dma_wait3A_1058 : memref<1x20xi32, #tpu.memory_space<vmem>> -> memref<20xi32, #tpu.memory_space<vmem>>
    %dma_wait3A_1060 = arith.constant 0 : i32
    %dma_wait3A_1061 = arith.constant 0 : i32
    %dma_wait3A_1062 = tpu.memref_slice %arg6[%dma_wait3A_1060, %dma_wait3A_1061] : memref<256x1024xf32, #tpu.memory_space<vmem_shared>> -> memref<256x1024xf32, #tpu.memory_space<vmem_shared>>
    tpu.wait_indirect_dma semaphore(%arg15 : memref<!tpu.dma_semaphore, #tpu.memory_space<semaphore_mem>>) src(%dma_wait3A_1062 : memref<256x1024xf32, #tpu.memory_space<vmem_shared>>) dst(%dma_wait3A_1056 : memref<20x1024xf32, #tpu.memory_space<vmem>>)
    %add3A_1063 = arith.constant 23 : i32
    %add3A_1064 = arith.addi %mul3A_2, %add3A_1063 : i32
    %dma_start3A_1065 = arith.constant 0 : i32
    %dma_start3A_1066 = arith.constant 0 : i32
    %dma_start3A_1067 = arith.constant 0 : i32
    %dma_start3A_1068 = tpu.memref_slice %arg4[%add3A_1064, %dma_start3A_1066, %dma_start3A_1065, %dma_start3A_1067] : memref<1024x20x1x1024xf32, #tpu.memory_space<hbm>> -> memref<1x20x1x1024xf32, #tpu.memory_space<hbm>>
    %dma_start3A_1069 = tpu.memref_squeeze %dma_start3A_1068 : memref<1x20x1x1024xf32, #tpu.memory_space<hbm>> -> memref<1x20x1024xf32, #tpu.memory_space<hbm>>
    %dma_start3A_1070 = arith.constant 0 : i32
    %dma_start3A_1071 = arith.constant 0 : i32
    %dma_start3A_1072 = tpu.memref_slice %arg4[%add3A_1064, %dma_start3A_1070, %dma_start3A_1065, %dma_start3A_1071] : memref<1024x20x1x1024xf32, #tpu.memory_space<hbm>> -> memref<1x20x1x1024xf32, #tpu.memory_space<hbm>>
    %dma_start3A_1073 = tpu.memref_squeeze %dma_start3A_1072 : memref<1x20x1x1024xf32, #tpu.memory_space<hbm>> -> memref<1x20x1024xf32, #tpu.memory_space<hbm>>
    tpu.enqueue_dma source(%arg10 : memref<1x20x1024xf32, #tpu.memory_space<vmem>>) target(%dma_start3A_1073 : memref<1x20x1024xf32, #tpu.memory_space<hbm>>) target_semaphore(%arg20 : memref<!tpu.dma_semaphore, #tpu.memory_space<semaphore_mem>>)
    %dma_wait3A_1074 = arith.constant 0 : i32
    %dma_wait3A_1075 = arith.constant 0 : i32
    %dma_wait3A_1076 = arith.constant 0 : i32
    %dma_wait3A_1077 = tpu.memref_slice %arg4[%add3A_976, %dma_wait3A_1075, %dma_wait3A_1074, %dma_wait3A_1076] : memref<1024x20x1x1024xf32, #tpu.memory_space<hbm>> -> memref<1x20x1x1024xf32, #tpu.memory_space<hbm>>
    %dma_wait3A_1078 = tpu.memref_squeeze %dma_wait3A_1077 : memref<1x20x1x1024xf32, #tpu.memory_space<hbm>> -> memref<1x20x1024xf32, #tpu.memory_space<hbm>>
    %dma_wait3A_1079 = arith.constant 0 : i32
    %dma_wait3A_1080 = arith.constant 0 : i32
    %dma_wait3A_1081 = tpu.memref_slice %arg4[%add3A_976, %dma_wait3A_1079, %dma_wait3A_1074, %dma_wait3A_1080] : memref<1024x20x1x1024xf32, #tpu.memory_space<hbm>> -> memref<1x20x1x1024xf32, #tpu.memory_space<hbm>>
    %dma_wait3A_1082 = tpu.memref_squeeze %dma_wait3A_1081 : memref<1x20x1x1024xf32, #tpu.memory_space<hbm>> -> memref<1x20x1024xf32, #tpu.memory_space<hbm>>
    tpu.wait_dma2 semaphore(%arg18 : memref<!tpu.dma_semaphore, #tpu.memory_space<semaphore_mem>>) src(%arg8 : memref<1x20x1024xf32, #tpu.memory_space<vmem>>) dst(%dma_wait3A_1082 : memref<1x20x1024xf32, #tpu.memory_space<hbm>>)
    %dma_start3A_1083 = arith.constant 26 : i32
    %dma_start3A_1084 = arith.constant 0 : i32
    %dma_start3A_1085 = arith.constant 0 : i32
    %dma_start3A_1086 = arith.constant 0 : i32
    %dma_start3A_1087 = tpu.memref_slice %arg8[%dma_start3A_1084, %dma_start3A_1085, %dma_start3A_1086] : memref<1x20x1024xf32, #tpu.memory_space<vmem>> -> memref<1x20x1024xf32, #tpu.memory_space<vmem>>
    %dma_start3A_1088 = tpu.memref_squeeze %dma_start3A_1087 : memref<1x20x1024xf32, #tpu.memory_space<vmem>> -> memref<20x1024xf32, #tpu.memory_space<vmem>>
    %dma_start3A_1089 = arith.constant 0 : i32
    %dma_start3A_1090 = tpu.memref_slice %arg5[%dma_start3A_1083, %dma_start3A_1089] : memref<32x20xi32, #tpu.memory_space<vmem>> -> memref<1x20xi32, #tpu.memory_space<vmem>>
    %dma_start3A_1091 = tpu.memref_squeeze %dma_start3A_1090 : memref<1x20xi32, #tpu.memory_space<vmem>> -> memref<20xi32, #tpu.memory_space<vmem>>
    %dma_start3A_1092 = arith.constant 0 : i32
    %dma_start3A_1093 = arith.constant 0 : i32
    %dma_start3A_1094 = tpu.memref_slice %arg6[%dma_start3A_1092, %dma_start3A_1093] : memref<256x1024xf32, #tpu.memory_space<vmem_shared>> -> memref<256x1024xf32, #tpu.memory_space<vmem_shared>>
    tpu.enqueue_indirect_dma source(%dma_start3A_1094 : memref<256x1024xf32, #tpu.memory_space<vmem_shared>>) target(%dma_start3A_1088 : memref<20x1024xf32, #tpu.memory_space<vmem>>) offsets(%dma_start3A_1091 : memref<20xi32, #tpu.memory_space<vmem>>) semaphore(%arg13 : memref<!tpu.dma_semaphore, #tpu.memory_space<semaphore_mem>>)
    %dma_wait3A_1095 = arith.constant 24 : i32
    %dma_wait3A_1096 = arith.constant 0 : i32
    %dma_wait3A_1097 = arith.constant 0 : i32
    %dma_wait3A_1098 = arith.constant 0 : i32
    %dma_wait3A_1099 = tpu.memref_slice %arg11[%dma_wait3A_1096, %dma_wait3A_1097, %dma_wait3A_1098] : memref<1x20x1024xf32, #tpu.memory_space<vmem>> -> memref<1x20x1024xf32, #tpu.memory_space<vmem>>
    %dma_wait3A_1100 = tpu.memref_squeeze %dma_wait3A_1099 : memref<1x20x1024xf32, #tpu.memory_space<vmem>> -> memref<20x1024xf32, #tpu.memory_space<vmem>>
    %dma_wait3A_1101 = arith.constant 0 : i32
    %dma_wait3A_1102 = tpu.memref_slice %arg5[%dma_wait3A_1095, %dma_wait3A_1101] : memref<32x20xi32, #tpu.memory_space<vmem>> -> memref<1x20xi32, #tpu.memory_space<vmem>>
    %dma_wait3A_1103 = tpu.memref_squeeze %dma_wait3A_1102 : memref<1x20xi32, #tpu.memory_space<vmem>> -> memref<20xi32, #tpu.memory_space<vmem>>
    %dma_wait3A_1104 = arith.constant 0 : i32
    %dma_wait3A_1105 = arith.constant 0 : i32
    %dma_wait3A_1106 = tpu.memref_slice %arg6[%dma_wait3A_1104, %dma_wait3A_1105] : memref<256x1024xf32, #tpu.memory_space<vmem_shared>> -> memref<256x1024xf32, #tpu.memory_space<vmem_shared>>
    tpu.wait_indirect_dma semaphore(%arg16 : memref<!tpu.dma_semaphore, #tpu.memory_space<semaphore_mem>>) src(%dma_wait3A_1106 : memref<256x1024xf32, #tpu.memory_space<vmem_shared>>) dst(%dma_wait3A_1100 : memref<20x1024xf32, #tpu.memory_space<vmem>>)
    %add3A_1107 = arith.constant 24 : i32
    %add3A_1108 = arith.addi %mul3A_2, %add3A_1107 : i32
    %dma_start3A_1109 = arith.constant 0 : i32
    %dma_start3A_1110 = arith.constant 0 : i32
    %dma_start3A_1111 = arith.constant 0 : i32
    %dma_start3A_1112 = tpu.memref_slice %arg4[%add3A_1108, %dma_start3A_1110, %dma_start3A_1109, %dma_start3A_1111] : memref<1024x20x1x1024xf32, #tpu.memory_space<hbm>> -> memref<1x20x1x1024xf32, #tpu.memory_space<hbm>>
    %dma_start3A_1113 = tpu.memref_squeeze %dma_start3A_1112 : memref<1x20x1x1024xf32, #tpu.memory_space<hbm>> -> memref<1x20x1024xf32, #tpu.memory_space<hbm>>
    %dma_start3A_1114 = arith.constant 0 : i32
    %dma_start3A_1115 = arith.constant 0 : i32
    %dma_start3A_1116 = tpu.memref_slice %arg4[%add3A_1108, %dma_start3A_1114, %dma_start3A_1109, %dma_start3A_1115] : memref<1024x20x1x1024xf32, #tpu.memory_space<hbm>> -> memref<1x20x1x1024xf32, #tpu.memory_space<hbm>>
    %dma_start3A_1117 = tpu.memref_squeeze %dma_start3A_1116 : memref<1x20x1x1024xf32, #tpu.memory_space<hbm>> -> memref<1x20x1024xf32, #tpu.memory_space<hbm>>
    tpu.enqueue_dma source(%arg11 : memref<1x20x1024xf32, #tpu.memory_space<vmem>>) target(%dma_start3A_1117 : memref<1x20x1024xf32, #tpu.memory_space<hbm>>) target_semaphore(%arg21 : memref<!tpu.dma_semaphore, #tpu.memory_space<semaphore_mem>>)
    %dma_wait3A_1118 = arith.constant 0 : i32
    %dma_wait3A_1119 = arith.constant 0 : i32
    %dma_wait3A_1120 = arith.constant 0 : i32
    %dma_wait3A_1121 = tpu.memref_slice %arg4[%add3A_1020, %dma_wait3A_1119, %dma_wait3A_1118, %dma_wait3A_1120] : memref<1024x20x1x1024xf32, #tpu.memory_space<hbm>> -> memref<1x20x1x1024xf32, #tpu.memory_space<hbm>>
    %dma_wait3A_1122 = tpu.memref_squeeze %dma_wait3A_1121 : memref<1x20x1x1024xf32, #tpu.memory_space<hbm>> -> memref<1x20x1024xf32, #tpu.memory_space<hbm>>
    %dma_wait3A_1123 = arith.constant 0 : i32
    %dma_wait3A_1124 = arith.constant 0 : i32
    %dma_wait3A_1125 = tpu.memref_slice %arg4[%add3A_1020, %dma_wait3A_1123, %dma_wait3A_1118, %dma_wait3A_1124] : memref<1024x20x1x1024xf32, #tpu.memory_space<hbm>> -> memref<1x20x1x1024xf32, #tpu.memory_space<hbm>>
    %dma_wait3A_1126 = tpu.memref_squeeze %dma_wait3A_1125 : memref<1x20x1x1024xf32, #tpu.memory_space<hbm>> -> memref<1x20x1024xf32, #tpu.memory_space<hbm>>
    tpu.wait_dma2 semaphore(%arg19 : memref<!tpu.dma_semaphore, #tpu.memory_space<semaphore_mem>>) src(%arg9 : memref<1x20x1024xf32, #tpu.memory_space<vmem>>) dst(%dma_wait3A_1126 : memref<1x20x1024xf32, #tpu.memory_space<hbm>>)
    %dma_start3A_1127 = arith.constant 27 : i32
    %dma_start3A_1128 = arith.constant 0 : i32
    %dma_start3A_1129 = arith.constant 0 : i32
    %dma_start3A_1130 = arith.constant 0 : i32
    %dma_start3A_1131 = tpu.memref_slice %arg9[%dma_start3A_1128, %dma_start3A_1129, %dma_start3A_1130] : memref<1x20x1024xf32, #tpu.memory_space<vmem>> -> memref<1x20x1024xf32, #tpu.memory_space<vmem>>
    %dma_start3A_1132 = tpu.memref_squeeze %dma_start3A_1131 : memref<1x20x1024xf32, #tpu.memory_space<vmem>> -> memref<20x1024xf32, #tpu.memory_space<vmem>>
    %dma_start3A_1133 = arith.constant 0 : i32
    %dma_start3A_1134 = tpu.memref_slice %arg5[%dma_start3A_1127, %dma_start3A_1133] : memref<32x20xi32, #tpu.memory_space<vmem>> -> memref<1x20xi32, #tpu.memory_space<vmem>>
    %dma_start3A_1135 = tpu.memref_squeeze %dma_start3A_1134 : memref<1x20xi32, #tpu.memory_space<vmem>> -> memref<20xi32, #tpu.memory_space<vmem>>
    %dma_start3A_1136 = arith.constant 0 : i32
    %dma_start3A_1137 = arith.constant 0 : i32
    %dma_start3A_1138 = tpu.memref_slice %arg6[%dma_start3A_1136, %dma_start3A_1137] : memref<256x1024xf32, #tpu.memory_space<vmem_shared>> -> memref<256x1024xf32, #tpu.memory_space<vmem_shared>>
    tpu.enqueue_indirect_dma source(%dma_start3A_1138 : memref<256x1024xf32, #tpu.memory_space<vmem_shared>>) target(%dma_start3A_1132 : memref<20x1024xf32, #tpu.memory_space<vmem>>) offsets(%dma_start3A_1135 : memref<20xi32, #tpu.memory_space<vmem>>) semaphore(%arg14 : memref<!tpu.dma_semaphore, #tpu.memory_space<semaphore_mem>>)
    %dma_wait3A_1139 = arith.constant 25 : i32
    %dma_wait3A_1140 = arith.constant 0 : i32
    %dma_wait3A_1141 = arith.constant 0 : i32
    %dma_wait3A_1142 = arith.constant 0 : i32
    %dma_wait3A_1143 = tpu.memref_slice %arg7[%dma_wait3A_1140, %dma_wait3A_1141, %dma_wait3A_1142] : memref<1x20x1024xf32, #tpu.memory_space<vmem>> -> memref<1x20x1024xf32, #tpu.memory_space<vmem>>
    %dma_wait3A_1144 = tpu.memref_squeeze %dma_wait3A_1143 : memref<1x20x1024xf32, #tpu.memory_space<vmem>> -> memref<20x1024xf32, #tpu.memory_space<vmem>>
    %dma_wait3A_1145 = arith.constant 0 : i32
    %dma_wait3A_1146 = tpu.memref_slice %arg5[%dma_wait3A_1139, %dma_wait3A_1145] : memref<32x20xi32, #tpu.memory_space<vmem>> -> memref<1x20xi32, #tpu.memory_space<vmem>>
    %dma_wait3A_1147 = tpu.memref_squeeze %dma_wait3A_1146 : memref<1x20xi32, #tpu.memory_space<vmem>> -> memref<20xi32, #tpu.memory_space<vmem>>
    %dma_wait3A_1148 = arith.constant 0 : i32
    %dma_wait3A_1149 = arith.constant 0 : i32
    %dma_wait3A_1150 = tpu.memref_slice %arg6[%dma_wait3A_1148, %dma_wait3A_1149] : memref<256x1024xf32, #tpu.memory_space<vmem_shared>> -> memref<256x1024xf32, #tpu.memory_space<vmem_shared>>
    tpu.wait_indirect_dma semaphore(%arg12 : memref<!tpu.dma_semaphore, #tpu.memory_space<semaphore_mem>>) src(%dma_wait3A_1150 : memref<256x1024xf32, #tpu.memory_space<vmem_shared>>) dst(%dma_wait3A_1144 : memref<20x1024xf32, #tpu.memory_space<vmem>>)
    %add3A_1151 = arith.constant 25 : i32
    %add3A_1152 = arith.addi %mul3A_2, %add3A_1151 : i32
    %dma_start3A_1153 = arith.constant 0 : i32
    %dma_start3A_1154 = arith.constant 0 : i32
    %dma_start3A_1155 = arith.constant 0 : i32
    %dma_start3A_1156 = tpu.memref_slice %arg4[%add3A_1152, %dma_start3A_1154, %dma_start3A_1153, %dma_start3A_1155] : memref<1024x20x1x1024xf32, #tpu.memory_space<hbm>> -> memref<1x20x1x1024xf32, #tpu.memory_space<hbm>>
    %dma_start3A_1157 = tpu.memref_squeeze %dma_start3A_1156 : memref<1x20x1x1024xf32, #tpu.memory_space<hbm>> -> memref<1x20x1024xf32, #tpu.memory_space<hbm>>
    %dma_start3A_1158 = arith.constant 0 : i32
    %dma_start3A_1159 = arith.constant 0 : i32
    %dma_start3A_1160 = tpu.memref_slice %arg4[%add3A_1152, %dma_start3A_1158, %dma_start3A_1153, %dma_start3A_1159] : memref<1024x20x1x1024xf32, #tpu.memory_space<hbm>> -> memref<1x20x1x1024xf32, #tpu.memory_space<hbm>>
    %dma_start3A_1161 = tpu.memref_squeeze %dma_start3A_1160 : memref<1x20x1x1024xf32, #tpu.memory_space<hbm>> -> memref<1x20x1024xf32, #tpu.memory_space<hbm>>
    tpu.enqueue_dma source(%arg7 : memref<1x20x1024xf32, #tpu.memory_space<vmem>>) target(%dma_start3A_1161 : memref<1x20x1024xf32, #tpu.memory_space<hbm>>) target_semaphore(%arg17 : memref<!tpu.dma_semaphore, #tpu.memory_space<semaphore_mem>>)
    %dma_wait3A_1162 = arith.constant 0 : i32
    %dma_wait3A_1163 = arith.constant 0 : i32
    %dma_wait3A_1164 = arith.constant 0 : i32
    %dma_wait3A_1165 = tpu.memref_slice %arg4[%add3A_1064, %dma_wait3A_1163, %dma_wait3A_1162, %dma_wait3A_1164] : memref<1024x20x1x1024xf32, #tpu.memory_space<hbm>> -> memref<1x20x1x1024xf32, #tpu.memory_space<hbm>>
    %dma_wait3A_1166 = tpu.memref_squeeze %dma_wait3A_1165 : memref<1x20x1x1024xf32, #tpu.memory_space<hbm>> -> memref<1x20x1024xf32, #tpu.memory_space<hbm>>
    %dma_wait3A_1167 = arith.constant 0 : i32
    %dma_wait3A_1168 = arith.constant 0 : i32
    %dma_wait3A_1169 = tpu.memref_slice %arg4[%add3A_1064, %dma_wait3A_1167, %dma_wait3A_1162, %dma_wait3A_1168] : memref<1024x20x1x1024xf32, #tpu.memory_space<hbm>> -> memref<1x20x1x1024xf32, #tpu.memory_space<hbm>>
    %dma_wait3A_1170 = tpu.memref_squeeze %dma_wait3A_1169 : memref<1x20x1x1024xf32, #tpu.memory_space<hbm>> -> memref<1x20x1024xf32, #tpu.memory_space<hbm>>
    tpu.wait_dma2 semaphore(%arg20 : memref<!tpu.dma_semaphore, #tpu.memory_space<semaphore_mem>>) src(%arg10 : memref<1x20x1024xf32, #tpu.memory_space<vmem>>) dst(%dma_wait3A_1170 : memref<1x20x1024xf32, #tpu.memory_space<hbm>>)
    %dma_start3A_1171 = arith.constant 28 : i32
    %dma_start3A_1172 = arith.constant 0 : i32
    %dma_start3A_1173 = arith.constant 0 : i32
    %dma_start3A_1174 = arith.constant 0 : i32
    %dma_start3A_1175 = tpu.memref_slice %arg10[%dma_start3A_1172, %dma_start3A_1173, %dma_start3A_1174] : memref<1x20x1024xf32, #tpu.memory_space<vmem>> -> memref<1x20x1024xf32, #tpu.memory_space<vmem>>
    %dma_start3A_1176 = tpu.memref_squeeze %dma_start3A_1175 : memref<1x20x1024xf32, #tpu.memory_space<vmem>> -> memref<20x1024xf32, #tpu.memory_space<vmem>>
    %dma_start3A_1177 = arith.constant 0 : i32
    %dma_start3A_1178 = tpu.memref_slice %arg5[%dma_start3A_1171, %dma_start3A_1177] : memref<32x20xi32, #tpu.memory_space<vmem>> -> memref<1x20xi32, #tpu.memory_space<vmem>>
    %dma_start3A_1179 = tpu.memref_squeeze %dma_start3A_1178 : memref<1x20xi32, #tpu.memory_space<vmem>> -> memref<20xi32, #tpu.memory_space<vmem>>
    %dma_start3A_1180 = arith.constant 0 : i32
    %dma_start3A_1181 = arith.constant 0 : i32
    %dma_start3A_1182 = tpu.memref_slice %arg6[%dma_start3A_1180, %dma_start3A_1181] : memref<256x1024xf32, #tpu.memory_space<vmem_shared>> -> memref<256x1024xf32, #tpu.memory_space<vmem_shared>>
    tpu.enqueue_indirect_dma source(%dma_start3A_1182 : memref<256x1024xf32, #tpu.memory_space<vmem_shared>>) target(%dma_start3A_1176 : memref<20x1024xf32, #tpu.memory_space<vmem>>) offsets(%dma_start3A_1179 : memref<20xi32, #tpu.memory_space<vmem>>) semaphore(%arg15 : memref<!tpu.dma_semaphore, #tpu.memory_space<semaphore_mem>>)
    %dma_wait3A_1183 = arith.constant 26 : i32
    %dma_wait3A_1184 = arith.constant 0 : i32
    %dma_wait3A_1185 = arith.constant 0 : i32
    %dma_wait3A_1186 = arith.constant 0 : i32
    %dma_wait3A_1187 = tpu.memref_slice %arg8[%dma_wait3A_1184, %dma_wait3A_1185, %dma_wait3A_1186] : memref<1x20x1024xf32, #tpu.memory_space<vmem>> -> memref<1x20x1024xf32, #tpu.memory_space<vmem>>
    %dma_wait3A_1188 = tpu.memref_squeeze %dma_wait3A_1187 : memref<1x20x1024xf32, #tpu.memory_space<vmem>> -> memref<20x1024xf32, #tpu.memory_space<vmem>>
    %dma_wait3A_1189 = arith.constant 0 : i32
    %dma_wait3A_1190 = tpu.memref_slice %arg5[%dma_wait3A_1183, %dma_wait3A_1189] : memref<32x20xi32, #tpu.memory_space<vmem>> -> memref<1x20xi32, #tpu.memory_space<vmem>>
    %dma_wait3A_1191 = tpu.memref_squeeze %dma_wait3A_1190 : memref<1x20xi32, #tpu.memory_space<vmem>> -> memref<20xi32, #tpu.memory_space<vmem>>
    %dma_wait3A_1192 = arith.constant 0 : i32
    %dma_wait3A_1193 = arith.constant 0 : i32
    %dma_wait3A_1194 = tpu.memref_slice %arg6[%dma_wait3A_1192, %dma_wait3A_1193] : memref<256x1024xf32, #tpu.memory_space<vmem_shared>> -> memref<256x1024xf32, #tpu.memory_space<vmem_shared>>
    tpu.wait_indirect_dma semaphore(%arg13 : memref<!tpu.dma_semaphore, #tpu.memory_space<semaphore_mem>>) src(%dma_wait3A_1194 : memref<256x1024xf32, #tpu.memory_space<vmem_shared>>) dst(%dma_wait3A_1188 : memref<20x1024xf32, #tpu.memory_space<vmem>>)
    %add3A_1195 = arith.constant 26 : i32
    %add3A_1196 = arith.addi %mul3A_2, %add3A_1195 : i32
    %dma_start3A_1197 = arith.constant 0 : i32
    %dma_start3A_1198 = arith.constant 0 : i32
    %dma_start3A_1199 = arith.constant 0 : i32
    %dma_start3A_1200 = tpu.memref_slice %arg4[%add3A_1196, %dma_start3A_1198, %dma_start3A_1197, %dma_start3A_1199] : memref<1024x20x1x1024xf32, #tpu.memory_space<hbm>> -> memref<1x20x1x1024xf32, #tpu.memory_space<hbm>>
    %dma_start3A_1201 = tpu.memref_squeeze %dma_start3A_1200 : memref<1x20x1x1024xf32, #tpu.memory_space<hbm>> -> memref<1x20x1024xf32, #tpu.memory_space<hbm>>
    %dma_start3A_1202 = arith.constant 0 : i32
    %dma_start3A_1203 = arith.constant 0 : i32
    %dma_start3A_1204 = tpu.memref_slice %arg4[%add3A_1196, %dma_start3A_1202, %dma_start3A_1197, %dma_start3A_1203] : memref<1024x20x1x1024xf32, #tpu.memory_space<hbm>> -> memref<1x20x1x1024xf32, #tpu.memory_space<hbm>>
    %dma_start3A_1205 = tpu.memref_squeeze %dma_start3A_1204 : memref<1x20x1x1024xf32, #tpu.memory_space<hbm>> -> memref<1x20x1024xf32, #tpu.memory_space<hbm>>
    tpu.enqueue_dma source(%arg8 : memref<1x20x1024xf32, #tpu.memory_space<vmem>>) target(%dma_start3A_1205 : memref<1x20x1024xf32, #tpu.memory_space<hbm>>) target_semaphore(%arg18 : memref<!tpu.dma_semaphore, #tpu.memory_space<semaphore_mem>>)
    %dma_wait3A_1206 = arith.constant 0 : i32
    %dma_wait3A_1207 = arith.constant 0 : i32
    %dma_wait3A_1208 = arith.constant 0 : i32
    %dma_wait3A_1209 = tpu.memref_slice %arg4[%add3A_1108, %dma_wait3A_1207, %dma_wait3A_1206, %dma_wait3A_1208] : memref<1024x20x1x1024xf32, #tpu.memory_space<hbm>> -> memref<1x20x1x1024xf32, #tpu.memory_space<hbm>>
    %dma_wait3A_1210 = tpu.memref_squeeze %dma_wait3A_1209 : memref<1x20x1x1024xf32, #tpu.memory_space<hbm>> -> memref<1x20x1024xf32, #tpu.memory_space<hbm>>
    %dma_wait3A_1211 = arith.constant 0 : i32
    %dma_wait3A_1212 = arith.constant 0 : i32
    %dma_wait3A_1213 = tpu.memref_slice %arg4[%add3A_1108, %dma_wait3A_1211, %dma_wait3A_1206, %dma_wait3A_1212] : memref<1024x20x1x1024xf32, #tpu.memory_space<hbm>> -> memref<1x20x1x1024xf32, #tpu.memory_space<hbm>>
    %dma_wait3A_1214 = tpu.memref_squeeze %dma_wait3A_1213 : memref<1x20x1x1024xf32, #tpu.memory_space<hbm>> -> memref<1x20x1024xf32, #tpu.memory_space<hbm>>
    tpu.wait_dma2 semaphore(%arg21 : memref<!tpu.dma_semaphore, #tpu.memory_space<semaphore_mem>>) src(%arg11 : memref<1x20x1024xf32, #tpu.memory_space<vmem>>) dst(%dma_wait3A_1214 : memref<1x20x1024xf32, #tpu.memory_space<hbm>>)
    %dma_start3A_1215 = arith.constant 29 : i32
    %dma_start3A_1216 = arith.constant 0 : i32
    %dma_start3A_1217 = arith.constant 0 : i32
    %dma_start3A_1218 = arith.constant 0 : i32
    %dma_start3A_1219 = tpu.memref_slice %arg11[%dma_start3A_1216, %dma_start3A_1217, %dma_start3A_1218] : memref<1x20x1024xf32, #tpu.memory_space<vmem>> -> memref<1x20x1024xf32, #tpu.memory_space<vmem>>
    %dma_start3A_1220 = tpu.memref_squeeze %dma_start3A_1219 : memref<1x20x1024xf32, #tpu.memory_space<vmem>> -> memref<20x1024xf32, #tpu.memory_space<vmem>>
    %dma_start3A_1221 = arith.constant 0 : i32
    %dma_start3A_1222 = tpu.memref_slice %arg5[%dma_start3A_1215, %dma_start3A_1221] : memref<32x20xi32, #tpu.memory_space<vmem>> -> memref<1x20xi32, #tpu.memory_space<vmem>>
    %dma_start3A_1223 = tpu.memref_squeeze %dma_start3A_1222 : memref<1x20xi32, #tpu.memory_space<vmem>> -> memref<20xi32, #tpu.memory_space<vmem>>
    %dma_start3A_1224 = arith.constant 0 : i32
    %dma_start3A_1225 = arith.constant 0 : i32
    %dma_start3A_1226 = tpu.memref_slice %arg6[%dma_start3A_1224, %dma_start3A_1225] : memref<256x1024xf32, #tpu.memory_space<vmem_shared>> -> memref<256x1024xf32, #tpu.memory_space<vmem_shared>>
    tpu.enqueue_indirect_dma source(%dma_start3A_1226 : memref<256x1024xf32, #tpu.memory_space<vmem_shared>>) target(%dma_start3A_1220 : memref<20x1024xf32, #tpu.memory_space<vmem>>) offsets(%dma_start3A_1223 : memref<20xi32, #tpu.memory_space<vmem>>) semaphore(%arg16 : memref<!tpu.dma_semaphore, #tpu.memory_space<semaphore_mem>>)
    %dma_wait3A_1227 = arith.constant 27 : i32
    %dma_wait3A_1228 = arith.constant 0 : i32
    %dma_wait3A_1229 = arith.constant 0 : i32
    %dma_wait3A_1230 = arith.constant 0 : i32
    %dma_wait3A_1231 = tpu.memref_slice %arg9[%dma_wait3A_1228, %dma_wait3A_1229, %dma_wait3A_1230] : memref<1x20x1024xf32, #tpu.memory_space<vmem>> -> memref<1x20x1024xf32, #tpu.memory_space<vmem>>
    %dma_wait3A_1232 = tpu.memref_squeeze %dma_wait3A_1231 : memref<1x20x1024xf32, #tpu.memory_space<vmem>> -> memref<20x1024xf32, #tpu.memory_space<vmem>>
    %dma_wait3A_1233 = arith.constant 0 : i32
    %dma_wait3A_1234 = tpu.memref_slice %arg5[%dma_wait3A_1227, %dma_wait3A_1233] : memref<32x20xi32, #tpu.memory_space<vmem>> -> memref<1x20xi32, #tpu.memory_space<vmem>>
    %dma_wait3A_1235 = tpu.memref_squeeze %dma_wait3A_1234 : memref<1x20xi32, #tpu.memory_space<vmem>> -> memref<20xi32, #tpu.memory_space<vmem>>
    %dma_wait3A_1236 = arith.constant 0 : i32
    %dma_wait3A_1237 = arith.constant 0 : i32
    %dma_wait3A_1238 = tpu.memref_slice %arg6[%dma_wait3A_1236, %dma_wait3A_1237] : memref<256x1024xf32, #tpu.memory_space<vmem_shared>> -> memref<256x1024xf32, #tpu.memory_space<vmem_shared>>
    tpu.wait_indirect_dma semaphore(%arg14 : memref<!tpu.dma_semaphore, #tpu.memory_space<semaphore_mem>>) src(%dma_wait3A_1238 : memref<256x1024xf32, #tpu.memory_space<vmem_shared>>) dst(%dma_wait3A_1232 : memref<20x1024xf32, #tpu.memory_space<vmem>>)
    %add3A_1239 = arith.constant 27 : i32
    %add3A_1240 = arith.addi %mul3A_2, %add3A_1239 : i32
    %dma_start3A_1241 = arith.constant 0 : i32
    %dma_start3A_1242 = arith.constant 0 : i32
    %dma_start3A_1243 = arith.constant 0 : i32
    %dma_start3A_1244 = tpu.memref_slice %arg4[%add3A_1240, %dma_start3A_1242, %dma_start3A_1241, %dma_start3A_1243] : memref<1024x20x1x1024xf32, #tpu.memory_space<hbm>> -> memref<1x20x1x1024xf32, #tpu.memory_space<hbm>>
    %dma_start3A_1245 = tpu.memref_squeeze %dma_start3A_1244 : memref<1x20x1x1024xf32, #tpu.memory_space<hbm>> -> memref<1x20x1024xf32, #tpu.memory_space<hbm>>
    %dma_start3A_1246 = arith.constant 0 : i32
    %dma_start3A_1247 = arith.constant 0 : i32
    %dma_start3A_1248 = tpu.memref_slice %arg4[%add3A_1240, %dma_start3A_1246, %dma_start3A_1241, %dma_start3A_1247] : memref<1024x20x1x1024xf32, #tpu.memory_space<hbm>> -> memref<1x20x1x1024xf32, #tpu.memory_space<hbm>>
    %dma_start3A_1249 = tpu.memref_squeeze %dma_start3A_1248 : memref<1x20x1x1024xf32, #tpu.memory_space<hbm>> -> memref<1x20x1024xf32, #tpu.memory_space<hbm>>
    tpu.enqueue_dma source(%arg9 : memref<1x20x1024xf32, #tpu.memory_space<vmem>>) target(%dma_start3A_1249 : memref<1x20x1024xf32, #tpu.memory_space<hbm>>) target_semaphore(%arg19 : memref<!tpu.dma_semaphore, #tpu.memory_space<semaphore_mem>>)
    %dma_wait3A_1250 = arith.constant 0 : i32
    %dma_wait3A_1251 = arith.constant 0 : i32
    %dma_wait3A_1252 = arith.constant 0 : i32
    %dma_wait3A_1253 = tpu.memref_slice %arg4[%add3A_1152, %dma_wait3A_1251, %dma_wait3A_1250, %dma_wait3A_1252] : memref<1024x20x1x1024xf32, #tpu.memory_space<hbm>> -> memref<1x20x1x1024xf32, #tpu.memory_space<hbm>>
    %dma_wait3A_1254 = tpu.memref_squeeze %dma_wait3A_1253 : memref<1x20x1x1024xf32, #tpu.memory_space<hbm>> -> memref<1x20x1024xf32, #tpu.memory_space<hbm>>
    %dma_wait3A_1255 = arith.constant 0 : i32
    %dma_wait3A_1256 = arith.constant 0 : i32
    %dma_wait3A_1257 = tpu.memref_slice %arg4[%add3A_1152, %dma_wait3A_1255, %dma_wait3A_1250, %dma_wait3A_1256] : memref<1024x20x1x1024xf32, #tpu.memory_space<hbm>> -> memref<1x20x1x1024xf32, #tpu.memory_space<hbm>>
    %dma_wait3A_1258 = tpu.memref_squeeze %dma_wait3A_1257 : memref<1x20x1x1024xf32, #tpu.memory_space<hbm>> -> memref<1x20x1024xf32, #tpu.memory_space<hbm>>
    tpu.wait_dma2 semaphore(%arg17 : memref<!tpu.dma_semaphore, #tpu.memory_space<semaphore_mem>>) src(%arg7 : memref<1x20x1024xf32, #tpu.memory_space<vmem>>) dst(%dma_wait3A_1258 : memref<1x20x1024xf32, #tpu.memory_space<hbm>>)
    %dma_start3A_1259 = arith.constant 30 : i32
    %dma_start3A_1260 = arith.constant 0 : i32
    %dma_start3A_1261 = arith.constant 0 : i32
    %dma_start3A_1262 = arith.constant 0 : i32
    %dma_start3A_1263 = tpu.memref_slice %arg7[%dma_start3A_1260, %dma_start3A_1261, %dma_start3A_1262] : memref<1x20x1024xf32, #tpu.memory_space<vmem>> -> memref<1x20x1024xf32, #tpu.memory_space<vmem>>
    %dma_start3A_1264 = tpu.memref_squeeze %dma_start3A_1263 : memref<1x20x1024xf32, #tpu.memory_space<vmem>> -> memref<20x1024xf32, #tpu.memory_space<vmem>>
    %dma_start3A_1265 = arith.constant 0 : i32
    %dma_start3A_1266 = tpu.memref_slice %arg5[%dma_start3A_1259, %dma_start3A_1265] : memref<32x20xi32, #tpu.memory_space<vmem>> -> memref<1x20xi32, #tpu.memory_space<vmem>>
    %dma_start3A_1267 = tpu.memref_squeeze %dma_start3A_1266 : memref<1x20xi32, #tpu.memory_space<vmem>> -> memref<20xi32, #tpu.memory_space<vmem>>
    %dma_start3A_1268 = arith.constant 0 : i32
    %dma_start3A_1269 = arith.constant 0 : i32
    %dma_start3A_1270 = tpu.memref_slice %arg6[%dma_start3A_1268, %dma_start3A_1269] : memref<256x1024xf32, #tpu.memory_space<vmem_shared>> -> memref<256x1024xf32, #tpu.memory_space<vmem_shared>>
    tpu.enqueue_indirect_dma source(%dma_start3A_1270 : memref<256x1024xf32, #tpu.memory_space<vmem_shared>>) target(%dma_start3A_1264 : memref<20x1024xf32, #tpu.memory_space<vmem>>) offsets(%dma_start3A_1267 : memref<20xi32, #tpu.memory_space<vmem>>) semaphore(%arg12 : memref<!tpu.dma_semaphore, #tpu.memory_space<semaphore_mem>>)
    %dma_wait3A_1271 = arith.constant 28 : i32
    %dma_wait3A_1272 = arith.constant 0 : i32
    %dma_wait3A_1273 = arith.constant 0 : i32
    %dma_wait3A_1274 = arith.constant 0 : i32
    %dma_wait3A_1275 = tpu.memref_slice %arg10[%dma_wait3A_1272, %dma_wait3A_1273, %dma_wait3A_1274] : memref<1x20x1024xf32, #tpu.memory_space<vmem>> -> memref<1x20x1024xf32, #tpu.memory_space<vmem>>
    %dma_wait3A_1276 = tpu.memref_squeeze %dma_wait3A_1275 : memref<1x20x1024xf32, #tpu.memory_space<vmem>> -> memref<20x1024xf32, #tpu.memory_space<vmem>>
    %dma_wait3A_1277 = arith.constant 0 : i32
    %dma_wait3A_1278 = tpu.memref_slice %arg5[%dma_wait3A_1271, %dma_wait3A_1277] : memref<32x20xi32, #tpu.memory_space<vmem>> -> memref<1x20xi32, #tpu.memory_space<vmem>>
    %dma_wait3A_1279 = tpu.memref_squeeze %dma_wait3A_1278 : memref<1x20xi32, #tpu.memory_space<vmem>> -> memref<20xi32, #tpu.memory_space<vmem>>
    %dma_wait3A_1280 = arith.constant 0 : i32
    %dma_wait3A_1281 = arith.constant 0 : i32
    %dma_wait3A_1282 = tpu.memref_slice %arg6[%dma_wait3A_1280, %dma_wait3A_1281] : memref<256x1024xf32, #tpu.memory_space<vmem_shared>> -> memref<256x1024xf32, #tpu.memory_space<vmem_shared>>
    tpu.wait_indirect_dma semaphore(%arg15 : memref<!tpu.dma_semaphore, #tpu.memory_space<semaphore_mem>>) src(%dma_wait3A_1282 : memref<256x1024xf32, #tpu.memory_space<vmem_shared>>) dst(%dma_wait3A_1276 : memref<20x1024xf32, #tpu.memory_space<vmem>>)
    %add3A_1283 = arith.constant 28 : i32
    %add3A_1284 = arith.addi %mul3A_2, %add3A_1283 : i32
    %dma_start3A_1285 = arith.constant 0 : i32
    %dma_start3A_1286 = arith.constant 0 : i32
    %dma_start3A_1287 = arith.constant 0 : i32
    %dma_start3A_1288 = tpu.memref_slice %arg4[%add3A_1284, %dma_start3A_1286, %dma_start3A_1285, %dma_start3A_1287] : memref<1024x20x1x1024xf32, #tpu.memory_space<hbm>> -> memref<1x20x1x1024xf32, #tpu.memory_space<hbm>>
    %dma_start3A_1289 = tpu.memref_squeeze %dma_start3A_1288 : memref<1x20x1x1024xf32, #tpu.memory_space<hbm>> -> memref<1x20x1024xf32, #tpu.memory_space<hbm>>
    %dma_start3A_1290 = arith.constant 0 : i32
    %dma_start3A_1291 = arith.constant 0 : i32
    %dma_start3A_1292 = tpu.memref_slice %arg4[%add3A_1284, %dma_start3A_1290, %dma_start3A_1285, %dma_start3A_1291] : memref<1024x20x1x1024xf32, #tpu.memory_space<hbm>> -> memref<1x20x1x1024xf32, #tpu.memory_space<hbm>>
    %dma_start3A_1293 = tpu.memref_squeeze %dma_start3A_1292 : memref<1x20x1x1024xf32, #tpu.memory_space<hbm>> -> memref<1x20x1024xf32, #tpu.memory_space<hbm>>
    tpu.enqueue_dma source(%arg10 : memref<1x20x1024xf32, #tpu.memory_space<vmem>>) target(%dma_start3A_1293 : memref<1x20x1024xf32, #tpu.memory_space<hbm>>) target_semaphore(%arg20 : memref<!tpu.dma_semaphore, #tpu.memory_space<semaphore_mem>>)
    %dma_wait3A_1294 = arith.constant 0 : i32
    %dma_wait3A_1295 = arith.constant 0 : i32
    %dma_wait3A_1296 = arith.constant 0 : i32
    %dma_wait3A_1297 = tpu.memref_slice %arg4[%add3A_1196, %dma_wait3A_1295, %dma_wait3A_1294, %dma_wait3A_1296] : memref<1024x20x1x1024xf32, #tpu.memory_space<hbm>> -> memref<1x20x1x1024xf32, #tpu.memory_space<hbm>>
    %dma_wait3A_1298 = tpu.memref_squeeze %dma_wait3A_1297 : memref<1x20x1x1024xf32, #tpu.memory_space<hbm>> -> memref<1x20x1024xf32, #tpu.memory_space<hbm>>
    %dma_wait3A_1299 = arith.constant 0 : i32
    %dma_wait3A_1300 = arith.constant 0 : i32
    %dma_wait3A_1301 = tpu.memref_slice %arg4[%add3A_1196, %dma_wait3A_1299, %dma_wait3A_1294, %dma_wait3A_1300] : memref<1024x20x1x1024xf32, #tpu.memory_space<hbm>> -> memref<1x20x1x1024xf32, #tpu.memory_space<hbm>>
    %dma_wait3A_1302 = tpu.memref_squeeze %dma_wait3A_1301 : memref<1x20x1x1024xf32, #tpu.memory_space<hbm>> -> memref<1x20x1024xf32, #tpu.memory_space<hbm>>
    tpu.wait_dma2 semaphore(%arg18 : memref<!tpu.dma_semaphore, #tpu.memory_space<semaphore_mem>>) src(%arg8 : memref<1x20x1024xf32, #tpu.memory_space<vmem>>) dst(%dma_wait3A_1302 : memref<1x20x1024xf32, #tpu.memory_space<hbm>>)
    %dma_start3A_1303 = arith.constant 31 : i32
    %dma_start3A_1304 = arith.constant 0 : i32
    %dma_start3A_1305 = arith.constant 0 : i32
    %dma_start3A_1306 = arith.constant 0 : i32
    %dma_start3A_1307 = tpu.memref_slice %arg8[%dma_start3A_1304, %dma_start3A_1305, %dma_start3A_1306] : memref<1x20x1024xf32, #tpu.memory_space<vmem>> -> memref<1x20x1024xf32, #tpu.memory_space<vmem>>
    %dma_start3A_1308 = tpu.memref_squeeze %dma_start3A_1307 : memref<1x20x1024xf32, #tpu.memory_space<vmem>> -> memref<20x1024xf32, #tpu.memory_space<vmem>>
    %dma_start3A_1309 = arith.constant 0 : i32
    %dma_start3A_1310 = tpu.memref_slice %arg5[%dma_start3A_1303, %dma_start3A_1309] : memref<32x20xi32, #tpu.memory_space<vmem>> -> memref<1x20xi32, #tpu.memory_space<vmem>>
    %dma_start3A_1311 = tpu.memref_squeeze %dma_start3A_1310 : memref<1x20xi32, #tpu.memory_space<vmem>> -> memref<20xi32, #tpu.memory_space<vmem>>
    %dma_start3A_1312 = arith.constant 0 : i32
    %dma_start3A_1313 = arith.constant 0 : i32
    %dma_start3A_1314 = tpu.memref_slice %arg6[%dma_start3A_1312, %dma_start3A_1313] : memref<256x1024xf32, #tpu.memory_space<vmem_shared>> -> memref<256x1024xf32, #tpu.memory_space<vmem_shared>>
    tpu.enqueue_indirect_dma source(%dma_start3A_1314 : memref<256x1024xf32, #tpu.memory_space<vmem_shared>>) target(%dma_start3A_1308 : memref<20x1024xf32, #tpu.memory_space<vmem>>) offsets(%dma_start3A_1311 : memref<20xi32, #tpu.memory_space<vmem>>) semaphore(%arg13 : memref<!tpu.dma_semaphore, #tpu.memory_space<semaphore_mem>>)
    %dma_wait3A_1315 = arith.constant 29 : i32
    %dma_wait3A_1316 = arith.constant 0 : i32
    %dma_wait3A_1317 = arith.constant 0 : i32
    %dma_wait3A_1318 = arith.constant 0 : i32
    %dma_wait3A_1319 = tpu.memref_slice %arg11[%dma_wait3A_1316, %dma_wait3A_1317, %dma_wait3A_1318] : memref<1x20x1024xf32, #tpu.memory_space<vmem>> -> memref<1x20x1024xf32, #tpu.memory_space<vmem>>
    %dma_wait3A_1320 = tpu.memref_squeeze %dma_wait3A_1319 : memref<1x20x1024xf32, #tpu.memory_space<vmem>> -> memref<20x1024xf32, #tpu.memory_space<vmem>>
    %dma_wait3A_1321 = arith.constant 0 : i32
    %dma_wait3A_1322 = tpu.memref_slice %arg5[%dma_wait3A_1315, %dma_wait3A_1321] : memref<32x20xi32, #tpu.memory_space<vmem>> -> memref<1x20xi32, #tpu.memory_space<vmem>>
    %dma_wait3A_1323 = tpu.memref_squeeze %dma_wait3A_1322 : memref<1x20xi32, #tpu.memory_space<vmem>> -> memref<20xi32, #tpu.memory_space<vmem>>
    %dma_wait3A_1324 = arith.constant 0 : i32
    %dma_wait3A_1325 = arith.constant 0 : i32
    %dma_wait3A_1326 = tpu.memref_slice %arg6[%dma_wait3A_1324, %dma_wait3A_1325] : memref<256x1024xf32, #tpu.memory_space<vmem_shared>> -> memref<256x1024xf32, #tpu.memory_space<vmem_shared>>
    tpu.wait_indirect_dma semaphore(%arg16 : memref<!tpu.dma_semaphore, #tpu.memory_space<semaphore_mem>>) src(%dma_wait3A_1326 : memref<256x1024xf32, #tpu.memory_space<vmem_shared>>) dst(%dma_wait3A_1320 : memref<20x1024xf32, #tpu.memory_space<vmem>>)
    %add3A_1327 = arith.constant 29 : i32
    %add3A_1328 = arith.addi %mul3A_2, %add3A_1327 : i32
    %dma_start3A_1329 = arith.constant 0 : i32
    %dma_start3A_1330 = arith.constant 0 : i32
    %dma_start3A_1331 = arith.constant 0 : i32
    %dma_start3A_1332 = tpu.memref_slice %arg4[%add3A_1328, %dma_start3A_1330, %dma_start3A_1329, %dma_start3A_1331] : memref<1024x20x1x1024xf32, #tpu.memory_space<hbm>> -> memref<1x20x1x1024xf32, #tpu.memory_space<hbm>>
    %dma_start3A_1333 = tpu.memref_squeeze %dma_start3A_1332 : memref<1x20x1x1024xf32, #tpu.memory_space<hbm>> -> memref<1x20x1024xf32, #tpu.memory_space<hbm>>
    %dma_start3A_1334 = arith.constant 0 : i32
    %dma_start3A_1335 = arith.constant 0 : i32
    %dma_start3A_1336 = tpu.memref_slice %arg4[%add3A_1328, %dma_start3A_1334, %dma_start3A_1329, %dma_start3A_1335] : memref<1024x20x1x1024xf32, #tpu.memory_space<hbm>> -> memref<1x20x1x1024xf32, #tpu.memory_space<hbm>>
    %dma_start3A_1337 = tpu.memref_squeeze %dma_start3A_1336 : memref<1x20x1x1024xf32, #tpu.memory_space<hbm>> -> memref<1x20x1024xf32, #tpu.memory_space<hbm>>
    tpu.enqueue_dma source(%arg11 : memref<1x20x1024xf32, #tpu.memory_space<vmem>>) target(%dma_start3A_1337 : memref<1x20x1024xf32, #tpu.memory_space<hbm>>) target_semaphore(%arg21 : memref<!tpu.dma_semaphore, #tpu.memory_space<semaphore_mem>>)
    %dma_wait3A_1338 = arith.constant 30 : i32
    %dma_wait3A_1339 = arith.constant 0 : i32
    %dma_wait3A_1340 = arith.constant 0 : i32
    %dma_wait3A_1341 = arith.constant 0 : i32
    %dma_wait3A_1342 = tpu.memref_slice %arg7[%dma_wait3A_1339, %dma_wait3A_1340, %dma_wait3A_1341] : memref<1x20x1024xf32, #tpu.memory_space<vmem>> -> memref<1x20x1024xf32, #tpu.memory_space<vmem>>
    %dma_wait3A_1343 = tpu.memref_squeeze %dma_wait3A_1342 : memref<1x20x1024xf32, #tpu.memory_space<vmem>> -> memref<20x1024xf32, #tpu.memory_space<vmem>>
    %dma_wait3A_1344 = arith.constant 0 : i32
    %dma_wait3A_1345 = tpu.memref_slice %arg5[%dma_wait3A_1338, %dma_wait3A_1344] : memref<32x20xi32, #tpu.memory_space<vmem>> -> memref<1x20xi32, #tpu.memory_space<vmem>>
    %dma_wait3A_1346 = tpu.memref_squeeze %dma_wait3A_1345 : memref<1x20xi32, #tpu.memory_space<vmem>> -> memref<20xi32, #tpu.memory_space<vmem>>
    %dma_wait3A_1347 = arith.constant 0 : i32
    %dma_wait3A_1348 = arith.constant 0 : i32
    %dma_wait3A_1349 = tpu.memref_slice %arg6[%dma_wait3A_1347, %dma_wait3A_1348] : memref<256x1024xf32, #tpu.memory_space<vmem_shared>> -> memref<256x1024xf32, #tpu.memory_space<vmem_shared>>
    tpu.wait_indirect_dma semaphore(%arg12 : memref<!tpu.dma_semaphore, #tpu.memory_space<semaphore_mem>>) src(%dma_wait3A_1349 : memref<256x1024xf32, #tpu.memory_space<vmem_shared>>) dst(%dma_wait3A_1343 : memref<20x1024xf32, #tpu.memory_space<vmem>>)
    %add3A_1350 = arith.constant 30 : i32
    %add3A_1351 = arith.addi %mul3A_2, %add3A_1350 : i32
    %dma_start3A_1352 = arith.constant 0 : i32
    %dma_start3A_1353 = arith.constant 0 : i32
    %dma_start3A_1354 = arith.constant 0 : i32
    %dma_start3A_1355 = tpu.memref_slice %arg4[%add3A_1351, %dma_start3A_1353, %dma_start3A_1352, %dma_start3A_1354] : memref<1024x20x1x1024xf32, #tpu.memory_space<hbm>> -> memref<1x20x1x1024xf32, #tpu.memory_space<hbm>>
    %dma_start3A_1356 = tpu.memref_squeeze %dma_start3A_1355 : memref<1x20x1x1024xf32, #tpu.memory_space<hbm>> -> memref<1x20x1024xf32, #tpu.memory_space<hbm>>
    %dma_start3A_1357 = arith.constant 0 : i32
    %dma_start3A_1358 = arith.constant 0 : i32
    %dma_start3A_1359 = tpu.memref_slice %arg4[%add3A_1351, %dma_start3A_1357, %dma_start3A_1352, %dma_start3A_1358] : memref<1024x20x1x1024xf32, #tpu.memory_space<hbm>> -> memref<1x20x1x1024xf32, #tpu.memory_space<hbm>>
    %dma_start3A_1360 = tpu.memref_squeeze %dma_start3A_1359 : memref<1x20x1x1024xf32, #tpu.memory_space<hbm>> -> memref<1x20x1024xf32, #tpu.memory_space<hbm>>
    tpu.enqueue_dma source(%arg7 : memref<1x20x1024xf32, #tpu.memory_space<vmem>>) target(%dma_start3A_1360 : memref<1x20x1024xf32, #tpu.memory_space<hbm>>) target_semaphore(%arg17 : memref<!tpu.dma_semaphore, #tpu.memory_space<semaphore_mem>>)
    %dma_wait3A_1361 = arith.constant 31 : i32
    %dma_wait3A_1362 = arith.constant 0 : i32
    %dma_wait3A_1363 = arith.constant 0 : i32
    %dma_wait3A_1364 = arith.constant 0 : i32
    %dma_wait3A_1365 = tpu.memref_slice %arg8[%dma_wait3A_1362, %dma_wait3A_1363, %dma_wait3A_1364] : memref<1x20x1024xf32, #tpu.memory_space<vmem>> -> memref<1x20x1024xf32, #tpu.memory_space<vmem>>
    %dma_wait3A_1366 = tpu.memref_squeeze %dma_wait3A_1365 : memref<1x20x1024xf32, #tpu.memory_space<vmem>> -> memref<20x1024xf32, #tpu.memory_space<vmem>>
    %dma_wait3A_1367 = arith.constant 0 : i32
    %dma_wait3A_1368 = tpu.memref_slice %arg5[%dma_wait3A_1361, %dma_wait3A_1367] : memref<32x20xi32, #tpu.memory_space<vmem>> -> memref<1x20xi32, #tpu.memory_space<vmem>>
    %dma_wait3A_1369 = tpu.memref_squeeze %dma_wait3A_1368 : memref<1x20xi32, #tpu.memory_space<vmem>> -> memref<20xi32, #tpu.memory_space<vmem>>
    %dma_wait3A_1370 = arith.constant 0 : i32
    %dma_wait3A_1371 = arith.constant 0 : i32
    %dma_wait3A_1372 = tpu.memref_slice %arg6[%dma_wait3A_1370, %dma_wait3A_1371] : memref<256x1024xf32, #tpu.memory_space<vmem_shared>> -> memref<256x1024xf32, #tpu.memory_space<vmem_shared>>
    tpu.wait_indirect_dma semaphore(%arg13 : memref<!tpu.dma_semaphore, #tpu.memory_space<semaphore_mem>>) src(%dma_wait3A_1372 : memref<256x1024xf32, #tpu.memory_space<vmem_shared>>) dst(%dma_wait3A_1366 : memref<20x1024xf32, #tpu.memory_space<vmem>>)
    %add3A_1373 = arith.constant 31 : i32
    %add3A_1374 = arith.addi %mul3A_2, %add3A_1373 : i32
    %dma_start3A_1375 = arith.constant 0 : i32
    %dma_start3A_1376 = arith.constant 0 : i32
    %dma_start3A_1377 = arith.constant 0 : i32
    %dma_start3A_1378 = tpu.memref_slice %arg4[%add3A_1374, %dma_start3A_1376, %dma_start3A_1375, %dma_start3A_1377] : memref<1024x20x1x1024xf32, #tpu.memory_space<hbm>> -> memref<1x20x1x1024xf32, #tpu.memory_space<hbm>>
    %dma_start3A_1379 = tpu.memref_squeeze %dma_start3A_1378 : memref<1x20x1x1024xf32, #tpu.memory_space<hbm>> -> memref<1x20x1024xf32, #tpu.memory_space<hbm>>
    %dma_start3A_1380 = arith.constant 0 : i32
    %dma_start3A_1381 = arith.constant 0 : i32
    %dma_start3A_1382 = tpu.memref_slice %arg4[%add3A_1374, %dma_start3A_1380, %dma_start3A_1375, %dma_start3A_1381] : memref<1024x20x1x1024xf32, #tpu.memory_space<hbm>> -> memref<1x20x1x1024xf32, #tpu.memory_space<hbm>>
    %dma_start3A_1383 = tpu.memref_squeeze %dma_start3A_1382 : memref<1x20x1x1024xf32, #tpu.memory_space<hbm>> -> memref<1x20x1024xf32, #tpu.memory_space<hbm>>
    tpu.enqueue_dma source(%arg8 : memref<1x20x1024xf32, #tpu.memory_space<vmem>>) target(%dma_start3A_1383 : memref<1x20x1024xf32, #tpu.memory_space<hbm>>) target_semaphore(%arg18 : memref<!tpu.dma_semaphore, #tpu.memory_space<semaphore_mem>>)
    %dma_wait3A_1384 = arith.constant 0 : i32
    %dma_wait3A_1385 = arith.constant 0 : i32
    %dma_wait3A_1386 = arith.constant 0 : i32
    %dma_wait3A_1387 = tpu.memref_slice %arg4[%add3A_1240, %dma_wait3A_1385, %dma_wait3A_1384, %dma_wait3A_1386] : memref<1024x20x1x1024xf32, #tpu.memory_space<hbm>> -> memref<1x20x1x1024xf32, #tpu.memory_space<hbm>>
    %dma_wait3A_1388 = tpu.memref_squeeze %dma_wait3A_1387 : memref<1x20x1x1024xf32, #tpu.memory_space<hbm>> -> memref<1x20x1024xf32, #tpu.memory_space<hbm>>
    %dma_wait3A_1389 = arith.constant 0 : i32
    %dma_wait3A_1390 = arith.constant 0 : i32
    %dma_wait3A_1391 = tpu.memref_slice %arg4[%add3A_1240, %dma_wait3A_1389, %dma_wait3A_1384, %dma_wait3A_1390] : memref<1024x20x1x1024xf32, #tpu.memory_space<hbm>> -> memref<1x20x1x1024xf32, #tpu.memory_space<hbm>>
    %dma_wait3A_1392 = tpu.memref_squeeze %dma_wait3A_1391 : memref<1x20x1x1024xf32, #tpu.memory_space<hbm>> -> memref<1x20x1024xf32, #tpu.memory_space<hbm>>
    tpu.wait_dma2 semaphore(%arg19 : memref<!tpu.dma_semaphore, #tpu.memory_space<semaphore_mem>>) src(%arg9 : memref<1x20x1024xf32, #tpu.memory_space<vmem>>) dst(%dma_wait3A_1392 : memref<1x20x1024xf32, #tpu.memory_space<hbm>>)
    %dma_wait3A_1393 = arith.constant 0 : i32
    %dma_wait3A_1394 = arith.constant 0 : i32
    %dma_wait3A_1395 = arith.constant 0 : i32
    %dma_wait3A_1396 = tpu.memref_slice %arg4[%add3A_1284, %dma_wait3A_1394, %dma_wait3A_1393, %dma_wait3A_1395] : memref<1024x20x1x1024xf32, #tpu.memory_space<hbm>> -> memref<1x20x1x1024xf32, #tpu.memory_space<hbm>>
    %dma_wait3A_1397 = tpu.memref_squeeze %dma_wait3A_1396 : memref<1x20x1x1024xf32, #tpu.memory_space<hbm>> -> memref<1x20x1024xf32, #tpu.memory_space<hbm>>
    %dma_wait3A_1398 = arith.constant 0 : i32
    %dma_wait3A_1399 = arith.constant 0 : i32
    %dma_wait3A_1400 = tpu.memref_slice %arg4[%add3A_1284, %dma_wait3A_1398, %dma_wait3A_1393, %dma_wait3A_1399] : memref<1024x20x1x1024xf32, #tpu.memory_space<hbm>> -> memref<1x20x1x1024xf32, #tpu.memory_space<hbm>>
    %dma_wait3A_1401 = tpu.memref_squeeze %dma_wait3A_1400 : memref<1x20x1x1024xf32, #tpu.memory_space<hbm>> -> memref<1x20x1024xf32, #tpu.memory_space<hbm>>
    tpu.wait_dma2 semaphore(%arg20 : memref<!tpu.dma_semaphore, #tpu.memory_space<semaphore_mem>>) src(%arg10 : memref<1x20x1024xf32, #tpu.memory_space<vmem>>) dst(%dma_wait3A_1401 : memref<1x20x1024xf32, #tpu.memory_space<hbm>>)
    %dma_wait3A_1402 = arith.constant 0 : i32
    %dma_wait3A_1403 = arith.constant 0 : i32
    %dma_wait3A_1404 = arith.constant 0 : i32
    %dma_wait3A_1405 = tpu.memref_slice %arg4[%add3A_1328, %dma_wait3A_1403, %dma_wait3A_1402, %dma_wait3A_1404] : memref<1024x20x1x1024xf32, #tpu.memory_space<hbm>> -> memref<1x20x1x1024xf32, #tpu.memory_space<hbm>>
    %dma_wait3A_1406 = tpu.memref_squeeze %dma_wait3A_1405 : memref<1x20x1x1024xf32, #tpu.memory_space<hbm>> -> memref<1x20x1024xf32, #tpu.memory_space<hbm>>
    %dma_wait3A_1407 = arith.constant 0 : i32
    %dma_wait3A_1408 = arith.constant 0 : i32
    %dma_wait3A_1409 = tpu.memref_slice %arg4[%add3A_1328, %dma_wait3A_1407, %dma_wait3A_1402, %dma_wait3A_1408] : memref<1024x20x1x1024xf32, #tpu.memory_space<hbm>> -> memref<1x20x1x1024xf32, #tpu.memory_space<hbm>>
    %dma_wait3A_1410 = tpu.memref_squeeze %dma_wait3A_1409 : memref<1x20x1x1024xf32, #tpu.memory_space<hbm>> -> memref<1x20x1024xf32, #tpu.memory_space<hbm>>
    tpu.wait_dma2 semaphore(%arg21 : memref<!tpu.dma_semaphore, #tpu.memory_space<semaphore_mem>>) src(%arg11 : memref<1x20x1024xf32, #tpu.memory_space<vmem>>) dst(%dma_wait3A_1410 : memref<1x20x1024xf32, #tpu.memory_space<hbm>>)
    %dma_wait3A_1411 = arith.constant 0 : i32
    %dma_wait3A_1412 = arith.constant 0 : i32
    %dma_wait3A_1413 = arith.constant 0 : i32
    %dma_wait3A_1414 = tpu.memref_slice %arg4[%add3A_1351, %dma_wait3A_1412, %dma_wait3A_1411, %dma_wait3A_1413] : memref<1024x20x1x1024xf32, #tpu.memory_space<hbm>> -> memref<1x20x1x1024xf32, #tpu.memory_space<hbm>>
    %dma_wait3A_1415 = tpu.memref_squeeze %dma_wait3A_1414 : memref<1x20x1x1024xf32, #tpu.memory_space<hbm>> -> memref<1x20x1024xf32, #tpu.memory_space<hbm>>
    %dma_wait3A_1416 = arith.constant 0 : i32
    %dma_wait3A_1417 = arith.constant 0 : i32
    %dma_wait3A_1418 = tpu.memref_slice %arg4[%add3A_1351, %dma_wait3A_1416, %dma_wait3A_1411, %dma_wait3A_1417] : memref<1024x20x1x1024xf32, #tpu.memory_space<hbm>> -> memref<1x20x1x1024xf32, #tpu.memory_space<hbm>>
    %dma_wait3A_1419 = tpu.memref_squeeze %dma_wait3A_1418 : memref<1x20x1x1024xf32, #tpu.memory_space<hbm>> -> memref<1x20x1024xf32, #tpu.memory_space<hbm>>
    tpu.wait_dma2 semaphore(%arg17 : memref<!tpu.dma_semaphore, #tpu.memory_space<semaphore_mem>>) src(%arg7 : memref<1x20x1024xf32, #tpu.memory_space<vmem>>) dst(%dma_wait3A_1419 : memref<1x20x1024xf32, #tpu.memory_space<hbm>>)
    %dma_wait3A_1420 = arith.constant 0 : i32
    %dma_wait3A_1421 = arith.constant 0 : i32
    %dma_wait3A_1422 = arith.constant 0 : i32
    %dma_wait3A_1423 = tpu.memref_slice %arg4[%add3A_1374, %dma_wait3A_1421, %dma_wait3A_1420, %dma_wait3A_1422] : memref<1024x20x1x1024xf32, #tpu.memory_space<hbm>> -> memref<1x20x1x1024xf32, #tpu.memory_space<hbm>>
    %dma_wait3A_1424 = tpu.memref_squeeze %dma_wait3A_1423 : memref<1x20x1x1024xf32, #tpu.memory_space<hbm>> -> memref<1x20x1024xf32, #tpu.memory_space<hbm>>
    %dma_wait3A_1425 = arith.constant 0 : i32
    %dma_wait3A_1426 = arith.constant 0 : i32
    %dma_wait3A_1427 = tpu.memref_slice %arg4[%add3A_1374, %dma_wait3A_1425, %dma_wait3A_1420, %dma_wait3A_1426] : memref<1024x20x1x1024xf32, #tpu.memory_space<hbm>> -> memref<1x20x1x1024xf32, #tpu.memory_space<hbm>>
    %dma_wait3A_1428 = tpu.memref_squeeze %dma_wait3A_1427 : memref<1x20x1x1024xf32, #tpu.memory_space<hbm>> -> memref<1x20x1024xf32, #tpu.memory_space<hbm>>
    tpu.wait_dma2 semaphore(%arg18 : memref<!tpu.dma_semaphore, #tpu.memory_space<semaphore_mem>>) src(%arg8 : memref<1x20x1024xf32, #tpu.memory_space<vmem>>) dst(%dma_wait3A_1428 : memref<1x20x1024xf32, #tpu.memory_space<hbm>>)
    return
  }
}

</mosaic_0001>

<sc_bundles>
// kernel: kernel.3.cloned.1.call-start
scs
__scs_entry_jumppad:
0x0: {  	(pc) =	sbr.rel $0x88, $3  }
0x1: {  	(tag) =	ssettag $0x0;
	lr =	simm.s32 $0x1  }
0x2: {  	[smem:$0x3F9F] =	sst lr;
	_ =	strace $0xD0000000  }
0x3: {  	_ = 	snop  }
0x4: {  	_ = 	snop  }
0x5: {  	_ = 	snop  }
0x6: {  	_ = 	snop  }
0x7: {  	_ = 	snop  }
__scs_overlays_trampoline_lowered:
0x8: {  	[smem:$0x3FAE] =	sst s0  }
0x9: {  	[smem:$0x3FAF] =	sst s1  }
0xa: {  	[smem:$0x3FB0] =	sst s2  }
0xb: {  	[smem:$0x3FB1] =	sst s3  }
0xc: {  	[smem:$0x3FB2] =	sst s4  }
0xd: {  	[smem:$0x3FB3] =	sst s5  }
0xe: {  	[smem:$0x3FB4] =	sst s6  }
0xf: {  	[smem:$0x3FB5] =	sst s7  }
0x10: {  	[smem:$0x3FB6] =	sst s8  }
0x11: {  	[smem:$0x3FB7] =	sst s9;
	s0 =	simm.s32 @!p0 $0x0  }
0x12: {  	s1 =	sld [smem:$0x3F9D];
	s0 =	simm.s32 @p0 $0x1  }
0x13: {  	[smem:$0x3FB8] =	sst s0;
	s0 =	simm.s32 @!p1 $0x0  }
0x14: {  	s2 =	sld [smem:$0x3F9C];
	s0 =	simm.s32 @p1 $0x1  }
0x15: {  	[smem:$0x3FB9] =	sst s0;
	s0 =	simm.s32 @!p2 $0x0  }
0x16: {  	s3 =	sld [smem:$0x3FDB];
	s0 =	simm.s32 @p2 $0x1  }
0x17: {  	s4 =	simm.s32 $0x1BF5;
	[smem:$0x3FBB] =	sst s0  }
0x18: {  	s0 =	sld [smem:$0x3F9E];
	_ =	swait.ge [sflag:s4], $0x0  }
0x19: {  	s7 =	sld [smem:$0x3F9F]  }
0x1a: {  	s8 =	sadd.s32 $0xFFFFE003, lr  }
0x1b: {  	s9 =	sadd.s32 $0xFFFFFEF7, lr;
	s5 =	simm.s32 $0xFFFFFFFF;
	p2 =	slt.u32 s8, $0xFFFFF086  }
0x1c: {  	p1 =	slt.u32 s9, $0xF7A;
	s5 =	simm.s32 @!p2 $0x0  }
0x1d: {  	s5 =	simm.s32 @p1 $0x1;
	p0 =	seq.s32 s7, s2  }
0x1e: {  	s7 =	smul.u32 @!p0 $0xF7A, s2;
	p2 =	seq.s32 @!p0 s5, $0x0  }
0x1f: {  	s9 =	smul.u32 $0xF7A, s1;
	s8 =	simm.s32 @!p0 $0x1BF5;
	p2 =	por !p2, p0  }
0x20: {  	[sflag:s8] =	ssyncset.s32 @!p0 $0xFFFFF086;
	s6 =	sadd.s32 @!p0 s3, s7;
	s7 =	simm.s32 @!p0 $0x108  }
0x21: {  	s3 =	sadd.s32 s3, s9;
	s6 =	sadd.s32 @!p0 $0x88, s6;
	s7 =	simm.s32 @p2 $0x1082  }
0x22: {  	[simem:s7], [sflag:s8] =	dma.local @!p0 [hbm:s6], $0xF7A  }
0x23: {  	s9 =	sor.u32 $0xD0000000, s2;
	s6 =	simm.s32 $0x108;
	_ =	swait.ge @!p0 [sflag:s8], $0x0  }
0x24: {  	s3 =	sadd.s32 $0x88, s3;
	s6 =	simm.s32 @!p1 $0x1082;
	[sflag:s4] =	ssyncset.s32 $0xFFFFF086  }
0x25: {  	[simem:s6], [sflag:s4] =	dma.local [hbm:s3], $0xF7A  }
0x26: {  	[smem:$0x3F9F] =	sst s1;
	(tag) =	ssettag s2;
	_ =	strace s9  }
0x27: {  	s1 =	sld [smem:$0x3FAF]  }
0x28: {  	s2 =	sld [smem:$0x3FB0]  }
0x29: {  	s4 =	sld [smem:$0x3FB2]  }
0x2a: {  	p0 =	seq.s32 s5, $0x0;
	s5 =	sld [smem:$0x3FB3]  }
0x2b: {  	s6 =	sld [smem:$0x3FB4]  }
0x2c: {  	s7 =	sld [smem:$0x3FB5]  }
0x2d: {  	s3 =	simm.s32 $0x108;
	s8 =	sld [smem:$0x3FB6]  }
0x2e: {  	s3 =	simm.s32 @!p0 $0x1082;
	s9 =	sld [smem:$0x3FB7]  }
0x2f: {  	lr =	sadd.s32 s0, s3;
	s0 =	sld [smem:$0x3FAE]  }
0x30: {  	s3 =	sld [smem:$0x3FB1]  }
0x31: {  	[smem:$0x3FBA] =	sst s10  }
0x32: {  	s10 =	sld [smem:$0x3FB8];
	_ =	sdelay $0x3  }
0x33: {  	p0 =	seq.s32 s10, $0x1;
	s10 =	sld [smem:$0x3FBA];
	_ =	sdelay $0x3  }
0x34: {  	[smem:$0x3FBA] =	sst s10  }
0x35: {  	s10 =	sld [smem:$0x3FB9];
	_ =	sdelay $0x3  }
0x36: {  	p1 =	seq.s32 s10, $0x1;
	s10 =	sld [smem:$0x3FBA];
	_ =	sdelay $0x3  }
0x37: {  	[smem:$0x3FBA] =	sst s10  }
0x38: {  	s10 =	sld [smem:$0x3FBB]  }
0x39: {  	_ = 	snop;
	(pc) =	sbr.ind lr, $3  }
0x3a: {  	_ = 	snop  }
0x3b: {  	_ = 	snop  }
0x3c: {  	p2 =	seq.s32 s10, $0x1;
	s10 =	sld [smem:$0x3FBA]  }
0x3d: {  	_ =	shalt  }
0x3e: {  	_ =	shalt  }
0x3f: {  	_ =	shalt  }
0x40: {  	_ =	shalt  }
0x41: {  	_ =	shalt  }
0x42: {  	_ =	shalt  }
0x43: {  	_ =	shalt  }
0x44: {  	_ =	shalt  }
0x45: {  	_ =	shalt  }
0x46: {  	_ =	shalt  }
0x47: {  	_ =	shalt  }
0x48: {  	_ =	shalt  }
0x49: {  	_ =	shalt  }
0x4a: {  	_ =	shalt  }
0x4b: {  	_ =	shalt  }
0x4c: {  	_ =	shalt  }
0x4d: {  	_ =	shalt  }
0x4e: {  	_ =	shalt  }
0x4f: {  	_ =	shalt  }
0x50: {  	_ =	shalt  }
0x51: {  	_ =	shalt  }
0x52: {  	_ =	shalt  }
0x53: {  	_ =	shalt  }
0x54: {  	_ =	shalt  }
0x55: {  	_ =	shalt  }
0x56: {  	_ =	shalt  }
0x57: {  	_ =	shalt  }
0x58: {  	_ =	shalt  }
0x59: {  	_ =	shalt  }
0x5a: {  	_ =	shalt  }
0x5b: {  	_ =	shalt  }
0x5c: {  	_ =	shalt  }
0x5d: {  	_ =	shalt  }
0x5e: {  	_ =	shalt  }
0x5f: {  	_ =	shalt  }
0x60: {  	_ =	shalt  }
0x61: {  	_ =	shalt  }
0x62: {  	_ =	shalt  }
0x63: {  	_ =	shalt  }
0x64: {  	_ =	shalt  }
0x65: {  	_ =	shalt  }
0x66: {  	_ =	shalt  }
0x67: {  	_ =	shalt  }
0x68: {  	_ =	shalt  }
0x69: {  	_ =	shalt  }
0x6a: {  	_ =	shalt  }
0x6b: {  	_ =	shalt  }
0x6c: {  	_ =	shalt  }
0x6d: {  	_ =	shalt  }
0x6e: {  	_ =	shalt  }
0x6f: {  	_ =	shalt  }
0x70: {  	_ =	shalt  }
0x71: {  	_ =	shalt  }
0x72: {  	_ =	shalt  }
0x73: {  	_ =	shalt  }
0x74: {  	_ =	shalt  }
0x75: {  	_ =	shalt  }
0x76: {  	_ =	shalt  }
0x77: {  	_ =	shalt  }
0x78: {  	_ =	shalt  }
0x79: {  	_ =	shalt  }
0x7a: {  	_ =	shalt  }
0x7b: {  	_ =	shalt  }
0x7c: {  	_ =	shalt  }
0x7d: {  	_ =	shalt  }
0x7e: {  	_ =	shalt  }
0x7f: {  	_ =	shalt  }
0x80: {  	_ =	shalt  }
0x81: {  	_ =	shalt  }
0x82: {  	_ =	shalt  }
0x83: {  	_ =	shalt  }
0x84: {  	_ =	shalt  }
0x85: {  	_ =	shalt  }
0x86: {  	_ =	shalt  }
0x87: {  	_ =	shalt  }
.Lfunc_end0:
.L_simem_size_0:
called_computation_lowered:
.L_overlay_start_0:
0x88: {  	s2 =	sld [smem:$0x3FD9]  }
0x89: {  	s3 =	sld [smem:$0x3FFE];
	_ =	sdelay $0x1  }
0x8a: {  	s1 =	srdreg.scid  }
0x8b: {  	s0 =	sand.u32 $0x1, s1  }
0x8c: {  	s17 =	sshll.u32 s0, $0xA;
	s2 =	sadd.s32 s3, s2  }
0x8d: {  	s2 =	sadd.s32 s2, s17  }
0x8e: {  	[smem:$0x3FC6] =	sst s2  }
0x8f: {  	_ = 	snop  }
0x90: {  	s2 =	sld [smem:$0x3FD0];
	(tm) =	ssettm $0x1  }
0x91: {  	s18 =	sld [smem:$0x3FFB];
	_ =	sdelay $0x3  }
0x92: {  	_ =	strace s18  }
0x93: {  	s3 =	sld [smem:$0x3FFC];
	_ =	sdelay $0x3  }
0x94: {  	_ =	strace s3  }
0x95: {  	s3 =	sld [smem:$0x3FFD];
	_ =	sdelay $0x3  }
0x96: {  	_ =	strace s3  }
0x97: {  	_ =	strace $0x8FFFFFFF  }
0x98: {  	s19 =	sld [smem:$0x3FDB];
	_ =	sdelay $0x1  }
0x99: {  	s4 =	simm.s32 $_scs_section_size  }
0x9a: {  	s5 =	simm.s32 $_size__tile_overlayer_lowered;
	s6 =	simm.s32 $_tile_overlayer_lowered  }
0x9b: {  	s22 =	simm.s32 $0x1BFF;
	s21 =	sshll.u32 s6, $0x1;
	s3 =	sadd.s32 s4, s19  }
0x9c: {  	s7 =	simm.s32 $0x0;
	s20 =	sshll.u32 s5, $0x1;
	s5 =	sadd.s32 s21, s3  }
0x9d: {  	[timem:s7], [sflag:s22] =	dma.local [hbm:s5], s20  }
0x9e: {  	_ =	swait.ge [sflag:s22], s20  }
0x9f: {  	s4 =	ssub.s32 $0x0, s20;
	[sflag:s22] =	ssyncset.done $0x0  }
0xa0: {  	[sflag:s22] =	ssyncadd.s32 s4;
	_ =	sdelay $0x1  }
0xa1: {  	s23 =	simm.s32 $0x1B8B  }
0xa2: {  	_ =	swait.ge [sflag:s23], $0x1  }
0xa3: {  	[sflag:s23] =	ssyncset.done $0x0  }
0xa4: {  	s25 =	simm.s32 $0x1B8E;
	s24 =	sld [smem:$0x3FFE];
	[sflag:s23] =	ssyncadd.s32 $0xFFFFFFFF  }
0xa5: {  	s26 =	simm.s32 $execute0_lowered;
	[smem:$0x3FD2] =	sst s25  }
0xa6: {  	s5 =	sshll.u32 s26, $0x1;
	_ =	strace $0x80000046;
	[dreg:$0x1] =	wrdreg $0xFFFFFFFF  }
0xa7: {  	s28 =	simm.s32 $_size_execute0_lowered;
	s3 =	sadd.s32 s3, s5;
	[dreg:$0x0] =	wrdreg $0x0  }
0xa8: {  	s5 =	sshll.u32 s28, $0x1;
	[dreg:$0x2] =	wrdreg s3  }
0xa9: {  	[dreg:$0x3] =	wrdreg s5  }
0xaa: {  	[dreg:$0x4] =	wrdreg $0xC0  }
0xab: {  	_ =	task [dreg:s7], $0x5FFFF  }
0xac: {  	[dreg:$0x1] =	wrdreg $0xFFFFFFFF  }
0xad: {  	[dreg:$0x0] =	wrdreg $0x60  }
0xae: {  	[dreg:$0x2] =	wrdreg s24  }
0xaf: {  	[dreg:$0x3] =	wrdreg s2  }
0xb0: {  	[dreg:$0x4] =	wrdreg $0x3000  }
0xb1: {  	[dreg:$0x5] =	wrdreg $0x9  }
0xb2: {  	_ =	task.clear_ibuf [dreg:s7], $0x6FFFF;
	_ =	strace $0x90000046  }
0xb3: {  	s29 =	simm.s32 $0x9;
	_ =	strace $0x80000048  }
0xb4: {  	_ =	swait.ge [sflag:s29], $0x1  }
0xb5: {  	[sflag:s29] =	ssyncadd.s32 $0xFFFFFFFF  }
0xb6: {  	_ =	strace $0x90000048  }
0xb7: {  	_ =	sfence  }
0xb8: {  	s30 =	sld [smem:$0x0];
	_ =	sdelay $0x2  }
0xb9: {  	s31 =	sshll.u32 s1, $0xD;
	s1 =	sshrl.u32 s1, $0x2  }
0xba: {  	s3 =	sand.u32 $0x4000, s31;
	s1 =	sadd.s32 s1, s30  }
0xbb: {  	s0 =	sor.u32 s3, s0;
	s1 =	sshll.u32 s1, $0x11  }
0xbc: {  	s0 =	sor.u32 s1, s0  }
0xbd: {  	s0 =	sadd.s32 $0x8F2B, s0  }
0xbe: {  	[sflag:s0] =	ssyncadd.remote.s32 $0x1  }
0xbf: {  	_ =	sfence.sel $0xFFFF  }
0xc0: {  	[dreg:$0x0] =	wrdreg $0xFFFFFFFF;
	(pc) =	sbr.abs _section_cstart, $3  }
0xc1: {  	[dreg:$0x1] =	wrdreg $0xFFFFFFFF  }
0xc2: {  	_ =	task.clear_ibuf [dreg:s7], $0x2FFFF;
	_ =	strace $0x9FFFFFFF  }
0xc3: {  	(tm) =	ssettm $0x7FFFFFFF  }
tec
execute0_lowered:
.L_overlay_start_1:
0x0: {  	(tag) =	ssettag $0x1  }
0x1: {  	s4 =	rddreg [dreg:$0x0]  }
0x2: {  	s5 =	rddreg [dreg:$0x1]  }
0x3: {  	s0 =	srdreg.scid;
	s2 =	rddreg [dreg:$0x2]  }
0x4: {  	s1 =	stileid.u32;
	s3 =	simm.s32 $0x0;
	s0 =	sand.u32 $0x1, s0  }
0x5: {  	s6 =	sshll.u32 s1, $0x6;
	s8 =	sshll.u32 s1, $0xB;
	s7 =	sshll.u32 s0, $0x5  }
0x6: {  	[smem:$0x7FF] =	sst s3;
	s8 =	sadd.s32 s8, s4;
	s7 =	sor.u32 s7, s6  }
0x7: {  	_ =	strace $0x80000047;
	s8 =	sadd.s32 $0x1000, s8;
	s9 =	smul.u32 $0x3, s7  }
0x8: {  	s6 =	sor.u32 $0x1C01, s6;
	s10 =	smul.u32 $0xA00, s7;
	[dreg:$0x4] =	wrdreg s8  }
0x9: {  	[dreg:$0x5] =	wrdreg s6;
	s6 =	simm.s32 $0x108;
	s4 =	sadd.s32 s9, s4  }
0xa: {  	[smem:$0x7ED] =	sst s6;
	s24 =	sadd.s32 $0x400, s4;
	s4 =	sadd.s32 s5, s10  }
0xb: {  	[dreg:$0x6] =	wrdreg s24;
	s25 =	sadd.s32 $0xA00, s4  }
0xc: {  	s26 =	sadd.s32 $0x1400, s4;
	[dreg:$0x7] =	wrdreg s25  }
0xd: {  	s7 =	smul.u32 $0x5000, s7;
	s8 =	sadd.s32 $0x1E00, s4;
	[dreg:$0x8] =	wrdreg s26  }
0xe: {  	s9 =	sadd.s32 $0x2800, s4;
	[dreg:$0x9] =	wrdreg s8  }
0xf: {  	s7 =	sshrl.u32 s7, $0x3;
	s10 =	sadd.s32 $0x3200, s4;
	[dreg:$0xa] =	wrdreg s9  }
0x10: {  	s5 =	sadd.s32 s5, s7;
	s11 =	sadd.s32 $0x3C00, s4;
	[dreg:$0xb] =	wrdreg s10  }
0x11: {  	s12 =	sadd.s32 $0x4600, s5;
	[dreg:$0xc] =	wrdreg s11  }
0x12: {  	s13 =	sadd.s32 $0x5000, s5;
	[dreg:$0xd] =	wrdreg s12  }
0x13: {  	s14 =	sadd.s32 $0x5A00, s5;
	[dreg:$0xe] =	wrdreg s13  }
0x14: {  	s15 =	sadd.s32 $0x6400, s5;
	[dreg:$0xf] =	wrdreg s14  }
0x15: {  	s16 =	sadd.s32 $0x6E00, s5;
	[dreg:$0x10] =	wrdreg s15  }
0x16: {  	s17 =	sadd.s32 $0x7800, s5;
	[dreg:$0x11] =	wrdreg s16  }
0x17: {  	s18 =	sadd.s32 $0x8200, s5;
	[dreg:$0x12] =	wrdreg s17  }
0x18: {  	s19 =	sadd.s32 $0x8C00, s5;
	[dreg:$0x13] =	wrdreg s18  }
0x19: {  	s20 =	sadd.s32 $0x9600, s5;
	[dreg:$0x14] =	wrdreg s19  }
0x1a: {  	s21 =	sadd.s32 $0xA000, s5;
	[dreg:$0x15] =	wrdreg s20  }
0x1b: {  	s22 =	sadd.s32 $0xAA00, s5;
	[dreg:$0x16] =	wrdreg s21  }
0x1c: {  	s23 =	sadd.s32 $0xB400, s5;
	[dreg:$0x17] =	wrdreg s22  }
0x1d: {  	s24 =	sadd.s32 $0xBE00, s5;
	[dreg:$0x18] =	wrdreg s23  }
0x1e: {  	s7 =	sadd.s32 $0xDC00, s5;
	[dreg:$0x19] =	wrdreg s24  }
0x1f: {  	s25 =	sadd.s32 $0xC800, s5;
	[dreg:$0x1c] =	wrdreg s7  }
0x20: {  	s26 =	sadd.s32 $0xD200, s5;
	[dreg:$0x1a] =	wrdreg s25  }
0x21: {  	s8 =	sadd.s32 $0xE600, s5;
	[dreg:$0x1b] =	wrdreg s26  }
0x22: {  	s9 =	sadd.s32 $0xF000, s5;
	[dreg:$0x1d] =	wrdreg s8  }
0x23: {  	s10 =	sadd.s32 $0xFA00, s5;
	[dreg:$0x1e] =	wrdreg s9  }
0x24: {  	s11 =	sadd.s32 $0x10400, s5;
	[dreg:$0x1f] =	wrdreg s10  }
0x25: {  	s12 =	sadd.s32 $0x10E00, s5;
	[smem:$0x7F8] =	sst s11  }
0x26: {  	s13 =	sadd.s32 $0x11800, s5;
	[smem:$0x7F9] =	sst s12  }
0x27: {  	s14 =	sadd.s32 $0x12200, s5;
	[smem:$0x7FA] =	sst s13  }
0x28: {  	s16 =	sadd.s32 $0x12C00, s5;
	[smem:$0x7FB] =	sst s14  }
0x29: {  	s5 =	sadd.s32 $0x13600, s5;
	[smem:$0x7FC] =	sst s16  }
0x2a: {  	s18 =	simm.s32 $0x18;
	[smem:$0x7FD] =	sst s5  }
0x2b: {  	s19 =	simm.s32 $0x30;
	[smem:$0x7E3] =	sst s18  }
0x2c: {  	s20 =	simm.s32 $0x48;
	[smem:$0x7E4] =	sst s19  }
0x2d: {  	s21 =	simm.s32 $0x60;
	[smem:$0x7E5] =	sst s20  }
0x2e: {  	s22 =	simm.s32 $0x78;
	[smem:$0x7E6] =	sst s21  }
0x2f: {  	s23 =	simm.s32 $0x90;
	[smem:$0x7E7] =	sst s22  }
0x30: {  	s24 =	simm.s32 $0xA8;
	[smem:$0x7E8] =	sst s23  }
0x31: {  	s15 =	sshll.u32 s1, $0xE;
	s1 =	simm.s32 $0xF0;
	[smem:$0x7E9] =	sst s24  }
0x32: {  	[smem:$0x7EC] =	sst s1  }
0x33: {  	s25 =	simm.s32 $0xC0;
	s16 =	rddreg [dreg:$0x5]  }
0x34: {  	s26 =	simm.s32 $0xD8;
	[smem:$0x7EA] =	sst s25  }
0x35: {  	s8 =	simm.s32 $0x138;
	[smem:$0x7EB] =	sst s26  }
0x36: {  	s9 =	simm.s32 $0x150;
	[smem:$0x7EF] =	sst s8  }
0x37: {  	s10 =	simm.s32 $0x168;
	[smem:$0x7F0] =	sst s9  }
0x38: {  	s11 =	simm.s32 $0x180;
	[smem:$0x7F1] =	sst s10  }
0x39: {  	s12 =	simm.s32 $0x198;
	[smem:$0x7F2] =	sst s11  }
0x3a: {  	s13 =	simm.s32 $0x1B0;
	[smem:$0x7F3] =	sst s12  }
0x3b: {  	s14 =	simm.s32 $0x1C8;
	[smem:$0x7F4] =	sst s13  }
0x3c: {  	[smem:$0x7F5] =	sst s14  }
0x3d: {  	s7 =	sadd.s32 s15, s2;
	s18 =	simm.s32 $0x1F8;
	s8 =	rddreg [dreg:$0x4]  }
0x3e: {  	s17 =	sshrl.u32 s7, $0x3;
	[smem:$0x7F7] =	sst s18  }
0x3f: {  	[smem:$0x7E2] =	sst s17  }
0x40: {  	s7 =	simm.s32 $0x120;
	s15 =	sld [smem:$0x7E2]  }
0x41: {  	[smem:$0x7EE] =	sst s7;
	s17 =	simm.s32 $0x1E0  }
0x42: {  	[smem:$0x7F6] =	sst s17  }
0x43: {  	[spmem:s15], [sflag:s16] =	dma.local [hbm:s8], $0x800  }
0x44: {  	s5 =	simm.s32 $0x1;
	s6 =	rddreg [dreg:$0x6]  }
0x45: {  	[tilespmem:s3], [sflag:$0x2] =	stream.linear.gather [hbm4b:s6+s3], $0x300, $0x38;
	[tilespmem:$0x1D300] =	vst v63  }
0x46: {  	_ =	swait.ge [sflag:s5], $0x800  }
0x47: {  	[sflag:s5] =	ssyncset.done $0x0  }
0x48: {  	s6 =	simm.s32 $0x2;
	[sflag:s5] =	ssyncadd.s32 $0xFFFFF800  }
0x49: {  	_ =	swait.ge [sflag:s6], $0x300  }
0x4a: {  	[sflag:s6] =	ssyncset.done $0x0  }
0x4b: {  	[sflag:s6] =	ssyncadd.s32 $0xFFFFFD00  }
0x4c: {  	[bflag:$0x0] =	sbarrier.arrive $0xFFFF  }
0x4d: {  	s7 =	simm.s32 $0x14;
	s8 =	simm.s32 $0x4300;
	s19 =	sld [smem:$0x7E3]  }
0x4e: {  	[tilespmem:s8], [sflag:$0x1] =	stream.indirect.gather [spmem:s2], $0x400, s3, s7, $0xb8;
	[tilespmem:$0x1D300] =	vst v63  }
0x4f: {  	s9 =	simm.s32 $0x9300;
	s11 =	sld [smem:$0x7E4]  }
0x50: {  	[tilespmem:s9], [sflag:$0x2] =	stream.indirect.gather [spmem:s2], $0x400, s19, s7, $0xb8;
	[tilespmem:$0x1D300] =	vst v63  }
0x51: {  	s10 =	simm.s32 $0xE300  }
0x52: {  	[tilespmem:s10], [sflag:$0x3] =	stream.indirect.gather [spmem:s2], $0x400, s11, s7, $0xb8;
	[tilespmem:$0x1D300] =	vst v63  }
0x53: {  	_ =	swait.ge [sflag:s5], $0x5000  }
0x54: {  	[sflag:s5] =	ssyncset.done $0x0  }
0x55: {  	s12 =	sld [smem:$0x7E5];
	[sflag:s5] =	ssyncadd.s32 $0xFFFFB000  }
0x56: {  	[hbm4b:s4+s3] =	stream.linear.scatter [tilespmem:s8], [sflag:$0x6], $0x5000, $0x38;
	[tilespmem:$0x1D300] =	vst v63  }
0x57: {  	s11 =	simm.s32 $0x13300  }
0x58: {  	[tilespmem:s11], [sflag:$0x4] =	stream.indirect.gather [spmem:s2], $0x400, s12, s7, $0xb8;
	[tilespmem:$0x1D300] =	vst v63  }
0x59: {  	_ =	swait.ge [sflag:s6], $0x5000  }
0x5a: {  	s20 =	rddreg [dreg:$0x7];
	[sflag:s6] =	ssyncset.done $0x0  }
0x5b: {  	s14 =	sld [smem:$0x7E6];
	[sflag:s6] =	ssyncadd.s32 $0xFFFFB000  }
0x5c: {  	[hbm4b:s20+s3] =	stream.linear.scatter [tilespmem:s9], [sflag:$0x7], $0x5000, $0x38;
	[tilespmem:$0x1D300] =	vst v63  }
0x5d: {  	s13 =	simm.s32 $0x3;
	s12 =	simm.s32 $0x18300  }
0x5e: {  	[tilespmem:s12], [sflag:$0x5] =	stream.indirect.gather [spmem:s2], $0x400, s14, s7, $0xb8;
	[tilespmem:$0x1D300] =	vst v63  }
0x5f: {  	_ =	swait.ge [sflag:s13], $0x5000  }
0x60: {  	[sflag:s13] =	ssyncset.done $0x0  }
0x61: {  	s14 =	simm.s32 $0x6;
	s15 =	rddreg [dreg:$0x8];
	[sflag:s13] =	ssyncadd.s32 $0xFFFFB000  }
0x62: {  	[hbm4b:s15+s3] =	stream.linear.scatter [tilespmem:s10], [sflag:$0x8], $0x5000, $0x38;
	[tilespmem:$0x1D300] =	vst v63  }
0x63: {  	_ =	swait.ge [sflag:s14], $0x5000  }
0x64: {  	s16 =	sld [smem:$0x7E7]  }
0x65: {  	[sflag:s14] =	ssyncset.done $0x0  }
0x66: {  	s15 =	simm.s32 $0x4;
	[sflag:s14] =	ssyncadd.s32 $0xFFFFB000  }
0x67: {  	[tilespmem:s8], [sflag:$0x1] =	stream.indirect.gather [spmem:s2], $0x400, s16, s7, $0xb8;
	[tilespmem:$0x1D300] =	vst v63  }
0x68: {  	_ =	swait.ge [sflag:s15], $0x5000  }
0x69: {  	[sflag:s15] =	ssyncset.done $0x0  }
0x6a: {  	s16 =	simm.s32 $0x7;
	s17 =	rddreg [dreg:$0x9];
	[sflag:s15] =	ssyncadd.s32 $0xFFFFB000  }
0x6b: {  	[hbm4b:s17+s3] =	stream.linear.scatter [tilespmem:s11], [sflag:$0x9], $0x5000, $0x38;
	[tilespmem:$0x1D300] =	vst v63  }
0x6c: {  	_ =	swait.ge [sflag:s16], $0x5000  }
0x6d: {  	s18 =	sld [smem:$0x7E8]  }
0x6e: {  	[sflag:s16] =	ssyncset.done $0x0  }
0x6f: {  	s17 =	simm.s32 $0x5;
	[sflag:s16] =	ssyncadd.s32 $0xFFFFB000  }
0x70: {  	[tilespmem:s9], [sflag:$0x2] =	stream.indirect.gather [spmem:s2], $0x400, s18, s7, $0xb8;
	[tilespmem:$0x1D300] =	vst v63  }
0x71: {  	_ =	swait.ge [sflag:s17], $0x5000  }
0x72: {  	[sflag:s17] =	ssyncset.done $0x0  }
0x73: {  	s18 =	simm.s32 $0x8;
	s19 =	rddreg [dreg:$0xa];
	[sflag:s17] =	ssyncadd.s32 $0xFFFFB000  }
0x74: {  	[hbm4b:s19+s3] =	stream.linear.scatter [tilespmem:s12], [sflag:$0xA], $0x5000, $0x38;
	[tilespmem:$0x1D300] =	vst v63  }
0x75: {  	_ =	swait.ge [sflag:s18], $0x5000  }
0x76: {  	s21 =	sld [smem:$0x7E9]  }
0x77: {  	[sflag:s18] =	ssyncset.done $0x0  }
0x78: {  	[sflag:s18] =	ssyncadd.s32 $0xFFFFB000  }
0x79: {  	[tilespmem:s10], [sflag:$0x3] =	stream.indirect.gather [spmem:s2], $0x400, s21, s7, $0xb8;
	[tilespmem:$0x1D300] =	vst v63  }
0x7a: {  	_ =	swait.ge [sflag:s5], $0x5000  }
0x7b: {  	[sflag:s5] =	ssyncset.done $0x0  }
0x7c: {  	s19 =	simm.s32 $0x9;
	s20 =	rddreg [dreg:$0xb];
	[sflag:s5] =	ssyncadd.s32 $0xFFFFB000  }
0x7d: {  	[hbm4b:s20+s3] =	stream.linear.scatter [tilespmem:s8], [sflag:$0x6], $0x5000, $0x38;
	[tilespmem:$0x1D300] =	vst v63  }
0x7e: {  	_ =	swait.ge [sflag:s19], $0x5000  }
0x7f: {  	s22 =	sld [smem:$0x7EA]  }
0x80: {  	[sflag:s19] =	ssyncset.done $0x0  }
0x81: {  	[sflag:s19] =	ssyncadd.s32 $0xFFFFB000  }
0x82: {  	[tilespmem:s11], [sflag:$0x4] =	stream.indirect.gather [spmem:s2], $0x400, s22, s7, $0xb8;
	[tilespmem:$0x1D300] =	vst v63  }
0x83: {  	_ =	swait.ge [sflag:s6], $0x5000  }
0x84: {  	[sflag:s6] =	ssyncset.done $0x0  }
0x85: {  	s20 =	simm.s32 $0xA;
	s21 =	rddreg [dreg:$0xc];
	[sflag:s6] =	ssyncadd.s32 $0xFFFFB000  }
0x86: {  	[hbm4b:s21+s3] =	stream.linear.scatter [tilespmem:s9], [sflag:$0x7], $0x5000, $0x38;
	[tilespmem:$0x1D300] =	vst v63  }
0x87: {  	_ =	swait.ge [sflag:s20], $0x5000  }
0x88: {  	s23 =	sld [smem:$0x7EB]  }
0x89: {  	[sflag:s20] =	ssyncset.done $0x0  }
0x8a: {  	[sflag:s20] =	ssyncadd.s32 $0xFFFFB000  }
0x8b: {  	[tilespmem:s12], [sflag:$0x5] =	stream.indirect.gather [spmem:s2], $0x400, s23, s7, $0xb8;
	[tilespmem:$0x1D300] =	vst v63  }
0x8c: {  	_ =	swait.ge [sflag:s13], $0x5000  }
0x8d: {  	[sflag:s13] =	ssyncset.done $0x0  }
0x8e: {  	s24 =	rddreg [dreg:$0xd];
	[sflag:s13] =	ssyncadd.s32 $0xFFFFB000  }
0x8f: {  	[hbm4b:s24+s3] =	stream.linear.scatter [tilespmem:s10], [sflag:$0x8], $0x5000, $0x38;
	[tilespmem:$0x1D300] =	vst v63  }
0x90: {  	_ =	swait.ge [sflag:s14], $0x5000  }
0x91: {  	s25 =	sld [smem:$0x7EC]  }
0x92: {  	[sflag:s14] =	ssyncset.done $0x0  }
0x93: {  	[sflag:s14] =	ssyncadd.s32 $0xFFFFB000  }
0x94: {  	[tilespmem:s8], [sflag:$0x1] =	stream.indirect.gather [spmem:s2], $0x400, s25, s7, $0xb8;
	[tilespmem:$0x1D300] =	vst v63  }
0x95: {  	_ =	swait.ge [sflag:s15], $0x5000  }
0x96: {  	[sflag:s15] =	ssyncset.done $0x0  }
0x97: {  	s26 =	rddreg [dreg:$0xe];
	[sflag:s15] =	ssyncadd.s32 $0xFFFFB000  }
0x98: {  	[hbm4b:s26+s3] =	stream.linear.scatter [tilespmem:s11], [sflag:$0x9], $0x5000, $0x38;
	[tilespmem:$0x1D300] =	vst v63  }
0x99: {  	_ =	swait.ge [sflag:s16], $0x5000  }
0x9a: {  	s1 =	sld [smem:$0x7ED]  }
0x9b: {  	[sflag:s16] =	ssyncset.done $0x0  }
0x9c: {  	[sflag:s16] =	ssyncadd.s32 $0xFFFFB000  }
0x9d: {  	[tilespmem:s9], [sflag:$0x2] =	stream.indirect.gather [spmem:s2], $0x400, s1, s7, $0xb8;
	[tilespmem:$0x1D300] =	vst v63  }
0x9e: {  	_ =	swait.ge [sflag:s17], $0x5000  }
0x9f: {  	[sflag:s17] =	ssyncset.done $0x0  }
0xa0: {  	s22 =	rddreg [dreg:$0xf];
	[sflag:s17] =	ssyncadd.s32 $0xFFFFB000  }
0xa1: {  	[hbm4b:s22+s3] =	stream.linear.scatter [tilespmem:s12], [sflag:$0xA], $0x5000, $0x38;
	[tilespmem:$0x1D300] =	vst v63  }
0xa2: {  	_ =	swait.ge [sflag:s18], $0x5000  }
0xa3: {  	s23 =	sld [smem:$0x7EE]  }
0xa4: {  	[sflag:s18] =	ssyncset.done $0x0  }
0xa5: {  	[sflag:s18] =	ssyncadd.s32 $0xFFFFB000  }
0xa6: {  	[tilespmem:s10], [sflag:$0x3] =	stream.indirect.gather [spmem:s2], $0x400, s23, s7, $0xb8;
	[tilespmem:$0x1D300] =	vst v63  }
0xa7: {  	_ =	swait.ge [sflag:s5], $0x5000  }
0xa8: {  	[sflag:s5] =	ssyncset.done $0x0  }
0xa9: {  	s24 =	rddreg [dreg:$0x10];
	[sflag:s5] =	ssyncadd.s32 $0xFFFFB000  }
0xaa: {  	[hbm4b:s24+s3] =	stream.linear.scatter [tilespmem:s8], [sflag:$0x6], $0x5000, $0x38;
	[tilespmem:$0x1D300] =	vst v63  }
0xab: {  	_ =	swait.ge [sflag:s19], $0x5000  }
0xac: {  	s25 =	sld [smem:$0x7EF]  }
0xad: {  	[sflag:s19] =	ssyncset.done $0x0  }
0xae: {  	[sflag:s19] =	ssyncadd.s32 $0xFFFFB000  }
0xaf: {  	[tilespmem:s11], [sflag:$0x4] =	stream.indirect.gather [spmem:s2], $0x400, s25, s7, $0xb8;
	[tilespmem:$0x1D300] =	vst v63  }
0xb0: {  	_ =	swait.ge [sflag:s6], $0x5000  }
0xb1: {  	[sflag:s6] =	ssyncset.done $0x0  }
0xb2: {  	s26 =	rddreg [dreg:$0x11];
	[sflag:s6] =	ssyncadd.s32 $0xFFFFB000  }
0xb3: {  	[hbm4b:s26+s3] =	stream.linear.scatter [tilespmem:s9], [sflag:$0x7], $0x5000, $0x38;
	[tilespmem:$0x1D300] =	vst v63  }
0xb4: {  	_ =	swait.ge [sflag:s20], $0x5000  }
0xb5: {  	s1 =	sld [smem:$0x7F0]  }
0xb6: {  	[sflag:s20] =	ssyncset.done $0x0  }
0xb7: {  	[sflag:s20] =	ssyncadd.s32 $0xFFFFB000  }
0xb8: {  	[tilespmem:s12], [sflag:$0x5] =	stream.indirect.gather [spmem:s2], $0x400, s1, s7, $0xb8;
	[tilespmem:$0x1D300] =	vst v63  }
0xb9: {  	_ =	swait.ge [sflag:s13], $0x5000  }
0xba: {  	[sflag:s13] =	ssyncset.done $0x0  }
0xbb: {  	s22 =	rddreg [dreg:$0x12];
	[sflag:s13] =	ssyncadd.s32 $0xFFFFB000  }
0xbc: {  	[hbm4b:s22+s3] =	stream.linear.scatter [tilespmem:s10], [sflag:$0x8], $0x5000, $0x38;
	[tilespmem:$0x1D300] =	vst v63  }
0xbd: {  	_ =	swait.ge [sflag:s14], $0x5000  }
0xbe: {  	s23 =	sld [smem:$0x7F1]  }
0xbf: {  	[sflag:s14] =	ssyncset.done $0x0  }
0xc0: {  	[sflag:s14] =	ssyncadd.s32 $0xFFFFB000  }
0xc1: {  	[tilespmem:s8], [sflag:$0x1] =	stream.indirect.gather [spmem:s2], $0x400, s23, s7, $0xb8;
	[tilespmem:$0x1D300] =	vst v63  }
0xc2: {  	_ =	swait.ge [sflag:s15], $0x5000  }
0xc3: {  	[sflag:s15] =	ssyncset.done $0x0  }
0xc4: {  	s24 =	rddreg [dreg:$0x13];
	[sflag:s15] =	ssyncadd.s32 $0xFFFFB000  }
0xc5: {  	[hbm4b:s24+s3] =	stream.linear.scatter [tilespmem:s11], [sflag:$0x9], $0x5000, $0x38;
	[tilespmem:$0x1D300] =	vst v63  }
0xc6: {  	_ =	swait.ge [sflag:s16], $0x5000  }
0xc7: {  	s25 =	sld [smem:$0x7F2]  }
0xc8: {  	[sflag:s16] =	ssyncset.done $0x0  }
0xc9: {  	[sflag:s16] =	ssyncadd.s32 $0xFFFFB000  }
0xca: {  	[tilespmem:s9], [sflag:$0x2] =	stream.indirect.gather [spmem:s2], $0x400, s25, s7, $0xb8;
	[tilespmem:$0x1D300] =	vst v63  }
0xcb: {  	_ =	swait.ge [sflag:s17], $0x5000  }
0xcc: {  	[sflag:s17] =	ssyncset.done $0x0  }
0xcd: {  	s26 =	rddreg [dreg:$0x14];
	[sflag:s17] =	ssyncadd.s32 $0xFFFFB000  }
0xce: {  	[hbm4b:s26+s3] =	stream.linear.scatter [tilespmem:s12], [sflag:$0xA], $0x5000, $0x38;
	[tilespmem:$0x1D300] =	vst v63  }
0xcf: {  	_ =	swait.ge [sflag:s18], $0x5000  }
0xd0: {  	s1 =	sld [smem:$0x7F3]  }
0xd1: {  	[sflag:s18] =	ssyncset.done $0x0  }
0xd2: {  	[sflag:s18] =	ssyncadd.s32 $0xFFFFB000  }
0xd3: {  	[tilespmem:s10], [sflag:$0x3] =	stream.indirect.gather [spmem:s2], $0x400, s1, s7, $0xb8;
	[tilespmem:$0x1D300] =	vst v63  }
0xd4: {  	_ =	swait.ge [sflag:s5], $0x5000  }
0xd5: {  	[sflag:s5] =	ssyncset.done $0x0  }
0xd6: {  	s22 =	rddreg [dreg:$0x15];
	[sflag:s5] =	ssyncadd.s32 $0xFFFFB000  }
0xd7: {  	[hbm4b:s22+s3] =	stream.linear.scatter [tilespmem:s8], [sflag:$0x6], $0x5000, $0x38;
	[tilespmem:$0x1D300] =	vst v63  }
0xd8: {  	_ =	swait.ge [sflag:s19], $0x5000  }
0xd9: {  	s23 =	sld [smem:$0x7F4]  }
0xda: {  	[sflag:s19] =	ssyncset.done $0x0  }
0xdb: {  	[sflag:s19] =	ssyncadd.s32 $0xFFFFB000  }
0xdc: {  	[tilespmem:s11], [sflag:$0x4] =	stream.indirect.gather [spmem:s2], $0x400, s23, s7, $0xb8;
	[tilespmem:$0x1D300] =	vst v63  }
0xdd: {  	_ =	swait.ge [sflag:s6], $0x5000  }
0xde: {  	[sflag:s6] =	ssyncset.done $0x0  }
0xdf: {  	s24 =	rddreg [dreg:$0x16];
	[sflag:s6] =	ssyncadd.s32 $0xFFFFB000  }
0xe0: {  	[hbm4b:s24+s3] =	stream.linear.scatter [tilespmem:s9], [sflag:$0x7], $0x5000, $0x38;
	[tilespmem:$0x1D300] =	vst v63  }
0xe1: {  	_ =	swait.ge [sflag:s20], $0x5000  }
0xe2: {  	s25 =	sld [smem:$0x7F5]  }
0xe3: {  	[sflag:s20] =	ssyncset.done $0x0  }
0xe4: {  	[sflag:s20] =	ssyncadd.s32 $0xFFFFB000  }
0xe5: {  	[tilespmem:s12], [sflag:$0x5] =	stream.indirect.gather [spmem:s2], $0x400, s25, s7, $0xb8;
	[tilespmem:$0x1D300] =	vst v63  }
0xe6: {  	_ =	swait.ge [sflag:s13], $0x5000  }
0xe7: {  	[sflag:s13] =	ssyncset.done $0x0  }
0xe8: {  	s26 =	rddreg [dreg:$0x17];
	[sflag:s13] =	ssyncadd.s32 $0xFFFFB000  }
0xe9: {  	[hbm4b:s26+s3] =	stream.linear.scatter [tilespmem:s10], [sflag:$0x8], $0x5000, $0x38;
	[tilespmem:$0x1D300] =	vst v63  }
0xea: {  	_ =	swait.ge [sflag:s14], $0x5000  }
0xeb: {  	s1 =	sld [smem:$0x7F6]  }
0xec: {  	[sflag:s14] =	ssyncset.done $0x0  }
0xed: {  	[sflag:s14] =	ssyncadd.s32 $0xFFFFB000  }
0xee: {  	[tilespmem:s8], [sflag:$0x1] =	stream.indirect.gather [spmem:s2], $0x400, s1, s7, $0xb8;
	[tilespmem:$0x1D300] =	vst v63  }
0xef: {  	_ =	swait.ge [sflag:s15], $0x5000  }
0xf0: {  	[sflag:s15] =	ssyncset.done $0x0  }
0xf1: {  	s22 =	rddreg [dreg:$0x18];
	[sflag:s15] =	ssyncadd.s32 $0xFFFFB000  }
0xf2: {  	[hbm4b:s22+s3] =	stream.linear.scatter [tilespmem:s11], [sflag:$0x9], $0x5000, $0x38;
	[tilespmem:$0x1D300] =	vst v63  }
0xf3: {  	_ =	swait.ge [sflag:s16], $0x5000  }
0xf4: {  	s23 =	sld [smem:$0x7F7]  }
0xf5: {  	[sflag:s16] =	ssyncset.done $0x0  }
0xf6: {  	[sflag:s16] =	ssyncadd.s32 $0xFFFFB000  }
0xf7: {  	[tilespmem:s9], [sflag:$0x2] =	stream.indirect.gather [spmem:s2], $0x400, s23, s7, $0xb8;
	[tilespmem:$0x1D300] =	vst v63  }
0xf8: {  	_ =	swait.ge [sflag:s17], $0x5000  }
0xf9: {  	[sflag:s17] =	ssyncset.done $0x0  }
0xfa: {  	s24 =	rddreg [dreg:$0x19];
	[sflag:s17] =	ssyncadd.s32 $0xFFFFB000  }
0xfb: {  	[hbm4b:s24+s3] =	stream.linear.scatter [tilespmem:s12], [sflag:$0xA], $0x5000, $0x38;
	[tilespmem:$0x1D300] =	vst v63  }
0xfc: {  	_ =	swait.ge [sflag:s18], $0x5000  }
0xfd: {  	[sflag:s18] =	ssyncset.done $0x0  }
0xfe: {  	s25 =	simm.s32 $0x210;
	[sflag:s18] =	ssyncadd.s32 $0xFFFFB000  }
0xff: {  	[tilespmem:s10], [sflag:$0x3] =	stream.indirect.gather [spmem:s2], $0x400, s25, s7, $0xb8;
	[tilespmem:$0x1D300] =	vst v63  }
0x100: {  	_ =	swait.ge [sflag:s5], $0x5000  }
0x101: {  	[sflag:s5] =	ssyncset.done $0x0  }
0x102: {  	s22 =	rddreg [dreg:$0x1a];
	[sflag:s5] =	ssyncadd.s32 $0xFFFFB000  }
0x103: {  	[hbm4b:s22+s3] =	stream.linear.scatter [tilespmem:s8], [sflag:$0x6], $0x5000, $0x38;
	[tilespmem:$0x1D300] =	vst v63  }
0x104: {  	_ =	swait.ge [sflag:s19], $0x5000  }
0x105: {  	[sflag:s19] =	ssyncset.done $0x0  }
0x106: {  	s26 =	simm.s32 $0x228;
	[sflag:s19] =	ssyncadd.s32 $0xFFFFB000  }
0x107: {  	[tilespmem:s11], [sflag:$0x4] =	stream.indirect.gather [spmem:s2], $0x400, s26, s7, $0xb8;
	[tilespmem:$0x1D300] =	vst v63  }
0x108: {  	_ =	swait.ge [sflag:s6], $0x5000  }
0x109: {  	[sflag:s6] =	ssyncset.done $0x0  }
0x10a: {  	s23 =	rddreg [dreg:$0x1b];
	[sflag:s6] =	ssyncadd.s32 $0xFFFFB000  }
0x10b: {  	[hbm4b:s23+s3] =	stream.linear.scatter [tilespmem:s9], [sflag:$0x7], $0x5000, $0x38;
	[tilespmem:$0x1D300] =	vst v63  }
0x10c: {  	_ =	swait.ge [sflag:s20], $0x5000  }
0x10d: {  	[sflag:s20] =	ssyncset.done $0x0  }
0x10e: {  	s23 =	simm.s32 $0x240;
	[sflag:s20] =	ssyncadd.s32 $0xFFFFB000  }
0x10f: {  	[tilespmem:s12], [sflag:$0x5] =	stream.indirect.gather [spmem:s2], $0x400, s23, s7, $0xb8;
	[tilespmem:$0x1D300] =	vst v63  }
0x110: {  	_ =	swait.ge [sflag:s13], $0x5000  }
0x111: {  	[sflag:s13] =	ssyncset.done $0x0  }
0x112: {  	s24 =	rddreg [dreg:$0x1c];
	[sflag:s13] =	ssyncadd.s32 $0xFFFFB000  }
0x113: {  	[hbm4b:s24+s3] =	stream.linear.scatter [tilespmem:s10], [sflag:$0x8], $0x5000, $0x38;
	[tilespmem:$0x1D300] =	vst v63  }
0x114: {  	_ =	swait.ge [sflag:s14], $0x5000  }
0x115: {  	[sflag:s14] =	ssyncset.done $0x0  }
0x116: {  	s24 =	simm.s32 $0x258;
	[sflag:s14] =	ssyncadd.s32 $0xFFFFB000  }
0x117: {  	[tilespmem:s8], [sflag:$0x1] =	stream.indirect.gather [spmem:s2], $0x400, s24, s7, $0xb8;
	[tilespmem:$0x1D300] =	vst v63  }
0x118: {  	_ =	swait.ge [sflag:s15], $0x5000  }
0x119: {  	[sflag:s15] =	ssyncset.done $0x0  }
0x11a: {  	s25 =	rddreg [dreg:$0x1d];
	[sflag:s15] =	ssyncadd.s32 $0xFFFFB000  }
0x11b: {  	[hbm4b:s25+s3] =	stream.linear.scatter [tilespmem:s11], [sflag:$0x9], $0x5000, $0x38;
	[tilespmem:$0x1D300] =	vst v63  }
0x11c: {  	_ =	swait.ge [sflag:s16], $0x5000  }
0x11d: {  	[sflag:s16] =	ssyncset.done $0x0  }
0x11e: {  	s25 =	simm.s32 $0x270;
	[sflag:s16] =	ssyncadd.s32 $0xFFFFB000  }
0x11f: {  	[tilespmem:s9], [sflag:$0x2] =	stream.indirect.gather [spmem:s2], $0x400, s25, s7, $0xb8;
	[tilespmem:$0x1D300] =	vst v63  }
0x120: {  	_ =	swait.ge [sflag:s17], $0x5000  }
0x121: {  	[sflag:s17] =	ssyncset.done $0x0  }
0x122: {  	s26 =	rddreg [dreg:$0x1e];
	[sflag:s17] =	ssyncadd.s32 $0xFFFFB000  }
0x123: {  	[hbm4b:s26+s3] =	stream.linear.scatter [tilespmem:s12], [sflag:$0xA], $0x5000, $0x38;
	[tilespmem:$0x1D300] =	vst v63  }
0x124: {  	_ =	swait.ge [sflag:s18], $0x5000  }
0x125: {  	[sflag:s18] =	ssyncset.done $0x0  }
0x126: {  	s26 =	simm.s32 $0x288;
	[sflag:s18] =	ssyncadd.s32 $0xFFFFB000  }
0x127: {  	[tilespmem:s10], [sflag:$0x3] =	stream.indirect.gather [spmem:s2], $0x400, s26, s7, $0xb8;
	[tilespmem:$0x1D300] =	vst v63  }
0x128: {  	_ =	swait.ge [sflag:s5], $0x5000  }
0x129: {  	[sflag:s5] =	ssyncset.done $0x0  }
0x12a: {  	s28 =	rddreg [dreg:$0x1f];
	[sflag:s5] =	ssyncadd.s32 $0xFFFFB000  }
0x12b: {  	[hbm4b:s28+s3] =	stream.linear.scatter [tilespmem:s8], [sflag:$0x6], $0x5000, $0x38;
	[tilespmem:$0x1D300] =	vst v63  }
0x12c: {  	_ =	swait.ge [sflag:s19], $0x5000  }
0x12d: {  	[sflag:s19] =	ssyncset.done $0x0  }
0x12e: {  	s28 =	simm.s32 $0x2A0;
	[sflag:s19] =	ssyncadd.s32 $0xFFFFB000  }
0x12f: {  	[tilespmem:s11], [sflag:$0x4] =	stream.indirect.gather [spmem:s2], $0x400, s28, s7, $0xb8;
	[tilespmem:$0x1D300] =	vst v63  }
0x130: {  	_ =	swait.ge [sflag:s6], $0x5000  }
0x131: {  	s29 =	sld [smem:$0x7F8]  }
0x132: {  	[sflag:s6] =	ssyncset.done $0x0  }
0x133: {  	[sflag:s6] =	ssyncadd.s32 $0xFFFFB000  }
0x134: {  	[hbm4b:s29+s3] =	stream.linear.scatter [tilespmem:s9], [sflag:$0x7], $0x5000, $0x38;
	[tilespmem:$0x1D300] =	vst v63  }
0x135: {  	_ =	swait.ge [sflag:s20], $0x5000  }
0x136: {  	[sflag:s20] =	ssyncset.done $0x0  }
0x137: {  	s29 =	simm.s32 $0x2B8;
	[sflag:s20] =	ssyncadd.s32 $0xFFFFB000  }
0x138: {  	[tilespmem:s12], [sflag:$0x5] =	stream.indirect.gather [spmem:s2], $0x400, s29, s7, $0xb8;
	[tilespmem:$0x1D300] =	vst v63  }
0x139: {  	_ =	swait.ge [sflag:s13], $0x5000  }
0x13a: {  	s30 =	sld [smem:$0x7F9]  }
0x13b: {  	[sflag:s13] =	ssyncset.done $0x0  }
0x13c: {  	[sflag:s13] =	ssyncadd.s32 $0xFFFFB000  }
0x13d: {  	[hbm4b:s30+s3] =	stream.linear.scatter [tilespmem:s10], [sflag:$0x8], $0x5000, $0x38;
	[tilespmem:$0x1D300] =	vst v63  }
0x13e: {  	_ =	swait.ge [sflag:s14], $0x5000  }
0x13f: {  	[sflag:s14] =	ssyncset.done $0x0  }
0x140: {  	s30 =	simm.s32 $0x2D0;
	[sflag:s14] =	ssyncadd.s32 $0xFFFFB000  }
0x141: {  	[tilespmem:s8], [sflag:$0x1] =	stream.indirect.gather [spmem:s2], $0x400, s30, s7, $0xb8;
	[tilespmem:$0x1D300] =	vst v63  }
0x142: {  	_ =	swait.ge [sflag:s15], $0x5000  }
0x143: {  	s31 =	sld [smem:$0x7FA]  }
0x144: {  	[sflag:s15] =	ssyncset.done $0x0  }
0x145: {  	[sflag:s15] =	ssyncadd.s32 $0xFFFFB000  }
0x146: {  	[hbm4b:s31+s3] =	stream.linear.scatter [tilespmem:s11], [sflag:$0x9], $0x5000, $0x38;
	[tilespmem:$0x1D300] =	vst v63  }
0x147: {  	_ =	swait.ge [sflag:s16], $0x5000  }
0x148: {  	[sflag:s16] =	ssyncset.done $0x0  }
0x149: {  	s31 =	simm.s32 $0x2E8;
	[sflag:s16] =	ssyncadd.s32 $0xFFFFB000  }
0x14a: {  	[tilespmem:s9], [sflag:$0x2] =	stream.indirect.gather [spmem:s2], $0x400, s31, s7, $0xb8;
	[tilespmem:$0x1D300] =	vst v63  }
0x14b: {  	_ =	swait.ge [sflag:s17], $0x5000  }
0x14c: {  	s21 =	sld [smem:$0x7FB]  }
0x14d: {  	[sflag:s17] =	ssyncset.done $0x0  }
0x14e: {  	[sflag:s17] =	ssyncadd.s32 $0xFFFFB000  }
0x14f: {  	[hbm4b:s21+s3] =	stream.linear.scatter [tilespmem:s12], [sflag:$0xA], $0x5000, $0x38;
	[tilespmem:$0x1D300] =	vst v63  }
0x150: {  	_ =	swait.ge [sflag:s5], $0x5000  }
0x151: {  	s22 =	sld [smem:$0x7FC]  }
0x152: {  	[sflag:s5] =	ssyncset.done $0x0  }
0x153: {  	[sflag:s5] =	ssyncadd.s32 $0xFFFFB000  }
0x154: {  	[hbm4b:s22+s3] =	stream.linear.scatter [tilespmem:s8], [sflag:$0x6], $0x5000, $0x38;
	[tilespmem:$0x1D300] =	vst v63  }
0x155: {  	_ =	swait.ge [sflag:s6], $0x5000  }
0x156: {  	s21 =	sld [smem:$0x7FD]  }
0x157: {  	[sflag:s6] =	ssyncset.done $0x0  }
0x158: {  	[sflag:s6] =	ssyncadd.s32 $0xFFFFB000  }
0x159: {  	[hbm4b:s21+s3] =	stream.linear.scatter [tilespmem:s9], [sflag:$0x7], $0x5000, $0x38;
	[tilespmem:$0x1D300] =	vst v63  }
0x15a: {  	_ =	swait.ge [sflag:s18], $0x5000  }
0x15b: {  	[sflag:s18] =	ssyncset.done $0x0  }
0x15c: {  	s0 =	ssub.s32 $0x2, s0;
	[sflag:s18] =	ssyncadd.s32 $0xFFFFB000  }
0x15d: {  	s22 =	sshrl.u32 s0, $0x1;
	_ =	swait.ge [sflag:s19], $0x5000  }
0x15e: {  	s0 =	ssub.s32 s0, s22;
	[sflag:s19] =	ssyncset.done $0x0  }
0x15f: {  	s0 =	smax.u32 s0, $0x1;
	[sflag:s19] =	ssyncadd.s32 $0xFFFFB000  }
0x160: {  	p0 =	sne.s32 s0, $0x1;
	_ =	swait.ge [sflag:s20], $0x5000  }
.Ltmp0:
0x161: {  	[sflag:s20] =	ssyncset.done $0x0;
	(pc) =	sbr.rel @!p0 .LBB2_2-.Ltmp0, $4  }
0x162: {  	[sflag:s20] =	ssyncadd.s32 $0xFFFFB000  }
0x163: {  	_ =	swait.ge [sflag:s14], $0x5000  }
0x164: {  	[sflag:s14] =	ssyncset.done $0x0  }
0x165: {  	s0 =	sadd.s32 $0xFFFFFFFF, s0;
	[sflag:s14] =	ssyncadd.s32 $0xFFFFB000  }
.LBB2_1:
0x166: {  	_ =	swait.ge [sflag:s16], $0x5000  }
0x167: {  	s1 =	sld [smem:$0x7E2]  }
0x168: {  	[sflag:s16] =	ssyncset.done $0x0;
	s21 =	rddreg [dreg:$0x5]  }
0x169: {  	s22 =	rddreg [dreg:$0x4];
	[sflag:s16] =	ssyncadd.s32 $0xFFFFB000  }
0x16a: {  	[spmem:s1], [sflag:s21] =	dma.local [hbm:s22], $0x800  }
0x16b: {  	s1 =	rddreg [dreg:$0x6]  }
0x16c: {  	[tilespmem:s3], [sflag:$0x2] =	stream.linear.gather [hbm4b:s1+s3], $0x300, $0x38;
	[tilespmem:$0x1D300] =	vst v63  }
0x16d: {  	_ =	swait.ge [sflag:s5], $0x800  }
0x16e: {  	[sflag:s5] =	ssyncset.done $0x0  }
0x16f: {  	[sflag:s5] =	ssyncadd.s32 $0xFFFFF800  }
0x170: {  	_ =	swait.ge [sflag:s6], $0x300  }
0x171: {  	[sflag:s6] =	ssyncset.done $0x0  }
0x172: {  	[sflag:s6] =	ssyncadd.s32 $0xFFFFFD00  }
0x173: {  	[bflag:$0x0] =	sbarrier.arrive $0xFFFF  }
0x174: {  	s21 =	sld [smem:$0x7E3]  }
0x175: {  	[tilespmem:s8], [sflag:$0x1] =	stream.indirect.gather [spmem:s2], $0x400, s3, s7, $0xb8;
	[tilespmem:$0x1D300] =	vst v63  }
0x176: {  	s22 =	sld [smem:$0x7E4]  }
0x177: {  	[tilespmem:s9], [sflag:$0x2] =	stream.indirect.gather [spmem:s2], $0x400, s21, s7, $0xb8;
	[tilespmem:$0x1D300] =	vst v63  }
0x178: {  	_ = 	snop  }
0x179: {  	[tilespmem:s10], [sflag:$0x3] =	stream.indirect.gather [spmem:s2], $0x400, s22, s7, $0xb8;
	[tilespmem:$0x1D300] =	vst v63  }
0x17a: {  	_ =	swait.ge [sflag:s5], $0x5000  }
0x17b: {  	[sflag:s5] =	ssyncset.done $0x0  }
0x17c: {  	s22 =	sld [smem:$0x7E5];
	[sflag:s5] =	ssyncadd.s32 $0xFFFFB000  }
0x17d: {  	[hbm4b:s4+s3] =	stream.linear.scatter [tilespmem:s8], [sflag:$0x6], $0x5000, $0x38;
	[tilespmem:$0x1D300] =	vst v63  }
0x17e: {  	_ = 	snop  }
0x17f: {  	[tilespmem:s11], [sflag:$0x4] =	stream.indirect.gather [spmem:s2], $0x400, s22, s7, $0xb8;
	[tilespmem:$0x1D300] =	vst v63  }
0x180: {  	_ =	swait.ge [sflag:s6], $0x5000  }
0x181: {  	s21 =	rddreg [dreg:$0x7];
	[sflag:s6] =	ssyncset.done $0x0  }
0x182: {  	s22 =	sld [smem:$0x7E6];
	[sflag:s6] =	ssyncadd.s32 $0xFFFFB000  }
0x183: {  	[hbm4b:s21+s3] =	stream.linear.scatter [tilespmem:s9], [sflag:$0x7], $0x5000, $0x38;
	[tilespmem:$0x1D300] =	vst v63  }
0x184: {  	_ = 	snop  }
0x185: {  	[tilespmem:s12], [sflag:$0x5] =	stream.indirect.gather [spmem:s2], $0x400, s22, s7, $0xb8;
	[tilespmem:$0x1D300] =	vst v63  }
0x186: {  	_ =	swait.ge [sflag:s13], $0x5000  }
0x187: {  	[sflag:s13] =	ssyncset.done $0x0  }
0x188: {  	s22 =	rddreg [dreg:$0x8];
	[sflag:s13] =	ssyncadd.s32 $0xFFFFB000  }
0x189: {  	[hbm4b:s22+s3] =	stream.linear.scatter [tilespmem:s10], [sflag:$0x8], $0x5000, $0x38;
	[tilespmem:$0x1D300] =	vst v63  }
0x18a: {  	_ =	swait.ge [sflag:s14], $0x5000  }
0x18b: {  	s21 =	sld [smem:$0x7E7]  }
0x18c: {  	[sflag:s14] =	ssyncset.done $0x0  }
0x18d: {  	[sflag:s14] =	ssyncadd.s32 $0xFFFFB000  }
0x18e: {  	[tilespmem:s8], [sflag:$0x1] =	stream.indirect.gather [spmem:s2], $0x400, s21, s7, $0xb8;
	[tilespmem:$0x1D300] =	vst v63  }
0x18f: {  	_ =	swait.ge [sflag:s15], $0x5000  }
0x190: {  	[sflag:s15] =	ssyncset.done $0x0  }
0x191: {  	s22 =	rddreg [dreg:$0x9];
	[sflag:s15] =	ssyncadd.s32 $0xFFFFB000  }
0x192: {  	[hbm4b:s22+s3] =	stream.linear.scatter [tilespmem:s11], [sflag:$0x9], $0x5000, $0x38;
	[tilespmem:$0x1D300] =	vst v63  }
0x193: {  	_ =	swait.ge [sflag:s16], $0x5000  }
0x194: {  	s21 =	sld [smem:$0x7E8]  }
0x195: {  	[sflag:s16] =	ssyncset.done $0x0  }
0x196: {  	[sflag:s16] =	ssyncadd.s32 $0xFFFFB000  }
0x197: {  	[tilespmem:s9], [sflag:$0x2] =	stream.indirect.gather [spmem:s2], $0x400, s21, s7, $0xb8;
	[tilespmem:$0x1D300] =	vst v63  }
0x198: {  	_ =	swait.ge [sflag:s17], $0x5000  }
0x199: {  	[sflag:s17] =	ssyncset.done $0x0  }
0x19a: {  	s22 =	rddreg [dreg:$0xa];
	[sflag:s17] =	ssyncadd.s32 $0xFFFFB000  }
0x19b: {  	[hbm4b:s22+s3] =	stream.linear.scatter [tilespmem:s12], [sflag:$0xA], $0x5000, $0x38;
	[tilespmem:$0x1D300] =	vst v63  }
0x19c: {  	_ =	swait.ge [sflag:s18], $0x5000  }
0x19d: {  	s21 =	sld [smem:$0x7E9]  }
0x19e: {  	[sflag:s18] =	ssyncset.done $0x0  }
0x19f: {  	[sflag:s18] =	ssyncadd.s32 $0xFFFFB000  }
0x1a0: {  	[tilespmem:s10], [sflag:$0x3] =	stream.indirect.gather [spmem:s2], $0x400, s21, s7, $0xb8;
	[tilespmem:$0x1D300] =	vst v63  }
0x1a1: {  	_ =	swait.ge [sflag:s5], $0x5000  }
0x1a2: {  	[sflag:s5] =	ssyncset.done $0x0  }
0x1a3: {  	s22 =	rddreg [dreg:$0xb];
	[sflag:s5] =	ssyncadd.s32 $0xFFFFB000  }
0x1a4: {  	[hbm4b:s22+s3] =	stream.linear.scatter [tilespmem:s8], [sflag:$0x6], $0x5000, $0x38;
	[tilespmem:$0x1D300] =	vst v63  }
0x1a5: {  	_ =	swait.ge [sflag:s19], $0x5000  }
0x1a6: {  	s21 =	sld [smem:$0x7EA]  }
0x1a7: {  	[sflag:s19] =	ssyncset.done $0x0  }
0x1a8: {  	[sflag:s19] =	ssyncadd.s32 $0xFFFFB000  }
0x1a9: {  	[tilespmem:s11], [sflag:$0x4] =	stream.indirect.gather [spmem:s2], $0x400, s21, s7, $0xb8;
	[tilespmem:$0x1D300] =	vst v63  }
0x1aa: {  	_ =	swait.ge [sflag:s6], $0x5000  }
0x1ab: {  	[sflag:s6] =	ssyncset.done $0x0  }
0x1ac: {  	s22 =	rddreg [dreg:$0xc];
	[sflag:s6] =	ssyncadd.s32 $0xFFFFB000  }
0x1ad: {  	[hbm4b:s22+s3] =	stream.linear.scatter [tilespmem:s9], [sflag:$0x7], $0x5000, $0x38;
	[tilespmem:$0x1D300] =	vst v63  }
0x1ae: {  	_ =	swait.ge [sflag:s20], $0x5000  }
0x1af: {  	s21 =	sld [smem:$0x7EB]  }
0x1b0: {  	[sflag:s20] =	ssyncset.done $0x0  }
0x1b1: {  	[sflag:s20] =	ssyncadd.s32 $0xFFFFB000  }
0x1b2: {  	[tilespmem:s12], [sflag:$0x5] =	stream.indirect.gather [spmem:s2], $0x400, s21, s7, $0xb8;
	[tilespmem:$0x1D300] =	vst v63  }
0x1b3: {  	_ =	swait.ge [sflag:s13], $0x5000  }
0x1b4: {  	[sflag:s13] =	ssyncset.done $0x0  }
0x1b5: {  	s22 =	rddreg [dreg:$0xd];
	[sflag:s13] =	ssyncadd.s32 $0xFFFFB000  }
0x1b6: {  	[hbm4b:s22+s3] =	stream.linear.scatter [tilespmem:s10], [sflag:$0x8], $0x5000, $0x38;
	[tilespmem:$0x1D300] =	vst v63  }
0x1b7: {  	_ =	swait.ge [sflag:s14], $0x5000  }
0x1b8: {  	s21 =	sld [smem:$0x7EC]  }
0x1b9: {  	[sflag:s14] =	ssyncset.done $0x0  }
0x1ba: {  	[sflag:s14] =	ssyncadd.s32 $0xFFFFB000  }
0x1bb: {  	[tilespmem:s8], [sflag:$0x1] =	stream.indirect.gather [spmem:s2], $0x400, s21, s7, $0xb8;
	[tilespmem:$0x1D300] =	vst v63  }
0x1bc: {  	_ =	swait.ge [sflag:s15], $0x5000  }
0x1bd: {  	[sflag:s15] =	ssyncset.done $0x0  }
0x1be: {  	s22 =	rddreg [dreg:$0xe];
	[sflag:s15] =	ssyncadd.s32 $0xFFFFB000  }
0x1bf: {  	[hbm4b:s22+s3] =	stream.linear.scatter [tilespmem:s11], [sflag:$0x9], $0x5000, $0x38;
	[tilespmem:$0x1D300] =	vst v63  }
0x1c0: {  	_ =	swait.ge [sflag:s16], $0x5000  }
0x1c1: {  	s21 =	sld [smem:$0x7ED]  }
0x1c2: {  	[sflag:s16] =	ssyncset.done $0x0  }
0x1c3: {  	[sflag:s16] =	ssyncadd.s32 $0xFFFFB000  }
0x1c4: {  	[tilespmem:s9], [sflag:$0x2] =	stream.indirect.gather [spmem:s2], $0x400, s21, s7, $0xb8;
	[tilespmem:$0x1D300] =	vst v63  }
0x1c5: {  	_ =	swait.ge [sflag:s17], $0x5000  }
0x1c6: {  	[sflag:s17] =	ssyncset.done $0x0  }
0x1c7: {  	s22 =	rddreg [dreg:$0xf];
	[sflag:s17] =	ssyncadd.s32 $0xFFFFB000  }
0x1c8: {  	[hbm4b:s22+s3] =	stream.linear.scatter [tilespmem:s12], [sflag:$0xA], $0x5000, $0x38;
	[tilespmem:$0x1D300] =	vst v63  }
0x1c9: {  	_ =	swait.ge [sflag:s18], $0x5000  }
0x1ca: {  	s21 =	sld [smem:$0x7EE]  }
0x1cb: {  	[sflag:s18] =	ssyncset.done $0x0  }
0x1cc: {  	[sflag:s18] =	ssyncadd.s32 $0xFFFFB000  }
0x1cd: {  	[tilespmem:s10], [sflag:$0x3] =	stream.indirect.gather [spmem:s2], $0x400, s21, s7, $0xb8;
	[tilespmem:$0x1D300] =	vst v63  }
0x1ce: {  	_ =	swait.ge [sflag:s5], $0x5000  }
0x1cf: {  	[sflag:s5] =	ssyncset.done $0x0  }
0x1d0: {  	s22 =	rddreg [dreg:$0x10];
	[sflag:s5] =	ssyncadd.s32 $0xFFFFB000  }
0x1d1: {  	[hbm4b:s22+s3] =	stream.linear.scatter [tilespmem:s8], [sflag:$0x6], $0x5000, $0x38;
	[tilespmem:$0x1D300] =	vst v63  }
0x1d2: {  	_ =	swait.ge [sflag:s19], $0x5000  }
0x1d3: {  	s21 =	sld [smem:$0x7EF]  }
0x1d4: {  	[sflag:s19] =	ssyncset.done $0x0  }
0x1d5: {  	[sflag:s19] =	ssyncadd.s32 $0xFFFFB000  }
0x1d6: {  	[tilespmem:s11], [sflag:$0x4] =	stream.indirect.gather [spmem:s2], $0x400, s21, s7, $0xb8;
	[tilespmem:$0x1D300] =	vst v63  }
0x1d7: {  	_ =	swait.ge [sflag:s6], $0x5000  }
0x1d8: {  	[sflag:s6] =	ssyncset.done $0x0  }
0x1d9: {  	s22 =	rddreg [dreg:$0x11];
	[sflag:s6] =	ssyncadd.s32 $0xFFFFB000  }
0x1da: {  	[hbm4b:s22+s3] =	stream.linear.scatter [tilespmem:s9], [sflag:$0x7], $0x5000, $0x38;
	[tilespmem:$0x1D300] =	vst v63  }
0x1db: {  	_ =	swait.ge [sflag:s20], $0x5000  }
0x1dc: {  	s21 =	sld [smem:$0x7F0]  }
0x1dd: {  	[sflag:s20] =	ssyncset.done $0x0  }
0x1de: {  	[sflag:s20] =	ssyncadd.s32 $0xFFFFB000  }
0x1df: {  	[tilespmem:s12], [sflag:$0x5] =	stream.indirect.gather [spmem:s2], $0x400, s21, s7, $0xb8;
	[tilespmem:$0x1D300] =	vst v63  }
0x1e0: {  	_ =	swait.ge [sflag:s13], $0x5000  }
0x1e1: {  	[sflag:s13] =	ssyncset.done $0x0  }
0x1e2: {  	s22 =	rddreg [dreg:$0x12];
	[sflag:s13] =	ssyncadd.s32 $0xFFFFB000  }
0x1e3: {  	[hbm4b:s22+s3] =	stream.linear.scatter [tilespmem:s10], [sflag:$0x8], $0x5000, $0x38;
	[tilespmem:$0x1D300] =	vst v63  }
0x1e4: {  	_ =	swait.ge [sflag:s14], $0x5000  }
0x1e5: {  	s21 =	sld [smem:$0x7F1]  }
0x1e6: {  	[sflag:s14] =	ssyncset.done $0x0  }
0x1e7: {  	[sflag:s14] =	ssyncadd.s32 $0xFFFFB000  }
0x1e8: {  	[tilespmem:s8], [sflag:$0x1] =	stream.indirect.gather [spmem:s2], $0x400, s21, s7, $0xb8;
	[tilespmem:$0x1D300] =	vst v63  }
0x1e9: {  	_ =	swait.ge [sflag:s15], $0x5000  }
0x1ea: {  	[sflag:s15] =	ssyncset.done $0x0  }
0x1eb: {  	s22 =	rddreg [dreg:$0x13];
	[sflag:s15] =	ssyncadd.s32 $0xFFFFB000  }
0x1ec: {  	[hbm4b:s22+s3] =	stream.linear.scatter [tilespmem:s11], [sflag:$0x9], $0x5000, $0x38;
	[tilespmem:$0x1D300] =	vst v63  }
0x1ed: {  	_ =	swait.ge [sflag:s16], $0x5000  }
0x1ee: {  	s21 =	sld [smem:$0x7F2]  }
0x1ef: {  	[sflag:s16] =	ssyncset.done $0x0  }
0x1f0: {  	[sflag:s16] =	ssyncadd.s32 $0xFFFFB000  }
0x1f1: {  	[tilespmem:s9], [sflag:$0x2] =	stream.indirect.gather [spmem:s2], $0x400, s21, s7, $0xb8;
	[tilespmem:$0x1D300] =	vst v63  }
0x1f2: {  	_ =	swait.ge [sflag:s17], $0x5000  }
0x1f3: {  	[sflag:s17] =	ssyncset.done $0x0  }
0x1f4: {  	s22 =	rddreg [dreg:$0x14];
	[sflag:s17] =	ssyncadd.s32 $0xFFFFB000  }
0x1f5: {  	[hbm4b:s22+s3] =	stream.linear.scatter [tilespmem:s12], [sflag:$0xA], $0x5000, $0x38;
	[tilespmem:$0x1D300] =	vst v63  }
0x1f6: {  	_ =	swait.ge [sflag:s18], $0x5000  }
0x1f7: {  	s21 =	sld [smem:$0x7F3]  }
0x1f8: {  	[sflag:s18] =	ssyncset.done $0x0  }
0x1f9: {  	[sflag:s18] =	ssyncadd.s32 $0xFFFFB000  }
0x1fa: {  	[tilespmem:s10], [sflag:$0x3] =	stream.indirect.gather [spmem:s2], $0x400, s21, s7, $0xb8;
	[tilespmem:$0x1D300] =	vst v63  }
0x1fb: {  	_ =	swait.ge [sflag:s5], $0x5000  }
0x1fc: {  	[sflag:s5] =	ssyncset.done $0x0  }
0x1fd: {  	s22 =	rddreg [dreg:$0x15];
	[sflag:s5] =	ssyncadd.s32 $0xFFFFB000  }
0x1fe: {  	[hbm4b:s22+s3] =	stream.linear.scatter [tilespmem:s8], [sflag:$0x6], $0x5000, $0x38;
	[tilespmem:$0x1D300] =	vst v63  }
0x1ff: {  	_ =	swait.ge [sflag:s19], $0x5000  }
0x200: {  	s21 =	sld [smem:$0x7F4]  }
0x201: {  	[sflag:s19] =	ssyncset.done $0x0  }
0x202: {  	[sflag:s19] =	ssyncadd.s32 $0xFFFFB000  }
0x203: {  	[tilespmem:s11], [sflag:$0x4] =	stream.indirect.gather [spmem:s2], $0x400, s21, s7, $0xb8;
	[tilespmem:$0x1D300] =	vst v63  }
0x204: {  	_ =	swait.ge [sflag:s6], $0x5000  }
0x205: {  	[sflag:s6] =	ssyncset.done $0x0  }
0x206: {  	s22 =	rddreg [dreg:$0x16];
	[sflag:s6] =	ssyncadd.s32 $0xFFFFB000  }
0x207: {  	[hbm4b:s22+s3] =	stream.linear.scatter [tilespmem:s9], [sflag:$0x7], $0x5000, $0x38;
	[tilespmem:$0x1D300] =	vst v63  }
0x208: {  	_ =	swait.ge [sflag:s20], $0x5000  }
0x209: {  	s21 =	sld [smem:$0x7F5]  }
0x20a: {  	[sflag:s20] =	ssyncset.done $0x0  }
0x20b: {  	[sflag:s20] =	ssyncadd.s32 $0xFFFFB000  }
0x20c: {  	[tilespmem:s12], [sflag:$0x5] =	stream.indirect.gather [spmem:s2], $0x400, s21, s7, $0xb8;
	[tilespmem:$0x1D300] =	vst v63  }
0x20d: {  	_ =	swait.ge [sflag:s13], $0x5000  }
0x20e: {  	[sflag:s13] =	ssyncset.done $0x0  }
0x20f: {  	s22 =	rddreg [dreg:$0x17];
	[sflag:s13] =	ssyncadd.s32 $0xFFFFB000  }
0x210: {  	[hbm4b:s22+s3] =	stream.linear.scatter [tilespmem:s10], [sflag:$0x8], $0x5000, $0x38;
	[tilespmem:$0x1D300] =	vst v63  }
0x211: {  	_ =	swait.ge [sflag:s14], $0x5000  }
0x212: {  	s21 =	sld [smem:$0x7F6]  }
0x213: {  	[sflag:s14] =	ssyncset.done $0x0  }
0x214: {  	[sflag:s14] =	ssyncadd.s32 $0xFFFFB000  }
0x215: {  	[tilespmem:s8], [sflag:$0x1] =	stream.indirect.gather [spmem:s2], $0x400, s21, s7, $0xb8;
	[tilespmem:$0x1D300] =	vst v63  }
0x216: {  	_ =	swait.ge [sflag:s15], $0x5000  }
0x217: {  	[sflag:s15] =	ssyncset.done $0x0  }
0x218: {  	s22 =	rddreg [dreg:$0x18];
	[sflag:s15] =	ssyncadd.s32 $0xFFFFB000  }
0x219: {  	[hbm4b:s22+s3] =	stream.linear.scatter [tilespmem:s11], [sflag:$0x9], $0x5000, $0x38;
	[tilespmem:$0x1D300] =	vst v63  }
0x21a: {  	_ =	swait.ge [sflag:s16], $0x5000  }
0x21b: {  	s21 =	sld [smem:$0x7F7]  }
0x21c: {  	[sflag:s16] =	ssyncset.done $0x0  }
0x21d: {  	[sflag:s16] =	ssyncadd.s32 $0xFFFFB000  }
0x21e: {  	[tilespmem:s9], [sflag:$0x2] =	stream.indirect.gather [spmem:s2], $0x400, s21, s7, $0xb8;
	[tilespmem:$0x1D300] =	vst v63  }
0x21f: {  	_ =	swait.ge [sflag:s17], $0x5000  }
0x220: {  	[sflag:s17] =	ssyncset.done $0x0  }
0x221: {  	s22 =	rddreg [dreg:$0x19];
	[sflag:s17] =	ssyncadd.s32 $0xFFFFB000  }
0x222: {  	[hbm4b:s22+s3] =	stream.linear.scatter [tilespmem:s12], [sflag:$0xA], $0x5000, $0x38;
	[tilespmem:$0x1D300] =	vst v63  }
0x223: {  	_ =	swait.ge [sflag:s18], $0x5000  }
0x224: {  	[sflag:s18] =	ssyncset.done $0x0  }
0x225: {  	s21 =	simm.s32 $0x210;
	[sflag:s18] =	ssyncadd.s32 $0xFFFFB000  }
0x226: {  	[tilespmem:s10], [sflag:$0x3] =	stream.indirect.gather [spmem:s2], $0x400, s21, s7, $0xb8;
	[tilespmem:$0x1D300] =	vst v63  }
0x227: {  	_ =	swait.ge [sflag:s5], $0x5000  }
0x228: {  	[sflag:s5] =	ssyncset.done $0x0  }
0x229: {  	s22 =	rddreg [dreg:$0x1a];
	[sflag:s5] =	ssyncadd.s32 $0xFFFFB000  }
0x22a: {  	[hbm4b:s22+s3] =	stream.linear.scatter [tilespmem:s8], [sflag:$0x6], $0x5000, $0x38;
	[tilespmem:$0x1D300] =	vst v63  }
0x22b: {  	_ =	swait.ge [sflag:s19], $0x5000  }
0x22c: {  	[sflag:s19] =	ssyncset.done $0x0  }
0x22d: {  	s21 =	simm.s32 $0x228;
	[sflag:s19] =	ssyncadd.s32 $0xFFFFB000  }
0x22e: {  	[tilespmem:s11], [sflag:$0x4] =	stream.indirect.gather [spmem:s2], $0x400, s21, s7, $0xb8;
	[tilespmem:$0x1D300] =	vst v63  }
0x22f: {  	_ =	swait.ge [sflag:s6], $0x5000  }
0x230: {  	[sflag:s6] =	ssyncset.done $0x0  }
0x231: {  	s22 =	rddreg [dreg:$0x1b];
	[sflag:s6] =	ssyncadd.s32 $0xFFFFB000  }
0x232: {  	[hbm4b:s22+s3] =	stream.linear.scatter [tilespmem:s9], [sflag:$0x7], $0x5000, $0x38;
	[tilespmem:$0x1D300] =	vst v63  }
0x233: {  	_ =	swait.ge [sflag:s20], $0x5000  }
0x234: {  	[sflag:s20] =	ssyncset.done $0x0  }
0x235: {  	[sflag:s20] =	ssyncadd.s32 $0xFFFFB000  }
0x236: {  	[tilespmem:s12], [sflag:$0x5] =	stream.indirect.gather [spmem:s2], $0x400, s23, s7, $0xb8;
	[tilespmem:$0x1D300] =	vst v63  }
0x237: {  	_ =	swait.ge [sflag:s13], $0x5000  }
0x238: {  	[sflag:s13] =	ssyncset.done $0x0  }
0x239: {  	s21 =	rddreg [dreg:$0x1c];
	[sflag:s13] =	ssyncadd.s32 $0xFFFFB000  }
0x23a: {  	[hbm4b:s21+s3] =	stream.linear.scatter [tilespmem:s10], [sflag:$0x8], $0x5000, $0x38;
	[tilespmem:$0x1D300] =	vst v63  }
0x23b: {  	_ =	swait.ge [sflag:s14], $0x5000  }
0x23c: {  	[sflag:s14] =	ssyncset.done $0x0  }
0x23d: {  	[sflag:s14] =	ssyncadd.s32 $0xFFFFB000  }
0x23e: {  	[tilespmem:s8], [sflag:$0x1] =	stream.indirect.gather [spmem:s2], $0x400, s24, s7, $0xb8;
	[tilespmem:$0x1D300] =	vst v63  }
0x23f: {  	_ =	swait.ge [sflag:s15], $0x5000  }
0x240: {  	[sflag:s15] =	ssyncset.done $0x0  }
0x241: {  	s22 =	rddreg [dreg:$0x1d];
	[sflag:s15] =	ssyncadd.s32 $0xFFFFB000  }
0x242: {  	[hbm4b:s22+s3] =	stream.linear.scatter [tilespmem:s11], [sflag:$0x9], $0x5000, $0x38;
	[tilespmem:$0x1D300] =	vst v63  }
0x243: {  	_ =	swait.ge [sflag:s16], $0x5000  }
0x244: {  	[sflag:s16] =	ssyncset.done $0x0  }
0x245: {  	[sflag:s16] =	ssyncadd.s32 $0xFFFFB000  }
0x246: {  	[tilespmem:s9], [sflag:$0x2] =	stream.indirect.gather [spmem:s2], $0x400, s25, s7, $0xb8;
	[tilespmem:$0x1D300] =	vst v63  }
0x247: {  	_ =	swait.ge [sflag:s17], $0x5000  }
0x248: {  	[sflag:s17] =	ssyncset.done $0x0  }
0x249: {  	s21 =	rddreg [dreg:$0x1e];
	[sflag:s17] =	ssyncadd.s32 $0xFFFFB000  }
0x24a: {  	[hbm4b:s21+s3] =	stream.linear.scatter [tilespmem:s12], [sflag:$0xA], $0x5000, $0x38;
	[tilespmem:$0x1D300] =	vst v63  }
0x24b: {  	_ =	swait.ge [sflag:s18], $0x5000  }
0x24c: {  	[sflag:s18] =	ssyncset.done $0x0  }
0x24d: {  	[sflag:s18] =	ssyncadd.s32 $0xFFFFB000  }
0x24e: {  	[tilespmem:s10], [sflag:$0x3] =	stream.indirect.gather [spmem:s2], $0x400, s26, s7, $0xb8;
	[tilespmem:$0x1D300] =	vst v63  }
0x24f: {  	_ =	swait.ge [sflag:s5], $0x5000  }
0x250: {  	[sflag:s5] =	ssyncset.done $0x0  }
0x251: {  	s22 =	rddreg [dreg:$0x1f];
	[sflag:s5] =	ssyncadd.s32 $0xFFFFB000  }
0x252: {  	[hbm4b:s22+s3] =	stream.linear.scatter [tilespmem:s8], [sflag:$0x6], $0x5000, $0x38;
	[tilespmem:$0x1D300] =	vst v63  }
0x253: {  	_ =	swait.ge [sflag:s19], $0x5000  }
0x254: {  	[sflag:s19] =	ssyncset.done $0x0  }
0x255: {  	[sflag:s19] =	ssyncadd.s32 $0xFFFFB000  }
0x256: {  	[tilespmem:s11], [sflag:$0x4] =	stream.indirect.gather [spmem:s2], $0x400, s28, s7, $0xb8;
	[tilespmem:$0x1D300] =	vst v63  }
0x257: {  	_ =	swait.ge [sflag:s6], $0x5000  }
0x258: {  	s21 =	sld [smem:$0x7F8]  }
0x259: {  	[sflag:s6] =	ssyncset.done $0x0  }
0x25a: {  	[sflag:s6] =	ssyncadd.s32 $0xFFFFB000  }
0x25b: {  	[hbm4b:s21+s3] =	stream.linear.scatter [tilespmem:s9], [sflag:$0x7], $0x5000, $0x38;
	[tilespmem:$0x1D300] =	vst v63  }
0x25c: {  	_ =	swait.ge [sflag:s20], $0x5000  }
0x25d: {  	[sflag:s20] =	ssyncset.done $0x0  }
0x25e: {  	[sflag:s20] =	ssyncadd.s32 $0xFFFFB000  }
0x25f: {  	[tilespmem:s12], [sflag:$0x5] =	stream.indirect.gather [spmem:s2], $0x400, s29, s7, $0xb8;
	[tilespmem:$0x1D300] =	vst v63  }
0x260: {  	_ =	swait.ge [sflag:s13], $0x5000  }
0x261: {  	s22 =	sld [smem:$0x7F9]  }
0x262: {  	[sflag:s13] =	ssyncset.done $0x0  }
0x263: {  	[sflag:s13] =	ssyncadd.s32 $0xFFFFB000  }
0x264: {  	[hbm4b:s22+s3] =	stream.linear.scatter [tilespmem:s10], [sflag:$0x8], $0x5000, $0x38;
	[tilespmem:$0x1D300] =	vst v63  }
0x265: {  	_ =	swait.ge [sflag:s14], $0x5000  }
0x266: {  	[sflag:s14] =	ssyncset.done $0x0  }
0x267: {  	[sflag:s14] =	ssyncadd.s32 $0xFFFFB000  }
0x268: {  	[tilespmem:s8], [sflag:$0x1] =	stream.indirect.gather [spmem:s2], $0x400, s30, s7, $0xb8;
	[tilespmem:$0x1D300] =	vst v63  }
0x269: {  	_ =	swait.ge [sflag:s15], $0x5000  }
0x26a: {  	s21 =	sld [smem:$0x7FA]  }
0x26b: {  	[sflag:s15] =	ssyncset.done $0x0  }
0x26c: {  	[sflag:s15] =	ssyncadd.s32 $0xFFFFB000  }
0x26d: {  	[hbm4b:s21+s3] =	stream.linear.scatter [tilespmem:s11], [sflag:$0x9], $0x5000, $0x38;
	[tilespmem:$0x1D300] =	vst v63  }
0x26e: {  	_ =	swait.ge [sflag:s16], $0x5000  }
0x26f: {  	[sflag:s16] =	ssyncset.done $0x0  }
0x270: {  	[sflag:s16] =	ssyncadd.s32 $0xFFFFB000  }
0x271: {  	[tilespmem:s9], [sflag:$0x2] =	stream.indirect.gather [spmem:s2], $0x400, s31, s7, $0xb8;
	[tilespmem:$0x1D300] =	vst v63  }
0x272: {  	_ =	swait.ge [sflag:s17], $0x5000  }
0x273: {  	s22 =	sld [smem:$0x7FB]  }
0x274: {  	[sflag:s17] =	ssyncset.done $0x0  }
0x275: {  	[sflag:s17] =	ssyncadd.s32 $0xFFFFB000  }
0x276: {  	[hbm4b:s22+s3] =	stream.linear.scatter [tilespmem:s12], [sflag:$0xA], $0x5000, $0x38;
	[tilespmem:$0x1D300] =	vst v63  }
0x277: {  	_ =	swait.ge [sflag:s5], $0x5000  }
0x278: {  	s21 =	sld [smem:$0x7FC]  }
0x279: {  	[sflag:s5] =	ssyncset.done $0x0  }
0x27a: {  	[sflag:s5] =	ssyncadd.s32 $0xFFFFB000  }
0x27b: {  	[hbm4b:s21+s3] =	stream.linear.scatter [tilespmem:s8], [sflag:$0x6], $0x5000, $0x38;
	[tilespmem:$0x1D300] =	vst v63  }
0x27c: {  	_ =	swait.ge [sflag:s6], $0x5000  }
0x27d: {  	s22 =	sld [smem:$0x7FD]  }
0x27e: {  	[sflag:s6] =	ssyncset.done $0x0  }
0x27f: {  	[sflag:s6] =	ssyncadd.s32 $0xFFFFB000  }
0x280: {  	[hbm4b:s22+s3] =	stream.linear.scatter [tilespmem:s9], [sflag:$0x7], $0x5000, $0x38;
	[tilespmem:$0x1D300] =	vst v63  }
0x281: {  	_ =	swait.ge [sflag:s18], $0x5000  }
0x282: {  	[sflag:s18] =	ssyncset.done $0x0  }
0x283: {  	[sflag:s18] =	ssyncadd.s32 $0xFFFFB000  }
0x284: {  	_ =	swait.ge [sflag:s19], $0x5000  }
0x285: {  	[sflag:s19] =	ssyncset.done $0x0  }
0x286: {  	[sflag:s19] =	ssyncadd.s32 $0xFFFFB000  }
0x287: {  	p0 =	sne.s32 s0, $0x1;
	_ =	swait.ge [sflag:s20], $0x5000  }
.Ltmp1:
0x288: {  	[sflag:s20] =	ssyncset.done $0x0;
	(pc) =	sbr.rel @p0 .LBB2_1-.Ltmp1, $4  }
0x289: {  	[sflag:s20] =	ssyncadd.s32 $0xFFFFB000  }
0x28a: {  	_ =	swait.ge [sflag:s14], $0x5000  }
0x28b: {  	[sflag:s14] =	ssyncset.done $0x0  }
0x28c: {  	s0 =	sadd.s32 $0xFFFFFFFF, s0;
	[sflag:s14] =	ssyncadd.s32 $0xFFFFB000  }
.LBB2_2:
0x28d: {  	_ =	swait.ge [sflag:s16], $0x5000  }
0x28e: {  	[sflag:s16] =	ssyncset.done $0x0  }
0x28f: {  	[sflag:s16] =	ssyncadd.s32 $0xFFFFB000  }
0x290: {  	_ =	sfence.sel $0x180000  }
0x291: {  	[bflag:$0x0] =	sbarrier.arrive $0xFFFF  }
0x292: {  	_ =	strace $0x90000047  }
0x293: {  	s0 =	stileid.u32;
	[bflag:$0x2] =	sbarrier.arrive $0xFFFF  }
0x294: {  	p0 =	sne.s32 s0, $0x0;
	s0 =	rddreg [dreg:$0x3]  }
0x295: {  	s0 =	sadd.s32 @!p0 $0x100000, s0  }
0x296: {  	[sflag:s0] =	ssyncadd.tile.s32 @!p0 $0x1;
	_ =	shalt  }
.Lfunc_end2:
_tile_overlayer_lowered:
.L_overlay_start_2:
0x297: {  	(tag) =	ssettag $0x2  }
0x298: {  	s0 =	rddreg [dreg:$0x0];
	s2 =	stileid.u32  }
0x299: {  	s1 =	rddreg [dreg:$0x1];
	p0 =	sne.s32 s2, $0x0  }
0x29a: {  	s3 =	rddreg [dreg:$0x2];
	[bflag:$0x3] =	sbarrier.arrive $0xFFFF;
	s2 =	simm.s32 @!p0 $0x1C0B  }
0x29b: {  	[timem:s3], [sflag:s2] =	dma.local @!p0 [hbm:s0], s1  }
0x29c: {  	s0 =	simm.s32 @!p0 $0xB  }
0x29d: {  	_ =	swait.ge @!p0 [sflag:s0], s1  }
0x29e: {  	s1 =	ssub.s32 @!p0 $0x0, s1;
	[sflag:s0] =	ssyncset.done @!p0 $0x0  }
0x29f: {  	[sflag:s0] =	ssyncadd.s32 @!p0 s1  }
0x2a0: {  	[bflag:$0x3] =	sbarrier.arrive $0xFFFF  }
0x2a1: {  	_ =	shalt  }

</sc_bundles>
